<compile_context>
chip_gen: v7x
topology: tpu7x:2x2x1
jax: 0.10.2.dev20260603
libtpu: 0.0.44.dev20260713+nightly
codegen_flags: <defaults>
</compile_context>

<pallas_src>
import functools

import jax
import jax.numpy as jnp
import numpy as np
from jax import lax
from jax.experimental import pallas as pl
from jax.experimental.pallas import tpu as pltpu
from jax.experimental.pallas import tpu_sc as plsc

_TEMPERATURE = 1.0
_BIAS = 0.0001
_L = 16


@functools.lru_cache(maxsize=None)
def _gate_noise(e):
    with jax.ensure_compile_time_eval(), jax.default_device(jax.devices("cpu")[0]):
        u = jax.random.uniform(jax.random.key(1), (e,), dtype=jnp.float32)
        eps = (_BIAS - (1.0 - _BIAS)) * u + (1.0 - _BIAS)
        g = (jnp.log(eps) - jnp.log(1.0 - eps)) / _TEMPERATURE
        return np.asarray(jax.block_until_ready(g))


def _tc_body(emb_ref, w1_ref, b1_ref, we_ref, be_ref, p_ref):
    h_dim = w1_ref.shape[1]
    x = jnp.dot(emb_ref[...], w1_ref[...], preferred_element_type=jnp.float32)
    h = jnp.maximum(x + b1_ref[...], 0.0)
    c = (we_ref[:h_dim, :] + we_ref[h_dim:, :]) * 0.5
    p_ref[...] = jnp.dot(h, c, preferred_element_type=jnp.float32) + 0.5 * be_ref[0, 0]


def _make_sc_kernel(n_nodes, n_edges, nw, unroll):
    blocks = n_edges // 128
    nb_main = -(-blocks // nw)
    nb_last = blocks - (nw - 1) * nb_main
    epw_max = nb_main * 128
    mesh = plsc.VectorSubcoreMesh(core_axis_name="c", subcore_axis_name="s")

    @functools.partial(
        pl.kernel,
        mesh=mesh,
        out_type=jax.ShapeDtypeStruct((n_edges,), jnp.float32),
        compiler_params=pltpu.CompilerParams(needs_layout_passes=False),
        scratch_types=[
            pltpu.VMEM((n_nodes,), jnp.float32),
            pltpu.VMEM((2, epw_max), jnp.int32),
            pltpu.VMEM((epw_max,), jnp.float32),
            pltpu.VMEM((epw_max,), jnp.float32),
            pltpu.SemaphoreType.DMA,
        ],
    )
    def sc_edge_gate(p_hbm, edges_hbm, g_hbm, out_hbm,
                     p_v, ed_v, g_v, o_v, sem):
        wid = lax.axis_index("s") * 2 + lax.axis_index("c")
        h_p = pltpu.async_copy(p_hbm, p_v, sem)

        def run(bstart, nb):
            es = bstart * 128
            esz = nb * 128
            h_e = pltpu.async_copy(edges_hbm.at[:, pl.ds(es, esz)],
                                   ed_v.at[:, pl.ds(0, esz)], sem)
            h_g = pltpu.async_copy(g_hbm.at[pl.ds(es, esz)],
                                   g_v.at[pl.ds(0, esz)], sem)
            h_p.wait()
            h_e.wait()
            h_g.wait()

            @plsc.parallel_loop(0, nb, unroll=unroll)
            def _(b):
                for k in range(8):
                    sl = pl.ds(b * 128 + k * _L, _L)
                    vs = plsc.load_gather(p_v, [ed_v[0, sl]])
                    vd = plsc.load_gather(p_v, [ed_v[1, sl]])
                    x = vs + vd + g_v[sl]
                    o_v[sl] = 1.0 / (1.0 + jnp.exp(-x))

            pltpu.sync_copy(o_v.at[pl.ds(0, esz)],
                            out_hbm.at[pl.ds(es, esz)])

        @pl.when(wid < nw - 1)
        def _():
            run(jnp.minimum(wid, nw - 2) * nb_main, nb_main)

        @pl.when(wid == nw - 1)
        def _():
            run((nw - 1) * nb_main, nb_last)

    return sc_edge_gate


def kernel(embedding, edges, W1, b1, We, be):
    n, d = embedding.shape
    h_dim = W1.shape[1]
    e = edges.shape[1]

    sc_call = _make_sc_kernel(n, e, 32, unroll=2)
    g = jnp.asarray(_gate_noise(e))

    bn = 2000
    p2d = pl.pallas_call(
        _tc_body,
        grid=(n // bn,),
        in_specs=[
            pl.BlockSpec((bn, d), lambda i: (i, 0)),
            pl.BlockSpec((d, h_dim), lambda i: (0, 0)),
            pl.BlockSpec((1, h_dim), lambda i: (0, 0)),
            pl.BlockSpec((2 * h_dim, 1), lambda i: (0, 0)),
            pl.BlockSpec((1, 1), lambda i: (0, 0)),
        ],
        out_specs=pl.BlockSpec((bn, 1), lambda i: (i, 0)),
        out_shape=jax.ShapeDtypeStruct((n, 1), jnp.float32),
        compiler_params=pltpu.CompilerParams(vmem_limit_bytes=4 * 1024 * 1024),
    )(embedding, W1, b1.reshape(1, h_dim), We, be.reshape(1, 1))

    p = p2d.reshape(n)
    return sc_call(p, edges, g)

# --- scband reference (transcript-rebuilt; emitter-appended) ---
"""Pipeline reference for scband-discriminator-74156905332812 (READ-ONLY COPY).

The authoritative reference and input builder live on the scoring server;
editing this copy changes nothing except your own understanding.
"""

import jax, jax.numpy as jnp
import numpy as np

N, D, H, E = 10000, 128, 128, 320000
TEMPERATURE = 1.0
BIAS = 0.0001


def setup_inputs(seed: int = 0) -> dict:
    key = jax.random.key(seed)
    k1, k2, k3, k4 = jax.random.split(key, 4)
    embedding = jax.random.normal(k1, (N, D), dtype=jnp.float32)
    edges = jax.random.randint(k2, (2, E), 0, N, dtype=jnp.int32)
    W1 = jax.random.normal(k3, (D, H), dtype=jnp.float32) * 0.05
    b1 = jnp.zeros((H,), dtype=jnp.float32)
    We = jax.random.normal(k4, (2 * H, 1), dtype=jnp.float32) * 0.05
    be = jnp.zeros((1,), dtype=jnp.float32)
    return {"embedding": embedding, "edges": edges, "W1": W1, "b1": b1, "We": We, "be": be}


def reference(embedding, edges, W1, b1, We, be):
    # get_node_embedding: single Linear + ReLU
    h = jax.nn.relu(embedding @ W1 + b1)
    # get_edge_weight: gather endpoints, concat, edge MLP, symmetrize
    h_src = jnp.take(h, edges[0], axis=0)
    h_dst = jnp.take(h, edges[1], axis=0)
    s1 = (jnp.concatenate([h_src, h_dst], axis=1) @ We + be).flatten()
    s2 = (jnp.concatenate([h_dst, h_src], axis=1) @ We + be).flatten()
    edges_weights_raw = (s1 + s2) / 2.0
    # gumbel_sampling (fixed key for determinism; torch.rand is non-differentiable noise)
    u = jax.random.uniform(jax.random.key(1), edges_weights_raw.shape, dtype=jnp.float32)
    eps = (BIAS - (1.0 - BIAS)) * u + (1.0 - BIAS)
    gate_inputs = jnp.log(eps) - jnp.log(1.0 - eps)
    gate_inputs = (gate_inputs + edges_weights_raw) / TEMPERATURE
    weights = jax.nn.sigmoid(gate_inputs).squeeze()
    return weights

if __name__ == "__main__":
    import jax
    _d = setup_inputs()
    print(jax.jit(kernel)(*tuple(_d.values())))

</pallas_src>

<mosaic_0001>
#map = affine_map<(d0, d1) -> (0)>
#map1 = affine_map<(d0, d1) -> (0, 0)>
module attributes {stable_mosaic.version = 14 : i64} {
  func.func @sc_edge_gate(%arg0: i32, %arg1: i32, %arg2: memref<10000xf32, #tpu.memory_space<hbm>>, %arg3: memref<2x320000xi32, #tpu.memory_space<hbm>>, %arg4: memref<320000xf32, #tpu.memory_space<hbm>>, %arg5: memref<320000xf32, #tpu.memory_space<hbm>>, %arg6: memref<10000xf32, #tpu.memory_space<vmem>>, %arg7: memref<2x10112xi32, #tpu.memory_space<vmem>>, %arg8: memref<10112xf32, #tpu.memory_space<vmem>>, %arg9: memref<10112xf32, #tpu.memory_space<vmem>>, %arg10: memref<!tpu.dma_semaphore, #tpu.memory_space<semaphore_mem>>) attributes {dimension_semantics = [#tpu.dimension_semantics<core_parallel>, #tpu.dimension_semantics<subcore_parallel>], iteration_bounds = array<i64: 2, 16>, scalar_prefetch = 0 : i64, scratch_operands = 5 : i64, tpu.core_type = #tpu.core_type<sc_vector_subcore>, window_params = [{transform_indices = #map}, {transform_indices = #map1}, {transform_indices = #map}, {transform_indices = #map}]} {
    %mul3A = arith.constant 2 : i32
    %mul3A_0 = arith.muli %arg1, %mul3A : i32
    %add3A = arith.addi %mul3A_0, %arg0 : i32
    tpu.enqueue_dma source(%arg2 : memref<10000xf32, #tpu.memory_space<hbm>>) target(%arg6 : memref<10000xf32, #tpu.memory_space<vmem>>) target_semaphore(%arg10 : memref<!tpu.dma_semaphore, #tpu.memory_space<semaphore_mem>>)
    %lt3A = arith.constant 31 : i32
    %lt3A_1 = arith.cmpi slt, %add3A, %lt3A : i32
    %convert_element_type3A = arith.extui %lt3A_1 : i1 to i32
    %cond3A = arith.constant 0 : i32
    %cond3A_2 = arith.cmpi ne, %convert_element_type3A, %cond3A : i32
    scf.if %cond3A_2 {
      %min3A = arith.constant 30 : i32
      %min3A_7 = arith.minsi %add3A, %min3A : i32
      %mul3A_8 = arith.constant 79 : i32
      %mul3A_9 = arith.muli %min3A_7, %mul3A_8 : i32
      %mul3A_10 = arith.constant 128 : i32
      %mul3A_11 = arith.muli %mul3A_9, %mul3A_10 : i32
      %dma_start3A = arith.constant 0 : i32
      %dma_start3A_12 = arith.constant 0 : i32
      %dma_start3A_13 = tpu.memref_slice %arg7[%dma_start3A, %dma_start3A_12] : memref<2x10112xi32, #tpu.memory_space<vmem>> -> memref<2x10112xi32, #tpu.memory_space<vmem>>
      %dma_start3A_14 = arith.constant 0 : i32
      %dma_start3A_15 = tpu.memref_slice %arg3[%dma_start3A_14, %mul3A_11] : memref<2x320000xi32, #tpu.memory_space<hbm>> -> memref<2x10112xi32, #tpu.memory_space<hbm>>
      %dma_start3A_16 = arith.constant 0 : i32
      %dma_start3A_17 = arith.constant 0 : i32
      %dma_start3A_18 = tpu.memref_slice %arg7[%dma_start3A_16, %dma_start3A_17] : memref<2x10112xi32, #tpu.memory_space<vmem>> -> memref<2x10112xi32, #tpu.memory_space<vmem>>
      %dma_start3A_19 = arith.constant 0 : i32
      %dma_start3A_20 = tpu.memref_slice %arg3[%dma_start3A_19, %mul3A_11] : memref<2x320000xi32, #tpu.memory_space<hbm>> -> memref<2x10112xi32, #tpu.memory_space<hbm>>
      tpu.enqueue_dma source(%dma_start3A_20 : memref<2x10112xi32, #tpu.memory_space<hbm>>) target(%dma_start3A_18 : memref<2x10112xi32, #tpu.memory_space<vmem>>) target_semaphore(%arg10 : memref<!tpu.dma_semaphore, #tpu.memory_space<semaphore_mem>>)
      %dma_start3A_21 = arith.constant 0 : i32
      %dma_start3A_22 = tpu.memref_slice %arg8[%dma_start3A_21] : memref<10112xf32, #tpu.memory_space<vmem>> -> memref<10112xf32, #tpu.memory_space<vmem>>
      %dma_start3A_23 = tpu.memref_slice %arg4[%mul3A_11] : memref<320000xf32, #tpu.memory_space<hbm>> -> memref<10112xf32, #tpu.memory_space<hbm>>
      %dma_start3A_24 = arith.constant 0 : i32
      %dma_start3A_25 = tpu.memref_slice %arg8[%dma_start3A_24] : memref<10112xf32, #tpu.memory_space<vmem>> -> memref<10112xf32, #tpu.memory_space<vmem>>
      %dma_start3A_26 = tpu.memref_slice %arg4[%mul3A_11] : memref<320000xf32, #tpu.memory_space<hbm>> -> memref<10112xf32, #tpu.memory_space<hbm>>
      tpu.enqueue_dma source(%dma_start3A_26 : memref<10112xf32, #tpu.memory_space<hbm>>) target(%dma_start3A_25 : memref<10112xf32, #tpu.memory_space<vmem>>) target_semaphore(%arg10 : memref<!tpu.dma_semaphore, #tpu.memory_space<semaphore_mem>>)
      tpu.wait_dma2 semaphore(%arg10 : memref<!tpu.dma_semaphore, #tpu.memory_space<semaphore_mem>>) src(%arg2 : memref<10000xf32, #tpu.memory_space<hbm>>) dst(%arg6 : memref<10000xf32, #tpu.memory_space<vmem>>)
      %dma_wait3A = arith.constant 0 : i32
      %dma_wait3A_27 = arith.constant 0 : i32
      %dma_wait3A_28 = tpu.memref_slice %arg7[%dma_wait3A, %dma_wait3A_27] : memref<2x10112xi32, #tpu.memory_space<vmem>> -> memref<2x10112xi32, #tpu.memory_space<vmem>>
      %dma_wait3A_29 = arith.constant 0 : i32
      %dma_wait3A_30 = tpu.memref_slice %arg3[%dma_wait3A_29, %mul3A_11] : memref<2x320000xi32, #tpu.memory_space<hbm>> -> memref<2x10112xi32, #tpu.memory_space<hbm>>
      %dma_wait3A_31 = arith.constant 0 : i32
      %dma_wait3A_32 = arith.constant 0 : i32
      %dma_wait3A_33 = tpu.memref_slice %arg7[%dma_wait3A_31, %dma_wait3A_32] : memref<2x10112xi32, #tpu.memory_space<vmem>> -> memref<2x10112xi32, #tpu.memory_space<vmem>>
      %dma_wait3A_34 = arith.constant 0 : i32
      %dma_wait3A_35 = tpu.memref_slice %arg3[%dma_wait3A_34, %mul3A_11] : memref<2x320000xi32, #tpu.memory_space<hbm>> -> memref<2x10112xi32, #tpu.memory_space<hbm>>
      tpu.wait_dma2 semaphore(%arg10 : memref<!tpu.dma_semaphore, #tpu.memory_space<semaphore_mem>>) src(%dma_wait3A_35 : memref<2x10112xi32, #tpu.memory_space<hbm>>) dst(%dma_wait3A_33 : memref<2x10112xi32, #tpu.memory_space<vmem>>)
      %dma_wait3A_36 = arith.constant 0 : i32
      %dma_wait3A_37 = tpu.memref_slice %arg8[%dma_wait3A_36] : memref<10112xf32, #tpu.memory_space<vmem>> -> memref<10112xf32, #tpu.memory_space<vmem>>
      %dma_wait3A_38 = tpu.memref_slice %arg4[%mul3A_11] : memref<320000xf32, #tpu.memory_space<hbm>> -> memref<10112xf32, #tpu.memory_space<hbm>>
      %dma_wait3A_39 = arith.constant 0 : i32
      %dma_wait3A_40 = tpu.memref_slice %arg8[%dma_wait3A_39] : memref<10112xf32, #tpu.memory_space<vmem>> -> memref<10112xf32, #tpu.memory_space<vmem>>
      %dma_wait3A_41 = tpu.memref_slice %arg4[%mul3A_11] : memref<320000xf32, #tpu.memory_space<hbm>> -> memref<10112xf32, #tpu.memory_space<hbm>>
      tpu.wait_dma2 semaphore(%arg10 : memref<!tpu.dma_semaphore, #tpu.memory_space<semaphore_mem>>) src(%dma_wait3A_41 : memref<10112xf32, #tpu.memory_space<hbm>>) dst(%dma_wait3A_40 : memref<10112xf32, #tpu.memory_space<vmem>>)
      %parallel_loop3A = arith.constant 0 : i32
      %parallel_loop3A_42 = arith.constant 79 : i32
      %parallel_loop3A_43 = arith.constant 1 : i32
      scf.for %parallel_loop3A_44 = %parallel_loop3A to %parallel_loop3A_42 step %parallel_loop3A_43  : i32 {
        %parallel_loop3A_45 = arith.constant 128 : i32
        %parallel_loop3A_46 = arith.muli %parallel_loop3A_44, %parallel_loop3A_45 : i32
        %parallel_loop3A_47 = arith.constant 0 : i32
        %parallel_loop3A_48 = arith.addi %parallel_loop3A_46, %parallel_loop3A_47 : i32
        %parallel_loop3A_49 = arith.constant 0 : i32
        %parallel_loop3A_50 = arith.index_cast %parallel_loop3A_49 : i32 to index
        %parallel_loop3A_51 = arith.index_cast %parallel_loop3A_48 : i32 to index
        %parallel_loop3A_52 = tpu.vector_load %arg7[%parallel_loop3A_50, %parallel_loop3A_51] {strides = array<i32>} : memref<2x10112xi32, #tpu.memory_space<vmem>>, vector<16xi32>,
        %parallel_loop3A_53 = tpu.vector_load_idx %arg6[%parallel_loop3A_52] : memref<10000xf32, #tpu.memory_space<vmem>>[vector<16xi32>], vector<16xf32>,
        %parallel_loop3A_54 = arith.constant 1 : i32
        %parallel_loop3A_55 = arith.index_cast %parallel_loop3A_54 : i32 to index
        %parallel_loop3A_56 = arith.index_cast %parallel_loop3A_48 : i32 to index
        %parallel_loop3A_57 = tpu.vector_load %arg7[%parallel_loop3A_55, %parallel_loop3A_56] {strides = array<i32>} : memref<2x10112xi32, #tpu.memory_space<vmem>>, vector<16xi32>,
        %parallel_loop3A_58 = tpu.vector_load_idx %arg6[%parallel_loop3A_57] : memref<10000xf32, #tpu.memory_space<vmem>>[vector<16xi32>], vector<16xf32>,
        %parallel_loop3A_59 = arith.addf %parallel_loop3A_53, %parallel_loop3A_58 : vector<16xf32>
        %parallel_loop3A_60 = arith.index_cast %parallel_loop3A_48 : i32 to index
        %parallel_loop3A_61 = tpu.vector_load %arg8[%parallel_loop3A_60] {strides = array<i32>} : memref<10112xf32, #tpu.memory_space<vmem>>, vector<16xf32>,
        %parallel_loop3A_62 = arith.addf %parallel_loop3A_59, %parallel_loop3A_61 : vector<16xf32>
        %parallel_loop3A_63 = arith.constant 0.000000e+00 : f32
        %parallel_loop3A_64 = vector.broadcast %parallel_loop3A_63 : f32 to vector<16xf32>
        %parallel_loop3A_65 = arith.subf %parallel_loop3A_64, %parallel_loop3A_62 : vector<16xf32>
        %parallel_loop3A_66 = math.exp %parallel_loop3A_65 : vector<16xf32>
        %parallel_loop3A_67 = arith.constant 1.000000e+00 : f32
        %parallel_loop3A_68 = vector.broadcast %parallel_loop3A_67 : f32 to vector<16xf32>
        %parallel_loop3A_69 = arith.addf %parallel_loop3A_68, %parallel_loop3A_66 : vector<16xf32>
        %parallel_loop3A_70 = arith.constant 1.000000e+00 : f32
        %parallel_loop3A_71 = vector.broadcast %parallel_loop3A_70 : f32 to vector<16xf32>
        %parallel_loop3A_72 = arith.divf %parallel_loop3A_71, %parallel_loop3A_69 : vector<16xf32>
        %parallel_loop3A_73 = arith.index_cast %parallel_loop3A_48 : i32 to index
        %parallel_loop3A_74 = tpu.vector_load %arg9[%parallel_loop3A_73] {strides = array<i32>} : memref<10112xf32, #tpu.memory_space<vmem>>, vector<16xf32>,
        tpu.vector_store %arg9[%parallel_loop3A_73], %parallel_loop3A_72 {strides = array<i32>} : memref<10112xf32, #tpu.memory_space<vmem>>, vector<16xf32>,
        %parallel_loop3A_75 = arith.constant 128 : i32
        %parallel_loop3A_76 = arith.muli %parallel_loop3A_44, %parallel_loop3A_75 : i32
        %parallel_loop3A_77 = arith.constant 16 : i32
        %parallel_loop3A_78 = arith.addi %parallel_loop3A_76, %parallel_loop3A_77 : i32
        %parallel_loop3A_79 = arith.constant 0 : i32
        %parallel_loop3A_80 = arith.index_cast %parallel_loop3A_79 : i32 to index
        %parallel_loop3A_81 = arith.index_cast %parallel_loop3A_78 : i32 to index
        %parallel_loop3A_82 = tpu.vector_load %arg7[%parallel_loop3A_80, %parallel_loop3A_81] {strides = array<i32>} : memref<2x10112xi32, #tpu.memory_space<vmem>>, vector<16xi32>,
        %parallel_loop3A_83 = tpu.vector_load_idx %arg6[%parallel_loop3A_82] : memref<10000xf32, #tpu.memory_space<vmem>>[vector<16xi32>], vector<16xf32>,
        %parallel_loop3A_84 = arith.constant 1 : i32
        %parallel_loop3A_85 = arith.index_cast %parallel_loop3A_84 : i32 to index
        %parallel_loop3A_86 = arith.index_cast %parallel_loop3A_78 : i32 to index
        %parallel_loop3A_87 = tpu.vector_load %arg7[%parallel_loop3A_85, %parallel_loop3A_86] {strides = array<i32>} : memref<2x10112xi32, #tpu.memory_space<vmem>>, vector<16xi32>,
        %parallel_loop3A_88 = tpu.vector_load_idx %arg6[%parallel_loop3A_87] : memref<10000xf32, #tpu.memory_space<vmem>>[vector<16xi32>], vector<16xf32>,
        %parallel_loop3A_89 = arith.addf %parallel_loop3A_83, %parallel_loop3A_88 : vector<16xf32>
        %parallel_loop3A_90 = arith.index_cast %parallel_loop3A_78 : i32 to index
        %parallel_loop3A_91 = tpu.vector_load %arg8[%parallel_loop3A_90] {strides = array<i32>} : memref<10112xf32, #tpu.memory_space<vmem>>, vector<16xf32>,
        %parallel_loop3A_92 = arith.addf %parallel_loop3A_89, %parallel_loop3A_91 : vector<16xf32>
        %parallel_loop3A_93 = arith.constant 0.000000e+00 : f32
        %parallel_loop3A_94 = vector.broadcast %parallel_loop3A_93 : f32 to vector<16xf32>
        %parallel_loop3A_95 = arith.subf %parallel_loop3A_94, %parallel_loop3A_92 : vector<16xf32>
        %parallel_loop3A_96 = math.exp %parallel_loop3A_95 : vector<16xf32>
        %parallel_loop3A_97 = arith.constant 1.000000e+00 : f32
        %parallel_loop3A_98 = vector.broadcast %parallel_loop3A_97 : f32 to vector<16xf32>
        %parallel_loop3A_99 = arith.addf %parallel_loop3A_98, %parallel_loop3A_96 : vector<16xf32>
        %parallel_loop3A_100 = arith.constant 1.000000e+00 : f32
        %parallel_loop3A_101 = vector.broadcast %parallel_loop3A_100 : f32 to vector<16xf32>
        %parallel_loop3A_102 = arith.divf %parallel_loop3A_101, %parallel_loop3A_99 : vector<16xf32>
        %parallel_loop3A_103 = arith.index_cast %parallel_loop3A_78 : i32 to index
        %parallel_loop3A_104 = tpu.vector_load %arg9[%parallel_loop3A_103] {strides = array<i32>} : memref<10112xf32, #tpu.memory_space<vmem>>, vector<16xf32>,
        tpu.vector_store %arg9[%parallel_loop3A_103], %parallel_loop3A_102 {strides = array<i32>} : memref<10112xf32, #tpu.memory_space<vmem>>, vector<16xf32>,
        %parallel_loop3A_105 = arith.constant 128 : i32
        %parallel_loop3A_106 = arith.muli %parallel_loop3A_44, %parallel_loop3A_105 : i32
        %parallel_loop3A_107 = arith.constant 32 : i32
        %parallel_loop3A_108 = arith.addi %parallel_loop3A_106, %parallel_loop3A_107 : i32
        %parallel_loop3A_109 = arith.constant 0 : i32
        %parallel_loop3A_110 = arith.index_cast %parallel_loop3A_109 : i32 to index
        %parallel_loop3A_111 = arith.index_cast %parallel_loop3A_108 : i32 to index
        %parallel_loop3A_112 = tpu.vector_load %arg7[%parallel_loop3A_110, %parallel_loop3A_111] {strides = array<i32>} : memref<2x10112xi32, #tpu.memory_space<vmem>>, vector<16xi32>,
        %parallel_loop3A_113 = tpu.vector_load_idx %arg6[%parallel_loop3A_112] : memref<10000xf32, #tpu.memory_space<vmem>>[vector<16xi32>], vector<16xf32>,
        %parallel_loop3A_114 = arith.constant 1 : i32
        %parallel_loop3A_115 = arith.index_cast %parallel_loop3A_114 : i32 to index
        %parallel_loop3A_116 = arith.index_cast %parallel_loop3A_108 : i32 to index
        %parallel_loop3A_117 = tpu.vector_load %arg7[%parallel_loop3A_115, %parallel_loop3A_116] {strides = array<i32>} : memref<2x10112xi32, #tpu.memory_space<vmem>>, vector<16xi32>,
        %parallel_loop3A_118 = tpu.vector_load_idx %arg6[%parallel_loop3A_117] : memref<10000xf32, #tpu.memory_space<vmem>>[vector<16xi32>], vector<16xf32>,
        %parallel_loop3A_119 = arith.addf %parallel_loop3A_113, %parallel_loop3A_118 : vector<16xf32>
        %parallel_loop3A_120 = arith.index_cast %parallel_loop3A_108 : i32 to index
        %parallel_loop3A_121 = tpu.vector_load %arg8[%parallel_loop3A_120] {strides = array<i32>} : memref<10112xf32, #tpu.memory_space<vmem>>, vector<16xf32>,
        %parallel_loop3A_122 = arith.addf %parallel_loop3A_119, %parallel_loop3A_121 : vector<16xf32>
        %parallel_loop3A_123 = arith.constant 0.000000e+00 : f32
        %parallel_loop3A_124 = vector.broadcast %parallel_loop3A_123 : f32 to vector<16xf32>
        %parallel_loop3A_125 = arith.subf %parallel_loop3A_124, %parallel_loop3A_122 : vector<16xf32>
        %parallel_loop3A_126 = math.exp %parallel_loop3A_125 : vector<16xf32>
        %parallel_loop3A_127 = arith.constant 1.000000e+00 : f32
        %parallel_loop3A_128 = vector.broadcast %parallel_loop3A_127 : f32 to vector<16xf32>
        %parallel_loop3A_129 = arith.addf %parallel_loop3A_128, %parallel_loop3A_126 : vector<16xf32>
        %parallel_loop3A_130 = arith.constant 1.000000e+00 : f32
        %parallel_loop3A_131 = vector.broadcast %parallel_loop3A_130 : f32 to vector<16xf32>
        %parallel_loop3A_132 = arith.divf %parallel_loop3A_131, %parallel_loop3A_129 : vector<16xf32>
        %parallel_loop3A_133 = arith.index_cast %parallel_loop3A_108 : i32 to index
        %parallel_loop3A_134 = tpu.vector_load %arg9[%parallel_loop3A_133] {strides = array<i32>} : memref<10112xf32, #tpu.memory_space<vmem>>, vector<16xf32>,
        tpu.vector_store %arg9[%parallel_loop3A_133], %parallel_loop3A_132 {strides = array<i32>} : memref<10112xf32, #tpu.memory_space<vmem>>, vector<16xf32>,
        %parallel_loop3A_135 = arith.constant 128 : i32
        %parallel_loop3A_136 = arith.muli %parallel_loop3A_44, %parallel_loop3A_135 : i32
        %parallel_loop3A_137 = arith.constant 48 : i32
        %parallel_loop3A_138 = arith.addi %parallel_loop3A_136, %parallel_loop3A_137 : i32
        %parallel_loop3A_139 = arith.constant 0 : i32
        %parallel_loop3A_140 = arith.index_cast %parallel_loop3A_139 : i32 to index
        %parallel_loop3A_141 = arith.index_cast %parallel_loop3A_138 : i32 to index
        %parallel_loop3A_142 = tpu.vector_load %arg7[%parallel_loop3A_140, %parallel_loop3A_141] {strides = array<i32>} : memref<2x10112xi32, #tpu.memory_space<vmem>>, vector<16xi32>,
        %parallel_loop3A_143 = tpu.vector_load_idx %arg6[%parallel_loop3A_142] : memref<10000xf32, #tpu.memory_space<vmem>>[vector<16xi32>], vector<16xf32>,
        %parallel_loop3A_144 = arith.constant 1 : i32
        %parallel_loop3A_145 = arith.index_cast %parallel_loop3A_144 : i32 to index
        %parallel_loop3A_146 = arith.index_cast %parallel_loop3A_138 : i32 to index
        %parallel_loop3A_147 = tpu.vector_load %arg7[%parallel_loop3A_145, %parallel_loop3A_146] {strides = array<i32>} : memref<2x10112xi32, #tpu.memory_space<vmem>>, vector<16xi32>,
        %parallel_loop3A_148 = tpu.vector_load_idx %arg6[%parallel_loop3A_147] : memref<10000xf32, #tpu.memory_space<vmem>>[vector<16xi32>], vector<16xf32>,
        %parallel_loop3A_149 = arith.addf %parallel_loop3A_143, %parallel_loop3A_148 : vector<16xf32>
        %parallel_loop3A_150 = arith.index_cast %parallel_loop3A_138 : i32 to index
        %parallel_loop3A_151 = tpu.vector_load %arg8[%parallel_loop3A_150] {strides = array<i32>} : memref<10112xf32, #tpu.memory_space<vmem>>, vector<16xf32>,
        %parallel_loop3A_152 = arith.addf %parallel_loop3A_149, %parallel_loop3A_151 : vector<16xf32>
        %parallel_loop3A_153 = arith.constant 0.000000e+00 : f32
        %parallel_loop3A_154 = vector.broadcast %parallel_loop3A_153 : f32 to vector<16xf32>
        %parallel_loop3A_155 = arith.subf %parallel_loop3A_154, %parallel_loop3A_152 : vector<16xf32>
        %parallel_loop3A_156 = math.exp %parallel_loop3A_155 : vector<16xf32>
        %parallel_loop3A_157 = arith.constant 1.000000e+00 : f32
        %parallel_loop3A_158 = vector.broadcast %parallel_loop3A_157 : f32 to vector<16xf32>
        %parallel_loop3A_159 = arith.addf %parallel_loop3A_158, %parallel_loop3A_156 : vector<16xf32>
        %parallel_loop3A_160 = arith.constant 1.000000e+00 : f32
        %parallel_loop3A_161 = vector.broadcast %parallel_loop3A_160 : f32 to vector<16xf32>
        %parallel_loop3A_162 = arith.divf %parallel_loop3A_161, %parallel_loop3A_159 : vector<16xf32>
        %parallel_loop3A_163 = arith.index_cast %parallel_loop3A_138 : i32 to index
        %parallel_loop3A_164 = tpu.vector_load %arg9[%parallel_loop3A_163] {strides = array<i32>} : memref<10112xf32, #tpu.memory_space<vmem>>, vector<16xf32>,
        tpu.vector_store %arg9[%parallel_loop3A_163], %parallel_loop3A_162 {strides = array<i32>} : memref<10112xf32, #tpu.memory_space<vmem>>, vector<16xf32>,
        %parallel_loop3A_165 = arith.constant 128 : i32
        %parallel_loop3A_166 = arith.muli %parallel_loop3A_44, %parallel_loop3A_165 : i32
        %parallel_loop3A_167 = arith.constant 64 : i32
        %parallel_loop3A_168 = arith.addi %parallel_loop3A_166, %parallel_loop3A_167 : i32
        %parallel_loop3A_169 = arith.constant 0 : i32
        %parallel_loop3A_170 = arith.index_cast %parallel_loop3A_169 : i32 to index
        %parallel_loop3A_171 = arith.index_cast %parallel_loop3A_168 : i32 to index
        %parallel_loop3A_172 = tpu.vector_load %arg7[%parallel_loop3A_170, %parallel_loop3A_171] {strides = array<i32>} : memref<2x10112xi32, #tpu.memory_space<vmem>>, vector<16xi32>,
        %parallel_loop3A_173 = tpu.vector_load_idx %arg6[%parallel_loop3A_172] : memref<10000xf32, #tpu.memory_space<vmem>>[vector<16xi32>], vector<16xf32>,
        %parallel_loop3A_174 = arith.constant 1 : i32
        %parallel_loop3A_175 = arith.index_cast %parallel_loop3A_174 : i32 to index
        %parallel_loop3A_176 = arith.index_cast %parallel_loop3A_168 : i32 to index
        %parallel_loop3A_177 = tpu.vector_load %arg7[%parallel_loop3A_175, %parallel_loop3A_176] {strides = array<i32>} : memref<2x10112xi32, #tpu.memory_space<vmem>>, vector<16xi32>,
        %parallel_loop3A_178 = tpu.vector_load_idx %arg6[%parallel_loop3A_177] : memref<10000xf32, #tpu.memory_space<vmem>>[vector<16xi32>], vector<16xf32>,
        %parallel_loop3A_179 = arith.addf %parallel_loop3A_173, %parallel_loop3A_178 : vector<16xf32>
        %parallel_loop3A_180 = arith.index_cast %parallel_loop3A_168 : i32 to index
        %parallel_loop3A_181 = tpu.vector_load %arg8[%parallel_loop3A_180] {strides = array<i32>} : memref<10112xf32, #tpu.memory_space<vmem>>, vector<16xf32>,
        %parallel_loop3A_182 = arith.addf %parallel_loop3A_179, %parallel_loop3A_181 : vector<16xf32>
        %parallel_loop3A_183 = arith.constant 0.000000e+00 : f32
        %parallel_loop3A_184 = vector.broadcast %parallel_loop3A_183 : f32 to vector<16xf32>
        %parallel_loop3A_185 = arith.subf %parallel_loop3A_184, %parallel_loop3A_182 : vector<16xf32>
        %parallel_loop3A_186 = math.exp %parallel_loop3A_185 : vector<16xf32>
        %parallel_loop3A_187 = arith.constant 1.000000e+00 : f32
        %parallel_loop3A_188 = vector.broadcast %parallel_loop3A_187 : f32 to vector<16xf32>
        %parallel_loop3A_189 = arith.addf %parallel_loop3A_188, %parallel_loop3A_186 : vector<16xf32>
        %parallel_loop3A_190 = arith.constant 1.000000e+00 : f32
        %parallel_loop3A_191 = vector.broadcast %parallel_loop3A_190 : f32 to vector<16xf32>
        %parallel_loop3A_192 = arith.divf %parallel_loop3A_191, %parallel_loop3A_189 : vector<16xf32>
        %parallel_loop3A_193 = arith.index_cast %parallel_loop3A_168 : i32 to index
        %parallel_loop3A_194 = tpu.vector_load %arg9[%parallel_loop3A_193] {strides = array<i32>} : memref<10112xf32, #tpu.memory_space<vmem>>, vector<16xf32>,
        tpu.vector_store %arg9[%parallel_loop3A_193], %parallel_loop3A_192 {strides = array<i32>} : memref<10112xf32, #tpu.memory_space<vmem>>, vector<16xf32>,
        %parallel_loop3A_195 = arith.constant 128 : i32
        %parallel_loop3A_196 = arith.muli %parallel_loop3A_44, %parallel_loop3A_195 : i32
        %parallel_loop3A_197 = arith.constant 80 : i32
        %parallel_loop3A_198 = arith.addi %parallel_loop3A_196, %parallel_loop3A_197 : i32
        %parallel_loop3A_199 = arith.constant 0 : i32
        %parallel_loop3A_200 = arith.index_cast %parallel_loop3A_199 : i32 to index
        %parallel_loop3A_201 = arith.index_cast %parallel_loop3A_198 : i32 to index
        %parallel_loop3A_202 = tpu.vector_load %arg7[%parallel_loop3A_200, %parallel_loop3A_201] {strides = array<i32>} : memref<2x10112xi32, #tpu.memory_space<vmem>>, vector<16xi32>,
        %parallel_loop3A_203 = tpu.vector_load_idx %arg6[%parallel_loop3A_202] : memref<10000xf32, #tpu.memory_space<vmem>>[vector<16xi32>], vector<16xf32>,
        %parallel_loop3A_204 = arith.constant 1 : i32
        %parallel_loop3A_205 = arith.index_cast %parallel_loop3A_204 : i32 to index
        %parallel_loop3A_206 = arith.index_cast %parallel_loop3A_198 : i32 to index
        %parallel_loop3A_207 = tpu.vector_load %arg7[%parallel_loop3A_205, %parallel_loop3A_206] {strides = array<i32>} : memref<2x10112xi32, #tpu.memory_space<vmem>>, vector<16xi32>,
        %parallel_loop3A_208 = tpu.vector_load_idx %arg6[%parallel_loop3A_207] : memref<10000xf32, #tpu.memory_space<vmem>>[vector<16xi32>], vector<16xf32>,
        %parallel_loop3A_209 = arith.addf %parallel_loop3A_203, %parallel_loop3A_208 : vector<16xf32>
        %parallel_loop3A_210 = arith.index_cast %parallel_loop3A_198 : i32 to index
        %parallel_loop3A_211 = tpu.vector_load %arg8[%parallel_loop3A_210] {strides = array<i32>} : memref<10112xf32, #tpu.memory_space<vmem>>, vector<16xf32>,
        %parallel_loop3A_212 = arith.addf %parallel_loop3A_209, %parallel_loop3A_211 : vector<16xf32>
        %parallel_loop3A_213 = arith.constant 0.000000e+00 : f32
        %parallel_loop3A_214 = vector.broadcast %parallel_loop3A_213 : f32 to vector<16xf32>
        %parallel_loop3A_215 = arith.subf %parallel_loop3A_214, %parallel_loop3A_212 : vector<16xf32>
        %parallel_loop3A_216 = math.exp %parallel_loop3A_215 : vector<16xf32>
        %parallel_loop3A_217 = arith.constant 1.000000e+00 : f32
        %parallel_loop3A_218 = vector.broadcast %parallel_loop3A_217 : f32 to vector<16xf32>
        %parallel_loop3A_219 = arith.addf %parallel_loop3A_218, %parallel_loop3A_216 : vector<16xf32>
        %parallel_loop3A_220 = arith.constant 1.000000e+00 : f32
        %parallel_loop3A_221 = vector.broadcast %parallel_loop3A_220 : f32 to vector<16xf32>
        %parallel_loop3A_222 = arith.divf %parallel_loop3A_221, %parallel_loop3A_219 : vector<16xf32>
        %parallel_loop3A_223 = arith.index_cast %parallel_loop3A_198 : i32 to index
        %parallel_loop3A_224 = tpu.vector_load %arg9[%parallel_loop3A_223] {strides = array<i32>} : memref<10112xf32, #tpu.memory_space<vmem>>, vector<16xf32>,
        tpu.vector_store %arg9[%parallel_loop3A_223], %parallel_loop3A_222 {strides = array<i32>} : memref<10112xf32, #tpu.memory_space<vmem>>, vector<16xf32>,
        %parallel_loop3A_225 = arith.constant 128 : i32
        %parallel_loop3A_226 = arith.muli %parallel_loop3A_44, %parallel_loop3A_225 : i32
        %parallel_loop3A_227 = arith.constant 96 : i32
        %parallel_loop3A_228 = arith.addi %parallel_loop3A_226, %parallel_loop3A_227 : i32
        %parallel_loop3A_229 = arith.constant 0 : i32
        %parallel_loop3A_230 = arith.index_cast %parallel_loop3A_229 : i32 to index
        %parallel_loop3A_231 = arith.index_cast %parallel_loop3A_228 : i32 to index
        %parallel_loop3A_232 = tpu.vector_load %arg7[%parallel_loop3A_230, %parallel_loop3A_231] {strides = array<i32>} : memref<2x10112xi32, #tpu.memory_space<vmem>>, vector<16xi32>,
        %parallel_loop3A_233 = tpu.vector_load_idx %arg6[%parallel_loop3A_232] : memref<10000xf32, #tpu.memory_space<vmem>>[vector<16xi32>], vector<16xf32>,
        %parallel_loop3A_234 = arith.constant 1 : i32
        %parallel_loop3A_235 = arith.index_cast %parallel_loop3A_234 : i32 to index
        %parallel_loop3A_236 = arith.index_cast %parallel_loop3A_228 : i32 to index
        %parallel_loop3A_237 = tpu.vector_load %arg7[%parallel_loop3A_235, %parallel_loop3A_236] {strides = array<i32>} : memref<2x10112xi32, #tpu.memory_space<vmem>>, vector<16xi32>,
        %parallel_loop3A_238 = tpu.vector_load_idx %arg6[%parallel_loop3A_237] : memref<10000xf32, #tpu.memory_space<vmem>>[vector<16xi32>], vector<16xf32>,
        %parallel_loop3A_239 = arith.addf %parallel_loop3A_233, %parallel_loop3A_238 : vector<16xf32>
        %parallel_loop3A_240 = arith.index_cast %parallel_loop3A_228 : i32 to index
        %parallel_loop3A_241 = tpu.vector_load %arg8[%parallel_loop3A_240] {strides = array<i32>} : memref<10112xf32, #tpu.memory_space<vmem>>, vector<16xf32>,
        %parallel_loop3A_242 = arith.addf %parallel_loop3A_239, %parallel_loop3A_241 : vector<16xf32>
        %parallel_loop3A_243 = arith.constant 0.000000e+00 : f32
        %parallel_loop3A_244 = vector.broadcast %parallel_loop3A_243 : f32 to vector<16xf32>
        %parallel_loop3A_245 = arith.subf %parallel_loop3A_244, %parallel_loop3A_242 : vector<16xf32>
        %parallel_loop3A_246 = math.exp %parallel_loop3A_245 : vector<16xf32>
        %parallel_loop3A_247 = arith.constant 1.000000e+00 : f32
        %parallel_loop3A_248 = vector.broadcast %parallel_loop3A_247 : f32 to vector<16xf32>
        %parallel_loop3A_249 = arith.addf %parallel_loop3A_248, %parallel_loop3A_246 : vector<16xf32>
        %parallel_loop3A_250 = arith.constant 1.000000e+00 : f32
        %parallel_loop3A_251 = vector.broadcast %parallel_loop3A_250 : f32 to vector<16xf32>
        %parallel_loop3A_252 = arith.divf %parallel_loop3A_251, %parallel_loop3A_249 : vector<16xf32>
        %parallel_loop3A_253 = arith.index_cast %parallel_loop3A_228 : i32 to index
        %parallel_loop3A_254 = tpu.vector_load %arg9[%parallel_loop3A_253] {strides = array<i32>} : memref<10112xf32, #tpu.memory_space<vmem>>, vector<16xf32>,
        tpu.vector_store %arg9[%parallel_loop3A_253], %parallel_loop3A_252 {strides = array<i32>} : memref<10112xf32, #tpu.memory_space<vmem>>, vector<16xf32>,
        %parallel_loop3A_255 = arith.constant 128 : i32
        %parallel_loop3A_256 = arith.muli %parallel_loop3A_44, %parallel_loop3A_255 : i32
        %parallel_loop3A_257 = arith.constant 112 : i32
        %parallel_loop3A_258 = arith.addi %parallel_loop3A_256, %parallel_loop3A_257 : i32
        %parallel_loop3A_259 = arith.constant 0 : i32
        %parallel_loop3A_260 = arith.index_cast %parallel_loop3A_259 : i32 to index
        %parallel_loop3A_261 = arith.index_cast %parallel_loop3A_258 : i32 to index
        %parallel_loop3A_262 = tpu.vector_load %arg7[%parallel_loop3A_260, %parallel_loop3A_261] {strides = array<i32>} : memref<2x10112xi32, #tpu.memory_space<vmem>>, vector<16xi32>,
        %parallel_loop3A_263 = tpu.vector_load_idx %arg6[%parallel_loop3A_262] : memref<10000xf32, #tpu.memory_space<vmem>>[vector<16xi32>], vector<16xf32>,
        %parallel_loop3A_264 = arith.constant 1 : i32
        %parallel_loop3A_265 = arith.index_cast %parallel_loop3A_264 : i32 to index
        %parallel_loop3A_266 = arith.index_cast %parallel_loop3A_258 : i32 to index
        %parallel_loop3A_267 = tpu.vector_load %arg7[%parallel_loop3A_265, %parallel_loop3A_266] {strides = array<i32>} : memref<2x10112xi32, #tpu.memory_space<vmem>>, vector<16xi32>,
        %parallel_loop3A_268 = tpu.vector_load_idx %arg6[%parallel_loop3A_267] : memref<10000xf32, #tpu.memory_space<vmem>>[vector<16xi32>], vector<16xf32>,
        %parallel_loop3A_269 = arith.addf %parallel_loop3A_263, %parallel_loop3A_268 : vector<16xf32>
        %parallel_loop3A_270 = arith.index_cast %parallel_loop3A_258 : i32 to index
        %parallel_loop3A_271 = tpu.vector_load %arg8[%parallel_loop3A_270] {strides = array<i32>} : memref<10112xf32, #tpu.memory_space<vmem>>, vector<16xf32>,
        %parallel_loop3A_272 = arith.addf %parallel_loop3A_269, %parallel_loop3A_271 : vector<16xf32>
        %parallel_loop3A_273 = arith.constant 0.000000e+00 : f32
        %parallel_loop3A_274 = vector.broadcast %parallel_loop3A_273 : f32 to vector<16xf32>
        %parallel_loop3A_275 = arith.subf %parallel_loop3A_274, %parallel_loop3A_272 : vector<16xf32>
        %parallel_loop3A_276 = math.exp %parallel_loop3A_275 : vector<16xf32>
        %parallel_loop3A_277 = arith.constant 1.000000e+00 : f32
        %parallel_loop3A_278 = vector.broadcast %parallel_loop3A_277 : f32 to vector<16xf32>
        %parallel_loop3A_279 = arith.addf %parallel_loop3A_278, %parallel_loop3A_276 : vector<16xf32>
        %parallel_loop3A_280 = arith.constant 1.000000e+00 : f32
        %parallel_loop3A_281 = vector.broadcast %parallel_loop3A_280 : f32 to vector<16xf32>
        %parallel_loop3A_282 = arith.divf %parallel_loop3A_281, %parallel_loop3A_279 : vector<16xf32>
        %parallel_loop3A_283 = arith.index_cast %parallel_loop3A_258 : i32 to index
        %parallel_loop3A_284 = tpu.vector_load %arg9[%parallel_loop3A_283] {strides = array<i32>} : memref<10112xf32, #tpu.memory_space<vmem>>, vector<16xf32>,
        tpu.vector_store %arg9[%parallel_loop3A_283], %parallel_loop3A_282 {strides = array<i32>} : memref<10112xf32, #tpu.memory_space<vmem>>, vector<16xf32>,
      } {sc.loop_unroll_factor = 2 : i64, sc.parallel_access}
      "tpu.region"() ({
        %run_scoped3A = tpu.sem_alloc : memref<!tpu.dma_semaphore, #tpu.memory_space<semaphore_mem>>
        %dma_start3A_44 = arith.constant 0 : i32
        %dma_start3A_45 = tpu.memref_slice %arg9[%dma_start3A_44] : memref<10112xf32, #tpu.memory_space<vmem>> -> memref<10112xf32, #tpu.memory_space<vmem>>
        %dma_start3A_46 = tpu.memref_slice %arg5[%mul3A_11] : memref<320000xf32, #tpu.memory_space<hbm>> -> memref<10112xf32, #tpu.memory_space<hbm>>
        %dma_start3A_47 = tpu.memref_slice %arg5[%mul3A_11] : memref<320000xf32, #tpu.memory_space<hbm>> -> memref<10112xf32, #tpu.memory_space<hbm>>
        %dma_start3A_48 = arith.constant 0 : i32
        %dma_start3A_49 = tpu.memref_slice %arg9[%dma_start3A_48] : memref<10112xf32, #tpu.memory_space<vmem>> -> memref<10112xf32, #tpu.memory_space<vmem>>
        tpu.enqueue_dma source(%dma_start3A_49 : memref<10112xf32, #tpu.memory_space<vmem>>) target(%dma_start3A_47 : memref<10112xf32, #tpu.memory_space<hbm>>) target_semaphore(%run_scoped3A : memref<!tpu.dma_semaphore, #tpu.memory_space<semaphore_mem>>)
        %dma_wait3A_50 = arith.constant 0 : i32
        %dma_wait3A_51 = tpu.memref_slice %arg9[%dma_wait3A_50] : memref<10112xf32, #tpu.memory_space<vmem>> -> memref<10112xf32, #tpu.memory_space<vmem>>
        %dma_wait3A_52 = tpu.memref_slice %arg5[%mul3A_11] : memref<320000xf32, #tpu.memory_space<hbm>> -> memref<10112xf32, #tpu.memory_space<hbm>>
        %dma_wait3A_53 = tpu.memref_slice %arg5[%mul3A_11] : memref<320000xf32, #tpu.memory_space<hbm>> -> memref<10112xf32, #tpu.memory_space<hbm>>
        %dma_wait3A_54 = arith.constant 0 : i32
        %dma_wait3A_55 = tpu.memref_slice %arg9[%dma_wait3A_54] : memref<10112xf32, #tpu.memory_space<vmem>> -> memref<10112xf32, #tpu.memory_space<vmem>>
        tpu.wait_dma2 semaphore(%run_scoped3A : memref<!tpu.dma_semaphore, #tpu.memory_space<semaphore_mem>>) src(%dma_wait3A_55 : memref<10112xf32, #tpu.memory_space<vmem>>) dst(%dma_wait3A_53 : memref<10112xf32, #tpu.memory_space<hbm>>)
        tpu.yield
      }) : () -> ()
    } else {
    }
    %eq3A = arith.constant 31 : i32
    %eq3A_3 = arith.cmpi eq, %add3A, %eq3A : i32
    %convert_element_type3A_4 = arith.extui %eq3A_3 : i1 to i32
    %cond3A_5 = arith.constant 0 : i32
    %cond3A_6 = arith.cmpi ne, %convert_element_type3A_4, %cond3A_5 : i32
    scf.if %cond3A_6 {
      %dma_start3A = arith.constant 0 : i32
      %dma_start3A_7 = arith.constant 0 : i32
      %dma_start3A_8 = tpu.memref_slice %arg7[%dma_start3A, %dma_start3A_7] : memref<2x10112xi32, #tpu.memory_space<vmem>> -> memref<2x6528xi32, #tpu.memory_space<vmem>>
      %dma_start3A_9 = arith.constant 0 : i32
      %dma_start3A_10 = arith.constant 313472 : i32
      %dma_start3A_11 = tpu.memref_slice %arg3[%dma_start3A_9, %dma_start3A_10] : memref<2x320000xi32, #tpu.memory_space<hbm>> -> memref<2x6528xi32, #tpu.memory_space<hbm>>
      %dma_start3A_12 = arith.constant 0 : i32
      %dma_start3A_13 = arith.constant 0 : i32
      %dma_start3A_14 = tpu.memref_slice %arg7[%dma_start3A_12, %dma_start3A_13] : memref<2x10112xi32, #tpu.memory_space<vmem>> -> memref<2x6528xi32, #tpu.memory_space<vmem>>
      %dma_start3A_15 = arith.constant 0 : i32
      %dma_start3A_16 = arith.constant 313472 : i32
      %dma_start3A_17 = tpu.memref_slice %arg3[%dma_start3A_15, %dma_start3A_16] : memref<2x320000xi32, #tpu.memory_space<hbm>> -> memref<2x6528xi32, #tpu.memory_space<hbm>>
      tpu.enqueue_dma source(%dma_start3A_17 : memref<2x6528xi32, #tpu.memory_space<hbm>>) target(%dma_start3A_14 : memref<2x6528xi32, #tpu.memory_space<vmem>>) target_semaphore(%arg10 : memref<!tpu.dma_semaphore, #tpu.memory_space<semaphore_mem>>)
      %dma_start3A_18 = arith.constant 0 : i32
      %dma_start3A_19 = tpu.memref_slice %arg8[%dma_start3A_18] : memref<10112xf32, #tpu.memory_space<vmem>> -> memref<6528xf32, #tpu.memory_space<vmem>>
      %dma_start3A_20 = arith.constant 313472 : i32
      %dma_start3A_21 = tpu.memref_slice %arg4[%dma_start3A_20] : memref<320000xf32, #tpu.memory_space<hbm>> -> memref<6528xf32, #tpu.memory_space<hbm>>
      %dma_start3A_22 = arith.constant 0 : i32
      %dma_start3A_23 = tpu.memref_slice %arg8[%dma_start3A_22] : memref<10112xf32, #tpu.memory_space<vmem>> -> memref<6528xf32, #tpu.memory_space<vmem>>
      %dma_start3A_24 = arith.constant 313472 : i32
      %dma_start3A_25 = tpu.memref_slice %arg4[%dma_start3A_24] : memref<320000xf32, #tpu.memory_space<hbm>> -> memref<6528xf32, #tpu.memory_space<hbm>>
      tpu.enqueue_dma source(%dma_start3A_25 : memref<6528xf32, #tpu.memory_space<hbm>>) target(%dma_start3A_23 : memref<6528xf32, #tpu.memory_space<vmem>>) target_semaphore(%arg10 : memref<!tpu.dma_semaphore, #tpu.memory_space<semaphore_mem>>)
      tpu.wait_dma2 semaphore(%arg10 : memref<!tpu.dma_semaphore, #tpu.memory_space<semaphore_mem>>) src(%arg2 : memref<10000xf32, #tpu.memory_space<hbm>>) dst(%arg6 : memref<10000xf32, #tpu.memory_space<vmem>>)
      %dma_wait3A = arith.constant 0 : i32
      %dma_wait3A_26 = arith.constant 0 : i32
      %dma_wait3A_27 = tpu.memref_slice %arg7[%dma_wait3A, %dma_wait3A_26] : memref<2x10112xi32, #tpu.memory_space<vmem>> -> memref<2x6528xi32, #tpu.memory_space<vmem>>
      %dma_wait3A_28 = arith.constant 0 : i32
      %dma_wait3A_29 = arith.constant 313472 : i32
      %dma_wait3A_30 = tpu.memref_slice %arg3[%dma_wait3A_28, %dma_wait3A_29] : memref<2x320000xi32, #tpu.memory_space<hbm>> -> memref<2x6528xi32, #tpu.memory_space<hbm>>
      %dma_wait3A_31 = arith.constant 0 : i32
      %dma_wait3A_32 = arith.constant 0 : i32
      %dma_wait3A_33 = tpu.memref_slice %arg7[%dma_wait3A_31, %dma_wait3A_32] : memref<2x10112xi32, #tpu.memory_space<vmem>> -> memref<2x6528xi32, #tpu.memory_space<vmem>>
      %dma_wait3A_34 = arith.constant 0 : i32
      %dma_wait3A_35 = arith.constant 313472 : i32
      %dma_wait3A_36 = tpu.memref_slice %arg3[%dma_wait3A_34, %dma_wait3A_35] : memref<2x320000xi32, #tpu.memory_space<hbm>> -> memref<2x6528xi32, #tpu.memory_space<hbm>>
      tpu.wait_dma2 semaphore(%arg10 : memref<!tpu.dma_semaphore, #tpu.memory_space<semaphore_mem>>) src(%dma_wait3A_36 : memref<2x6528xi32, #tpu.memory_space<hbm>>) dst(%dma_wait3A_33 : memref<2x6528xi32, #tpu.memory_space<vmem>>)
      %dma_wait3A_37 = arith.constant 0 : i32
      %dma_wait3A_38 = tpu.memref_slice %arg8[%dma_wait3A_37] : memref<10112xf32, #tpu.memory_space<vmem>> -> memref<6528xf32, #tpu.memory_space<vmem>>
      %dma_wait3A_39 = arith.constant 313472 : i32
      %dma_wait3A_40 = tpu.memref_slice %arg4[%dma_wait3A_39] : memref<320000xf32, #tpu.memory_space<hbm>> -> memref<6528xf32, #tpu.memory_space<hbm>>
      %dma_wait3A_41 = arith.constant 0 : i32
      %dma_wait3A_42 = tpu.memref_slice %arg8[%dma_wait3A_41] : memref<10112xf32, #tpu.memory_space<vmem>> -> memref<6528xf32, #tpu.memory_space<vmem>>
      %dma_wait3A_43 = arith.constant 313472 : i32
      %dma_wait3A_44 = tpu.memref_slice %arg4[%dma_wait3A_43] : memref<320000xf32, #tpu.memory_space<hbm>> -> memref<6528xf32, #tpu.memory_space<hbm>>
      tpu.wait_dma2 semaphore(%arg10 : memref<!tpu.dma_semaphore, #tpu.memory_space<semaphore_mem>>) src(%dma_wait3A_44 : memref<6528xf32, #tpu.memory_space<hbm>>) dst(%dma_wait3A_42 : memref<6528xf32, #tpu.memory_space<vmem>>)
      %parallel_loop3A = arith.constant 0 : i32
      %parallel_loop3A_45 = arith.constant 51 : i32
      %parallel_loop3A_46 = arith.constant 1 : i32
      scf.for %parallel_loop3A_47 = %parallel_loop3A to %parallel_loop3A_45 step %parallel_loop3A_46  : i32 {
        %parallel_loop3A_48 = arith.constant 128 : i32
        %parallel_loop3A_49 = arith.muli %parallel_loop3A_47, %parallel_loop3A_48 : i32
        %parallel_loop3A_50 = arith.constant 0 : i32
        %parallel_loop3A_51 = arith.addi %parallel_loop3A_49, %parallel_loop3A_50 : i32
        %parallel_loop3A_52 = arith.constant 0 : i32
        %parallel_loop3A_53 = arith.index_cast %parallel_loop3A_52 : i32 to index
        %parallel_loop3A_54 = arith.index_cast %parallel_loop3A_51 : i32 to index
        %parallel_loop3A_55 = tpu.vector_load %arg7[%parallel_loop3A_53, %parallel_loop3A_54] {strides = array<i32>} : memref<2x10112xi32, #tpu.memory_space<vmem>>, vector<16xi32>,
        %parallel_loop3A_56 = tpu.vector_load_idx %arg6[%parallel_loop3A_55] : memref<10000xf32, #tpu.memory_space<vmem>>[vector<16xi32>], vector<16xf32>,
        %parallel_loop3A_57 = arith.constant 1 : i32
        %parallel_loop3A_58 = arith.index_cast %parallel_loop3A_57 : i32 to index
        %parallel_loop3A_59 = arith.index_cast %parallel_loop3A_51 : i32 to index
        %parallel_loop3A_60 = tpu.vector_load %arg7[%parallel_loop3A_58, %parallel_loop3A_59] {strides = array<i32>} : memref<2x10112xi32, #tpu.memory_space<vmem>>, vector<16xi32>,
        %parallel_loop3A_61 = tpu.vector_load_idx %arg6[%parallel_loop3A_60] : memref<10000xf32, #tpu.memory_space<vmem>>[vector<16xi32>], vector<16xf32>,
        %parallel_loop3A_62 = arith.addf %parallel_loop3A_56, %parallel_loop3A_61 : vector<16xf32>
        %parallel_loop3A_63 = arith.index_cast %parallel_loop3A_51 : i32 to index
        %parallel_loop3A_64 = tpu.vector_load %arg8[%parallel_loop3A_63] {strides = array<i32>} : memref<10112xf32, #tpu.memory_space<vmem>>, vector<16xf32>,
        %parallel_loop3A_65 = arith.addf %parallel_loop3A_62, %parallel_loop3A_64 : vector<16xf32>
        %parallel_loop3A_66 = arith.constant 0.000000e+00 : f32
        %parallel_loop3A_67 = vector.broadcast %parallel_loop3A_66 : f32 to vector<16xf32>
        %parallel_loop3A_68 = arith.subf %parallel_loop3A_67, %parallel_loop3A_65 : vector<16xf32>
        %parallel_loop3A_69 = math.exp %parallel_loop3A_68 : vector<16xf32>
        %parallel_loop3A_70 = arith.constant 1.000000e+00 : f32
        %parallel_loop3A_71 = vector.broadcast %parallel_loop3A_70 : f32 to vector<16xf32>
        %parallel_loop3A_72 = arith.addf %parallel_loop3A_71, %parallel_loop3A_69 : vector<16xf32>
        %parallel_loop3A_73 = arith.constant 1.000000e+00 : f32
        %parallel_loop3A_74 = vector.broadcast %parallel_loop3A_73 : f32 to vector<16xf32>
        %parallel_loop3A_75 = arith.divf %parallel_loop3A_74, %parallel_loop3A_72 : vector<16xf32>
        %parallel_loop3A_76 = arith.index_cast %parallel_loop3A_51 : i32 to index
        %parallel_loop3A_77 = tpu.vector_load %arg9[%parallel_loop3A_76] {strides = array<i32>} : memref<10112xf32, #tpu.memory_space<vmem>>, vector<16xf32>,
        tpu.vector_store %arg9[%parallel_loop3A_76], %parallel_loop3A_75 {strides = array<i32>} : memref<10112xf32, #tpu.memory_space<vmem>>, vector<16xf32>,
        %parallel_loop3A_78 = arith.constant 128 : i32
        %parallel_loop3A_79 = arith.muli %parallel_loop3A_47, %parallel_loop3A_78 : i32
        %parallel_loop3A_80 = arith.constant 16 : i32
        %parallel_loop3A_81 = arith.addi %parallel_loop3A_79, %parallel_loop3A_80 : i32
        %parallel_loop3A_82 = arith.constant 0 : i32
        %parallel_loop3A_83 = arith.index_cast %parallel_loop3A_82 : i32 to index
        %parallel_loop3A_84 = arith.index_cast %parallel_loop3A_81 : i32 to index
        %parallel_loop3A_85 = tpu.vector_load %arg7[%parallel_loop3A_83, %parallel_loop3A_84] {strides = array<i32>} : memref<2x10112xi32, #tpu.memory_space<vmem>>, vector<16xi32>,
        %parallel_loop3A_86 = tpu.vector_load_idx %arg6[%parallel_loop3A_85] : memref<10000xf32, #tpu.memory_space<vmem>>[vector<16xi32>], vector<16xf32>,
        %parallel_loop3A_87 = arith.constant 1 : i32
        %parallel_loop3A_88 = arith.index_cast %parallel_loop3A_87 : i32 to index
        %parallel_loop3A_89 = arith.index_cast %parallel_loop3A_81 : i32 to index
        %parallel_loop3A_90 = tpu.vector_load %arg7[%parallel_loop3A_88, %parallel_loop3A_89] {strides = array<i32>} : memref<2x10112xi32, #tpu.memory_space<vmem>>, vector<16xi32>,
        %parallel_loop3A_91 = tpu.vector_load_idx %arg6[%parallel_loop3A_90] : memref<10000xf32, #tpu.memory_space<vmem>>[vector<16xi32>], vector<16xf32>,
        %parallel_loop3A_92 = arith.addf %parallel_loop3A_86, %parallel_loop3A_91 : vector<16xf32>
        %parallel_loop3A_93 = arith.index_cast %parallel_loop3A_81 : i32 to index
        %parallel_loop3A_94 = tpu.vector_load %arg8[%parallel_loop3A_93] {strides = array<i32>} : memref<10112xf32, #tpu.memory_space<vmem>>, vector<16xf32>,
        %parallel_loop3A_95 = arith.addf %parallel_loop3A_92, %parallel_loop3A_94 : vector<16xf32>
        %parallel_loop3A_96 = arith.constant 0.000000e+00 : f32
        %parallel_loop3A_97 = vector.broadcast %parallel_loop3A_96 : f32 to vector<16xf32>
        %parallel_loop3A_98 = arith.subf %parallel_loop3A_97, %parallel_loop3A_95 : vector<16xf32>
        %parallel_loop3A_99 = math.exp %parallel_loop3A_98 : vector<16xf32>
        %parallel_loop3A_100 = arith.constant 1.000000e+00 : f32
        %parallel_loop3A_101 = vector.broadcast %parallel_loop3A_100 : f32 to vector<16xf32>
        %parallel_loop3A_102 = arith.addf %parallel_loop3A_101, %parallel_loop3A_99 : vector<16xf32>
        %parallel_loop3A_103 = arith.constant 1.000000e+00 : f32
        %parallel_loop3A_104 = vector.broadcast %parallel_loop3A_103 : f32 to vector<16xf32>
        %parallel_loop3A_105 = arith.divf %parallel_loop3A_104, %parallel_loop3A_102 : vector<16xf32>
        %parallel_loop3A_106 = arith.index_cast %parallel_loop3A_81 : i32 to index
        %parallel_loop3A_107 = tpu.vector_load %arg9[%parallel_loop3A_106] {strides = array<i32>} : memref<10112xf32, #tpu.memory_space<vmem>>, vector<16xf32>,
        tpu.vector_store %arg9[%parallel_loop3A_106], %parallel_loop3A_105 {strides = array<i32>} : memref<10112xf32, #tpu.memory_space<vmem>>, vector<16xf32>,
        %parallel_loop3A_108 = arith.constant 128 : i32
        %parallel_loop3A_109 = arith.muli %parallel_loop3A_47, %parallel_loop3A_108 : i32
        %parallel_loop3A_110 = arith.constant 32 : i32
        %parallel_loop3A_111 = arith.addi %parallel_loop3A_109, %parallel_loop3A_110 : i32
        %parallel_loop3A_112 = arith.constant 0 : i32
        %parallel_loop3A_113 = arith.index_cast %parallel_loop3A_112 : i32 to index
        %parallel_loop3A_114 = arith.index_cast %parallel_loop3A_111 : i32 to index
        %parallel_loop3A_115 = tpu.vector_load %arg7[%parallel_loop3A_113, %parallel_loop3A_114] {strides = array<i32>} : memref<2x10112xi32, #tpu.memory_space<vmem>>, vector<16xi32>,
        %parallel_loop3A_116 = tpu.vector_load_idx %arg6[%parallel_loop3A_115] : memref<10000xf32, #tpu.memory_space<vmem>>[vector<16xi32>], vector<16xf32>,
        %parallel_loop3A_117 = arith.constant 1 : i32
        %parallel_loop3A_118 = arith.index_cast %parallel_loop3A_117 : i32 to index
        %parallel_loop3A_119 = arith.index_cast %parallel_loop3A_111 : i32 to index
        %parallel_loop3A_120 = tpu.vector_load %arg7[%parallel_loop3A_118, %parallel_loop3A_119] {strides = array<i32>} : memref<2x10112xi32, #tpu.memory_space<vmem>>, vector<16xi32>,
        %parallel_loop3A_121 = tpu.vector_load_idx %arg6[%parallel_loop3A_120] : memref<10000xf32, #tpu.memory_space<vmem>>[vector<16xi32>], vector<16xf32>,
        %parallel_loop3A_122 = arith.addf %parallel_loop3A_116, %parallel_loop3A_121 : vector<16xf32>
        %parallel_loop3A_123 = arith.index_cast %parallel_loop3A_111 : i32 to index
        %parallel_loop3A_124 = tpu.vector_load %arg8[%parallel_loop3A_123] {strides = array<i32>} : memref<10112xf32, #tpu.memory_space<vmem>>, vector<16xf32>,
        %parallel_loop3A_125 = arith.addf %parallel_loop3A_122, %parallel_loop3A_124 : vector<16xf32>
        %parallel_loop3A_126 = arith.constant 0.000000e+00 : f32
        %parallel_loop3A_127 = vector.broadcast %parallel_loop3A_126 : f32 to vector<16xf32>
        %parallel_loop3A_128 = arith.subf %parallel_loop3A_127, %parallel_loop3A_125 : vector<16xf32>
        %parallel_loop3A_129 = math.exp %parallel_loop3A_128 : vector<16xf32>
        %parallel_loop3A_130 = arith.constant 1.000000e+00 : f32
        %parallel_loop3A_131 = vector.broadcast %parallel_loop3A_130 : f32 to vector<16xf32>
        %parallel_loop3A_132 = arith.addf %parallel_loop3A_131, %parallel_loop3A_129 : vector<16xf32>
        %parallel_loop3A_133 = arith.constant 1.000000e+00 : f32
        %parallel_loop3A_134 = vector.broadcast %parallel_loop3A_133 : f32 to vector<16xf32>
        %parallel_loop3A_135 = arith.divf %parallel_loop3A_134, %parallel_loop3A_132 : vector<16xf32>
        %parallel_loop3A_136 = arith.index_cast %parallel_loop3A_111 : i32 to index
        %parallel_loop3A_137 = tpu.vector_load %arg9[%parallel_loop3A_136] {strides = array<i32>} : memref<10112xf32, #tpu.memory_space<vmem>>, vector<16xf32>,
        tpu.vector_store %arg9[%parallel_loop3A_136], %parallel_loop3A_135 {strides = array<i32>} : memref<10112xf32, #tpu.memory_space<vmem>>, vector<16xf32>,
        %parallel_loop3A_138 = arith.constant 128 : i32
        %parallel_loop3A_139 = arith.muli %parallel_loop3A_47, %parallel_loop3A_138 : i32
        %parallel_loop3A_140 = arith.constant 48 : i32
        %parallel_loop3A_141 = arith.addi %parallel_loop3A_139, %parallel_loop3A_140 : i32
        %parallel_loop3A_142 = arith.constant 0 : i32
        %parallel_loop3A_143 = arith.index_cast %parallel_loop3A_142 : i32 to index
        %parallel_loop3A_144 = arith.index_cast %parallel_loop3A_141 : i32 to index
        %parallel_loop3A_145 = tpu.vector_load %arg7[%parallel_loop3A_143, %parallel_loop3A_144] {strides = array<i32>} : memref<2x10112xi32, #tpu.memory_space<vmem>>, vector<16xi32>,
        %parallel_loop3A_146 = tpu.vector_load_idx %arg6[%parallel_loop3A_145] : memref<10000xf32, #tpu.memory_space<vmem>>[vector<16xi32>], vector<16xf32>,
        %parallel_loop3A_147 = arith.constant 1 : i32
        %parallel_loop3A_148 = arith.index_cast %parallel_loop3A_147 : i32 to index
        %parallel_loop3A_149 = arith.index_cast %parallel_loop3A_141 : i32 to index
        %parallel_loop3A_150 = tpu.vector_load %arg7[%parallel_loop3A_148, %parallel_loop3A_149] {strides = array<i32>} : memref<2x10112xi32, #tpu.memory_space<vmem>>, vector<16xi32>,
        %parallel_loop3A_151 = tpu.vector_load_idx %arg6[%parallel_loop3A_150] : memref<10000xf32, #tpu.memory_space<vmem>>[vector<16xi32>], vector<16xf32>,
        %parallel_loop3A_152 = arith.addf %parallel_loop3A_146, %parallel_loop3A_151 : vector<16xf32>
        %parallel_loop3A_153 = arith.index_cast %parallel_loop3A_141 : i32 to index
        %parallel_loop3A_154 = tpu.vector_load %arg8[%parallel_loop3A_153] {strides = array<i32>} : memref<10112xf32, #tpu.memory_space<vmem>>, vector<16xf32>,
        %parallel_loop3A_155 = arith.addf %parallel_loop3A_152, %parallel_loop3A_154 : vector<16xf32>
        %parallel_loop3A_156 = arith.constant 0.000000e+00 : f32
        %parallel_loop3A_157 = vector.broadcast %parallel_loop3A_156 : f32 to vector<16xf32>
        %parallel_loop3A_158 = arith.subf %parallel_loop3A_157, %parallel_loop3A_155 : vector<16xf32>
        %parallel_loop3A_159 = math.exp %parallel_loop3A_158 : vector<16xf32>
        %parallel_loop3A_160 = arith.constant 1.000000e+00 : f32
        %parallel_loop3A_161 = vector.broadcast %parallel_loop3A_160 : f32 to vector<16xf32>
        %parallel_loop3A_162 = arith.addf %parallel_loop3A_161, %parallel_loop3A_159 : vector<16xf32>
        %parallel_loop3A_163 = arith.constant 1.000000e+00 : f32
        %parallel_loop3A_164 = vector.broadcast %parallel_loop3A_163 : f32 to vector<16xf32>
        %parallel_loop3A_165 = arith.divf %parallel_loop3A_164, %parallel_loop3A_162 : vector<16xf32>
        %parallel_loop3A_166 = arith.index_cast %parallel_loop3A_141 : i32 to index
        %parallel_loop3A_167 = tpu.vector_load %arg9[%parallel_loop3A_166] {strides = array<i32>} : memref<10112xf32, #tpu.memory_space<vmem>>, vector<16xf32>,
        tpu.vector_store %arg9[%parallel_loop3A_166], %parallel_loop3A_165 {strides = array<i32>} : memref<10112xf32, #tpu.memory_space<vmem>>, vector<16xf32>,
        %parallel_loop3A_168 = arith.constant 128 : i32
        %parallel_loop3A_169 = arith.muli %parallel_loop3A_47, %parallel_loop3A_168 : i32
        %parallel_loop3A_170 = arith.constant 64 : i32
        %parallel_loop3A_171 = arith.addi %parallel_loop3A_169, %parallel_loop3A_170 : i32
        %parallel_loop3A_172 = arith.constant 0 : i32
        %parallel_loop3A_173 = arith.index_cast %parallel_loop3A_172 : i32 to index
        %parallel_loop3A_174 = arith.index_cast %parallel_loop3A_171 : i32 to index
        %parallel_loop3A_175 = tpu.vector_load %arg7[%parallel_loop3A_173, %parallel_loop3A_174] {strides = array<i32>} : memref<2x10112xi32, #tpu.memory_space<vmem>>, vector<16xi32>,
        %parallel_loop3A_176 = tpu.vector_load_idx %arg6[%parallel_loop3A_175] : memref<10000xf32, #tpu.memory_space<vmem>>[vector<16xi32>], vector<16xf32>,
        %parallel_loop3A_177 = arith.constant 1 : i32
        %parallel_loop3A_178 = arith.index_cast %parallel_loop3A_177 : i32 to index
        %parallel_loop3A_179 = arith.index_cast %parallel_loop3A_171 : i32 to index
        %parallel_loop3A_180 = tpu.vector_load %arg7[%parallel_loop3A_178, %parallel_loop3A_179] {strides = array<i32>} : memref<2x10112xi32, #tpu.memory_space<vmem>>, vector<16xi32>,
        %parallel_loop3A_181 = tpu.vector_load_idx %arg6[%parallel_loop3A_180] : memref<10000xf32, #tpu.memory_space<vmem>>[vector<16xi32>], vector<16xf32>,
        %parallel_loop3A_182 = arith.addf %parallel_loop3A_176, %parallel_loop3A_181 : vector<16xf32>
        %parallel_loop3A_183 = arith.index_cast %parallel_loop3A_171 : i32 to index
        %parallel_loop3A_184 = tpu.vector_load %arg8[%parallel_loop3A_183] {strides = array<i32>} : memref<10112xf32, #tpu.memory_space<vmem>>, vector<16xf32>,
        %parallel_loop3A_185 = arith.addf %parallel_loop3A_182, %parallel_loop3A_184 : vector<16xf32>
        %parallel_loop3A_186 = arith.constant 0.000000e+00 : f32
        %parallel_loop3A_187 = vector.broadcast %parallel_loop3A_186 : f32 to vector<16xf32>
        %parallel_loop3A_188 = arith.subf %parallel_loop3A_187, %parallel_loop3A_185 : vector<16xf32>
        %parallel_loop3A_189 = math.exp %parallel_loop3A_188 : vector<16xf32>
        %parallel_loop3A_190 = arith.constant 1.000000e+00 : f32
        %parallel_loop3A_191 = vector.broadcast %parallel_loop3A_190 : f32 to vector<16xf32>
        %parallel_loop3A_192 = arith.addf %parallel_loop3A_191, %parallel_loop3A_189 : vector<16xf32>
        %parallel_loop3A_193 = arith.constant 1.000000e+00 : f32
        %parallel_loop3A_194 = vector.broadcast %parallel_loop3A_193 : f32 to vector<16xf32>
        %parallel_loop3A_195 = arith.divf %parallel_loop3A_194, %parallel_loop3A_192 : vector<16xf32>
        %parallel_loop3A_196 = arith.index_cast %parallel_loop3A_171 : i32 to index
        %parallel_loop3A_197 = tpu.vector_load %arg9[%parallel_loop3A_196] {strides = array<i32>} : memref<10112xf32, #tpu.memory_space<vmem>>, vector<16xf32>,
        tpu.vector_store %arg9[%parallel_loop3A_196], %parallel_loop3A_195 {strides = array<i32>} : memref<10112xf32, #tpu.memory_space<vmem>>, vector<16xf32>,
        %parallel_loop3A_198 = arith.constant 128 : i32
        %parallel_loop3A_199 = arith.muli %parallel_loop3A_47, %parallel_loop3A_198 : i32
        %parallel_loop3A_200 = arith.constant 80 : i32
        %parallel_loop3A_201 = arith.addi %parallel_loop3A_199, %parallel_loop3A_200 : i32
        %parallel_loop3A_202 = arith.constant 0 : i32
        %parallel_loop3A_203 = arith.index_cast %parallel_loop3A_202 : i32 to index
        %parallel_loop3A_204 = arith.index_cast %parallel_loop3A_201 : i32 to index
        %parallel_loop3A_205 = tpu.vector_load %arg7[%parallel_loop3A_203, %parallel_loop3A_204] {strides = array<i32>} : memref<2x10112xi32, #tpu.memory_space<vmem>>, vector<16xi32>,
        %parallel_loop3A_206 = tpu.vector_load_idx %arg6[%parallel_loop3A_205] : memref<10000xf32, #tpu.memory_space<vmem>>[vector<16xi32>], vector<16xf32>,
        %parallel_loop3A_207 = arith.constant 1 : i32
        %parallel_loop3A_208 = arith.index_cast %parallel_loop3A_207 : i32 to index
        %parallel_loop3A_209 = arith.index_cast %parallel_loop3A_201 : i32 to index
        %parallel_loop3A_210 = tpu.vector_load %arg7[%parallel_loop3A_208, %parallel_loop3A_209] {strides = array<i32>} : memref<2x10112xi32, #tpu.memory_space<vmem>>, vector<16xi32>,
        %parallel_loop3A_211 = tpu.vector_load_idx %arg6[%parallel_loop3A_210] : memref<10000xf32, #tpu.memory_space<vmem>>[vector<16xi32>], vector<16xf32>,
        %parallel_loop3A_212 = arith.addf %parallel_loop3A_206, %parallel_loop3A_211 : vector<16xf32>
        %parallel_loop3A_213 = arith.index_cast %parallel_loop3A_201 : i32 to index
        %parallel_loop3A_214 = tpu.vector_load %arg8[%parallel_loop3A_213] {strides = array<i32>} : memref<10112xf32, #tpu.memory_space<vmem>>, vector<16xf32>,
        %parallel_loop3A_215 = arith.addf %parallel_loop3A_212, %parallel_loop3A_214 : vector<16xf32>
        %parallel_loop3A_216 = arith.constant 0.000000e+00 : f32
        %parallel_loop3A_217 = vector.broadcast %parallel_loop3A_216 : f32 to vector<16xf32>
        %parallel_loop3A_218 = arith.subf %parallel_loop3A_217, %parallel_loop3A_215 : vector<16xf32>
        %parallel_loop3A_219 = math.exp %parallel_loop3A_218 : vector<16xf32>
        %parallel_loop3A_220 = arith.constant 1.000000e+00 : f32
        %parallel_loop3A_221 = vector.broadcast %parallel_loop3A_220 : f32 to vector<16xf32>
        %parallel_loop3A_222 = arith.addf %parallel_loop3A_221, %parallel_loop3A_219 : vector<16xf32>
        %parallel_loop3A_223 = arith.constant 1.000000e+00 : f32
        %parallel_loop3A_224 = vector.broadcast %parallel_loop3A_223 : f32 to vector<16xf32>
        %parallel_loop3A_225 = arith.divf %parallel_loop3A_224, %parallel_loop3A_222 : vector<16xf32>
        %parallel_loop3A_226 = arith.index_cast %parallel_loop3A_201 : i32 to index
        %parallel_loop3A_227 = tpu.vector_load %arg9[%parallel_loop3A_226] {strides = array<i32>} : memref<10112xf32, #tpu.memory_space<vmem>>, vector<16xf32>,
        tpu.vector_store %arg9[%parallel_loop3A_226], %parallel_loop3A_225 {strides = array<i32>} : memref<10112xf32, #tpu.memory_space<vmem>>, vector<16xf32>,
        %parallel_loop3A_228 = arith.constant 128 : i32
        %parallel_loop3A_229 = arith.muli %parallel_loop3A_47, %parallel_loop3A_228 : i32
        %parallel_loop3A_230 = arith.constant 96 : i32
        %parallel_loop3A_231 = arith.addi %parallel_loop3A_229, %parallel_loop3A_230 : i32
        %parallel_loop3A_232 = arith.constant 0 : i32
        %parallel_loop3A_233 = arith.index_cast %parallel_loop3A_232 : i32 to index
        %parallel_loop3A_234 = arith.index_cast %parallel_loop3A_231 : i32 to index
        %parallel_loop3A_235 = tpu.vector_load %arg7[%parallel_loop3A_233, %parallel_loop3A_234] {strides = array<i32>} : memref<2x10112xi32, #tpu.memory_space<vmem>>, vector<16xi32>,
        %parallel_loop3A_236 = tpu.vector_load_idx %arg6[%parallel_loop3A_235] : memref<10000xf32, #tpu.memory_space<vmem>>[vector<16xi32>], vector<16xf32>,
        %parallel_loop3A_237 = arith.constant 1 : i32
        %parallel_loop3A_238 = arith.index_cast %parallel_loop3A_237 : i32 to index
        %parallel_loop3A_239 = arith.index_cast %parallel_loop3A_231 : i32 to index
        %parallel_loop3A_240 = tpu.vector_load %arg7[%parallel_loop3A_238, %parallel_loop3A_239] {strides = array<i32>} : memref<2x10112xi32, #tpu.memory_space<vmem>>, vector<16xi32>,
        %parallel_loop3A_241 = tpu.vector_load_idx %arg6[%parallel_loop3A_240] : memref<10000xf32, #tpu.memory_space<vmem>>[vector<16xi32>], vector<16xf32>,
        %parallel_loop3A_242 = arith.addf %parallel_loop3A_236, %parallel_loop3A_241 : vector<16xf32>
        %parallel_loop3A_243 = arith.index_cast %parallel_loop3A_231 : i32 to index
        %parallel_loop3A_244 = tpu.vector_load %arg8[%parallel_loop3A_243] {strides = array<i32>} : memref<10112xf32, #tpu.memory_space<vmem>>, vector<16xf32>,
        %parallel_loop3A_245 = arith.addf %parallel_loop3A_242, %parallel_loop3A_244 : vector<16xf32>
        %parallel_loop3A_246 = arith.constant 0.000000e+00 : f32
        %parallel_loop3A_247 = vector.broadcast %parallel_loop3A_246 : f32 to vector<16xf32>
        %parallel_loop3A_248 = arith.subf %parallel_loop3A_247, %parallel_loop3A_245 : vector<16xf32>
        %parallel_loop3A_249 = math.exp %parallel_loop3A_248 : vector<16xf32>
        %parallel_loop3A_250 = arith.constant 1.000000e+00 : f32
        %parallel_loop3A_251 = vector.broadcast %parallel_loop3A_250 : f32 to vector<16xf32>
        %parallel_loop3A_252 = arith.addf %parallel_loop3A_251, %parallel_loop3A_249 : vector<16xf32>
        %parallel_loop3A_253 = arith.constant 1.000000e+00 : f32
        %parallel_loop3A_254 = vector.broadcast %parallel_loop3A_253 : f32 to vector<16xf32>
        %parallel_loop3A_255 = arith.divf %parallel_loop3A_254, %parallel_loop3A_252 : vector<16xf32>
        %parallel_loop3A_256 = arith.index_cast %parallel_loop3A_231 : i32 to index
        %parallel_loop3A_257 = tpu.vector_load %arg9[%parallel_loop3A_256] {strides = array<i32>} : memref<10112xf32, #tpu.memory_space<vmem>>, vector<16xf32>,
        tpu.vector_store %arg9[%parallel_loop3A_256], %parallel_loop3A_255 {strides = array<i32>} : memref<10112xf32, #tpu.memory_space<vmem>>, vector<16xf32>,
        %parallel_loop3A_258 = arith.constant 128 : i32
        %parallel_loop3A_259 = arith.muli %parallel_loop3A_47, %parallel_loop3A_258 : i32
        %parallel_loop3A_260 = arith.constant 112 : i32
        %parallel_loop3A_261 = arith.addi %parallel_loop3A_259, %parallel_loop3A_260 : i32
        %parallel_loop3A_262 = arith.constant 0 : i32
        %parallel_loop3A_263 = arith.index_cast %parallel_loop3A_262 : i32 to index
        %parallel_loop3A_264 = arith.index_cast %parallel_loop3A_261 : i32 to index
        %parallel_loop3A_265 = tpu.vector_load %arg7[%parallel_loop3A_263, %parallel_loop3A_264] {strides = array<i32>} : memref<2x10112xi32, #tpu.memory_space<vmem>>, vector<16xi32>,
        %parallel_loop3A_266 = tpu.vector_load_idx %arg6[%parallel_loop3A_265] : memref<10000xf32, #tpu.memory_space<vmem>>[vector<16xi32>], vector<16xf32>,
        %parallel_loop3A_267 = arith.constant 1 : i32
        %parallel_loop3A_268 = arith.index_cast %parallel_loop3A_267 : i32 to index
        %parallel_loop3A_269 = arith.index_cast %parallel_loop3A_261 : i32 to index
        %parallel_loop3A_270 = tpu.vector_load %arg7[%parallel_loop3A_268, %parallel_loop3A_269] {strides = array<i32>} : memref<2x10112xi32, #tpu.memory_space<vmem>>, vector<16xi32>,
        %parallel_loop3A_271 = tpu.vector_load_idx %arg6[%parallel_loop3A_270] : memref<10000xf32, #tpu.memory_space<vmem>>[vector<16xi32>], vector<16xf32>,
        %parallel_loop3A_272 = arith.addf %parallel_loop3A_266, %parallel_loop3A_271 : vector<16xf32>
        %parallel_loop3A_273 = arith.index_cast %parallel_loop3A_261 : i32 to index
        %parallel_loop3A_274 = tpu.vector_load %arg8[%parallel_loop3A_273] {strides = array<i32>} : memref<10112xf32, #tpu.memory_space<vmem>>, vector<16xf32>,
        %parallel_loop3A_275 = arith.addf %parallel_loop3A_272, %parallel_loop3A_274 : vector<16xf32>
        %parallel_loop3A_276 = arith.constant 0.000000e+00 : f32
        %parallel_loop3A_277 = vector.broadcast %parallel_loop3A_276 : f32 to vector<16xf32>
        %parallel_loop3A_278 = arith.subf %parallel_loop3A_277, %parallel_loop3A_275 : vector<16xf32>
        %parallel_loop3A_279 = math.exp %parallel_loop3A_278 : vector<16xf32>
        %parallel_loop3A_280 = arith.constant 1.000000e+00 : f32
        %parallel_loop3A_281 = vector.broadcast %parallel_loop3A_280 : f32 to vector<16xf32>
        %parallel_loop3A_282 = arith.addf %parallel_loop3A_281, %parallel_loop3A_279 : vector<16xf32>
        %parallel_loop3A_283 = arith.constant 1.000000e+00 : f32
        %parallel_loop3A_284 = vector.broadcast %parallel_loop3A_283 : f32 to vector<16xf32>
        %parallel_loop3A_285 = arith.divf %parallel_loop3A_284, %parallel_loop3A_282 : vector<16xf32>
        %parallel_loop3A_286 = arith.index_cast %parallel_loop3A_261 : i32 to index
        %parallel_loop3A_287 = tpu.vector_load %arg9[%parallel_loop3A_286] {strides = array<i32>} : memref<10112xf32, #tpu.memory_space<vmem>>, vector<16xf32>,
        tpu.vector_store %arg9[%parallel_loop3A_286], %parallel_loop3A_285 {strides = array<i32>} : memref<10112xf32, #tpu.memory_space<vmem>>, vector<16xf32>,
      } {sc.loop_unroll_factor = 2 : i64, sc.parallel_access}
      "tpu.region"() ({
        %run_scoped3A = tpu.sem_alloc : memref<!tpu.dma_semaphore, #tpu.memory_space<semaphore_mem>>
        %dma_start3A_47 = arith.constant 0 : i32
        %dma_start3A_48 = tpu.memref_slice %arg9[%dma_start3A_47] : memref<10112xf32, #tpu.memory_space<vmem>> -> memref<6528xf32, #tpu.memory_space<vmem>>
        %dma_start3A_49 = arith.constant 313472 : i32
        %dma_start3A_50 = tpu.memref_slice %arg5[%dma_start3A_49] : memref<320000xf32, #tpu.memory_space<hbm>> -> memref<6528xf32, #tpu.memory_space<hbm>>
        %dma_start3A_51 = arith.constant 313472 : i32
        %dma_start3A_52 = tpu.memref_slice %arg5[%dma_start3A_51] : memref<320000xf32, #tpu.memory_space<hbm>> -> memref<6528xf32, #tpu.memory_space<hbm>>
        %dma_start3A_53 = arith.constant 0 : i32
        %dma_start3A_54 = tpu.memref_slice %arg9[%dma_start3A_53] : memref<10112xf32, #tpu.memory_space<vmem>> -> memref<6528xf32, #tpu.memory_space<vmem>>
        tpu.enqueue_dma source(%dma_start3A_54 : memref<6528xf32, #tpu.memory_space<vmem>>) target(%dma_start3A_52 : memref<6528xf32, #tpu.memory_space<hbm>>) target_semaphore(%run_scoped3A : memref<!tpu.dma_semaphore, #tpu.memory_space<semaphore_mem>>)
        %dma_wait3A_55 = arith.constant 0 : i32
        %dma_wait3A_56 = tpu.memref_slice %arg9[%dma_wait3A_55] : memref<10112xf32, #tpu.memory_space<vmem>> -> memref<6528xf32, #tpu.memory_space<vmem>>
        %dma_wait3A_57 = arith.constant 313472 : i32
        %dma_wait3A_58 = tpu.memref_slice %arg5[%dma_wait3A_57] : memref<320000xf32, #tpu.memory_space<hbm>> -> memref<6528xf32, #tpu.memory_space<hbm>>
        %dma_wait3A_59 = arith.constant 313472 : i32
        %dma_wait3A_60 = tpu.memref_slice %arg5[%dma_wait3A_59] : memref<320000xf32, #tpu.memory_space<hbm>> -> memref<6528xf32, #tpu.memory_space<hbm>>
        %dma_wait3A_61 = arith.constant 0 : i32
        %dma_wait3A_62 = tpu.memref_slice %arg9[%dma_wait3A_61] : memref<10112xf32, #tpu.memory_space<vmem>> -> memref<6528xf32, #tpu.memory_space<vmem>>
        tpu.wait_dma2 semaphore(%run_scoped3A : memref<!tpu.dma_semaphore, #tpu.memory_space<semaphore_mem>>) src(%dma_wait3A_62 : memref<6528xf32, #tpu.memory_space<vmem>>) dst(%dma_wait3A_60 : memref<6528xf32, #tpu.memory_space<hbm>>)
        tpu.yield
      }) : () -> ()
    } else {
    }
    return
  }
}

module attributes {stable_mosaic.version = 14 : i64} {
  func.func @_tc_body(%arg0: i32, %arg1: memref<2000x128xf32, #tpu.memory_space<vmem>>, %arg2: memref<128x128xf32, #tpu.memory_space<vmem>>, %arg3: memref<1x128xf32, #tpu.memory_space<vmem>>, %arg4: memref<256x1xf32, #tpu.memory_space<vmem>>, %arg5: memref<1x1xf32, #tpu.memory_space<vmem>>, %arg6: memref<2000x1xf32, #tpu.memory_space<vmem>>) attributes {dimension_semantics = [#tpu.dimension_semantics<arbitrary>], iteration_bounds = array<i64: 5>, scalar_prefetch = 0 : i64, scratch_operands = 0 : i64, tpu.core_type = #tpu.core_type<tc>, window_params = [{transform_indices = @transform_0, window_bounds = array<i64: 2000, 128>}, {pipeline_mode = #tpu.pipeline_mode<synchronous>, transform_indices = @transform_1, window_bounds = array<i64: 128, 128>}, {pipeline_mode = #tpu.pipeline_mode<synchronous>, transform_indices = @transform_2, window_bounds = array<i64: 1, 128>}, {pipeline_mode = #tpu.pipeline_mode<synchronous>, transform_indices = @transform_3, window_bounds = array<i64: 256, 1>}, {pipeline_mode = #tpu.pipeline_mode<synchronous>, transform_indices = @transform_4, window_bounds = array<i64: 1, 1>}, {transform_indices = @transform_5, window_bounds = array<i64: 2000, 1>}]} {
    %get3A = arith.constant 0 : index
    %get3A_0 = arith.constant 0 : index
    %get3A_1 = vector.load %arg1[%get3A, %get3A_0] : memref<2000x128xf32, #tpu.memory_space<vmem>>, vector<2000x128xf32>
    %get3A_2 = arith.constant 0 : index
    %get3A_3 = arith.constant 0 : index
    %get3A_4 = vector.load %arg2[%get3A_2, %get3A_3] : memref<128x128xf32, #tpu.memory_space<vmem>>, vector<128x128xf32>
    %dot_general3A = arith.constant dense<0.000000e+00> : vector<2000x128xf32>
    %dot_general3A_5 = tpu.matmul %get3A_1, %get3A_4, %dot_general3A {dimension_numbers = #tpu.dot_dimension_numbers<[1], [0], [0], [1], [0, 0, 1, 1], [], []>, transpose_lhs_hint = false} : vector<2000x128xf32>, vector<128x128xf32>, vector<2000x128xf32> -> vector<2000x128xf32>
    %get3A_6 = arith.constant 0 : index
    %get3A_7 = arith.constant 0 : index
    %get3A_8 = vector.load %arg3[%get3A_6, %get3A_7] : memref<1x128xf32, #tpu.memory_space<vmem>>, vector<1x128xf32>
    %add3A = vector.broadcast %get3A_8 : vector<1x128xf32> to vector<2000x128xf32>
    %add3A_9 = arith.addf %dot_general3A_5, %add3A : vector<2000x128xf32>
    %max3A = arith.constant 0.000000e+00 : f32
    %max3A_10 = vector.broadcast %max3A : f32 to vector<2000x128xf32>
    %max3A_11 = arith.maximumf %add3A_9, %max3A_10 : vector<2000x128xf32>
    %get3A_12 = arith.constant 0 : index
    %get3A_13 = arith.constant 0 : index
    %get3A_14 = vector.load %arg4[%get3A_12, %get3A_13] : memref<256x1xf32, #tpu.memory_space<vmem>>, vector<128x1xf32>
    %get3A_15 = arith.constant 128 : index
    %get3A_16 = arith.constant 0 : index
    %get3A_17 = vector.load %arg4[%get3A_15, %get3A_16] : memref<256x1xf32, #tpu.memory_space<vmem>>, vector<128x1xf32>
    %add3A_18 = arith.addf %get3A_14, %get3A_17 : vector<128x1xf32>
    %mul3A = arith.constant 5.000000e-01 : f32
    %mul3A_19 = vector.broadcast %mul3A : f32 to vector<128x1xf32>
    %mul3A_20 = arith.mulf %add3A_18, %mul3A_19 : vector<128x1xf32>
    %dot_general3A_21 = arith.constant dense<0.000000e+00> : vector<2000x1xf32>
    %dot_general3A_22 = tpu.matmul %max3A_11, %mul3A_20, %dot_general3A_21 {dimension_numbers = #tpu.dot_dimension_numbers<[1], [0], [0], [1], [0, 0, 1, 1], [], []>, transpose_lhs_hint = false} : vector<2000x128xf32>, vector<128x1xf32>, vector<2000x1xf32> -> vector<2000x1xf32>
    %get3A_23 = arith.constant 0 : index
    %get3A_24 = arith.constant 0 : index
    %get3A_25 = vector.load %arg5[%get3A_23, %get3A_24] : memref<1x1xf32, #tpu.memory_space<vmem>>, vector<1x1xf32>
    %get3A_26 = vector.extract %get3A_25[0, 0] : f32 from vector<1x1xf32>
    %mul3A_27 = arith.constant 5.000000e-01 : f32
    %mul3A_28 = arith.mulf %mul3A_27, %get3A_26 : f32
    %add3A_29 = vector.broadcast %mul3A_28 : f32 to vector<2000x1xf32>
    %add3A_30 = arith.addf %dot_general3A_22, %add3A_29 : vector<2000x1xf32>
    %swap3A = arith.constant 0 : index
    %swap3A_31 = arith.constant 0 : index
    %swap3A_32 = vector.load %arg6[%swap3A, %swap3A_31] : memref<2000x1xf32, #tpu.memory_space<vmem>>, vector<2000x1xf32>
    tpu.vector_store %arg6[%swap3A, %swap3A_31], %add3A_30 {strides = array<i32>} : memref<2000x1xf32, #tpu.memory_space<vmem>>, vector<2000x1xf32>,
    return
  }
  func.func @transform_0(%arg0: i32) -> (i32, i32) {
    %c0_i32 = arith.constant 0 : i32
    %c0_i32_0 = arith.constant 0 : i32
    return %arg0, %c0_i32 : i32, i32
  }
  func.func @transform_1(%arg0: i32) -> (i32, i32) {
    %c0_i32 = arith.constant 0 : i32
    %c0_i32_0 = arith.constant 0 : i32
    %c0_i32_1 = arith.constant 0 : i32
    return %c0_i32, %c0_i32_0 : i32, i32
  }
  func.func @transform_2(%arg0: i32) -> (i32, i32) {
    %c0_i32 = arith.constant 0 : i32
    %c0_i32_0 = arith.constant 0 : i32
    %c0_i32_1 = arith.constant 0 : i32
    return %c0_i32, %c0_i32_0 : i32, i32
  }
  func.func @transform_3(%arg0: i32) -> (i32, i32) {
    %c0_i32 = arith.constant 0 : i32
    %c0_i32_0 = arith.constant 0 : i32
    %c0_i32_1 = arith.constant 0 : i32
    return %c0_i32, %c0_i32_0 : i32, i32
  }
  func.func @transform_4(%arg0: i32) -> (i32, i32) {
    %c0_i32 = arith.constant 0 : i32
    %c0_i32_0 = arith.constant 0 : i32
    %c0_i32_1 = arith.constant 0 : i32
    return %c0_i32, %c0_i32_0 : i32, i32
  }
  func.func @transform_5(%arg0: i32) -> (i32, i32) {
    %c0_i32 = arith.constant 0 : i32
    %c0_i32_0 = arith.constant 0 : i32
    return %arg0, %c0_i32 : i32, i32
  }
}

</mosaic_0001>

<sc_bundles>
// kernel: kernel.4.cloned.1.call-start
scs
__scs_entry_jumppad:
0x0: {  	(pc) =	sbr.rel $0x88, $3  }
0x1: {  	(tag) =	ssettag $0x0;
	lr =	simm.s32 $0x1  }
0x2: {  	[smem:$0x3F9B] =	sst lr;
	_ =	strace $0xD0000000  }
0x3: {  	_ = 	snop  }
0x4: {  	_ = 	snop  }
0x5: {  	_ = 	snop  }
0x6: {  	_ = 	snop  }
0x7: {  	_ = 	snop  }
__scs_overlays_trampoline_lowered:
0x8: {  	[smem:$0x3FAA] =	sst s0  }
0x9: {  	[smem:$0x3FAB] =	sst s1  }
0xa: {  	[smem:$0x3FAC] =	sst s2  }
0xb: {  	[smem:$0x3FAD] =	sst s3  }
0xc: {  	[smem:$0x3FAE] =	sst s4  }
0xd: {  	[smem:$0x3FAF] =	sst s5  }
0xe: {  	[smem:$0x3FB0] =	sst s6  }
0xf: {  	[smem:$0x3FB1] =	sst s7  }
0x10: {  	[smem:$0x3FB2] =	sst s8  }
0x11: {  	[smem:$0x3FB3] =	sst s9;
	s0 =	simm.s32 @!p0 $0x0  }
0x12: {  	s1 =	sld [smem:$0x3F99];
	s0 =	simm.s32 @p0 $0x1  }
0x13: {  	[smem:$0x3FB4] =	sst s0;
	s0 =	simm.s32 @!p1 $0x0  }
0x14: {  	s2 =	sld [smem:$0x3F98];
	s0 =	simm.s32 @p1 $0x1  }
0x15: {  	[smem:$0x3FB5] =	sst s0;
	s0 =	simm.s32 @!p2 $0x0  }
0x16: {  	s3 =	sld [smem:$0x3FDB];
	s0 =	simm.s32 @p2 $0x1  }
0x17: {  	s4 =	simm.s32 $0x1BF5;
	[smem:$0x3FB7] =	sst s0  }
0x18: {  	s0 =	sld [smem:$0x3F9A];
	_ =	swait.ge [sflag:s4], $0x0  }
0x19: {  	s7 =	sld [smem:$0x3F9B]  }
0x1a: {  	s8 =	sadd.s32 $0xFFFFE003, lr  }
0x1b: {  	s9 =	sadd.s32 $0xFFFFFEF7, lr;
	s5 =	simm.s32 $0xFFFFFFFF;
	p2 =	slt.u32 s8, $0xFFFFF086  }
0x1c: {  	p1 =	slt.u32 s9, $0xF7A;
	s5 =	simm.s32 @!p2 $0x0  }
0x1d: {  	s5 =	simm.s32 @p1 $0x1;
	p0 =	seq.s32 s7, s2  }
0x1e: {  	s7 =	smul.u32 @!p0 $0xF7A, s2;
	p2 =	seq.s32 @!p0 s5, $0x0  }
0x1f: {  	s9 =	smul.u32 $0xF7A, s1;
	s8 =	simm.s32 @!p0 $0x1BF5;
	p2 =	por !p2, p0  }
0x20: {  	[sflag:s8] =	ssyncset.s32 @!p0 $0xFFFFF086;
	s6 =	sadd.s32 @!p0 s3, s7;
	s7 =	simm.s32 @!p0 $0x108  }
0x21: {  	s3 =	sadd.s32 s3, s9;
	s6 =	sadd.s32 @!p0 $0x88, s6;
	s7 =	simm.s32 @p2 $0x1082  }
0x22: {  	[simem:s7], [sflag:s8] =	dma.local @!p0 [hbm:s6], $0xF7A  }
0x23: {  	s9 =	sor.u32 $0xD0000000, s2;
	s6 =	simm.s32 $0x108;
	_ =	swait.ge @!p0 [sflag:s8], $0x0  }
0x24: {  	s3 =	sadd.s32 $0x88, s3;
	s6 =	simm.s32 @!p1 $0x1082;
	[sflag:s4] =	ssyncset.s32 $0xFFFFF086  }
0x25: {  	[simem:s6], [sflag:s4] =	dma.local [hbm:s3], $0xF7A  }
0x26: {  	[smem:$0x3F9B] =	sst s1;
	(tag) =	ssettag s2;
	_ =	strace s9  }
0x27: {  	s1 =	sld [smem:$0x3FAB]  }
0x28: {  	s2 =	sld [smem:$0x3FAC]  }
0x29: {  	s4 =	sld [smem:$0x3FAE]  }
0x2a: {  	p0 =	seq.s32 s5, $0x0;
	s5 =	sld [smem:$0x3FAF]  }
0x2b: {  	s6 =	sld [smem:$0x3FB0]  }
0x2c: {  	s7 =	sld [smem:$0x3FB1]  }
0x2d: {  	s3 =	simm.s32 $0x108;
	s8 =	sld [smem:$0x3FB2]  }
0x2e: {  	s3 =	simm.s32 @!p0 $0x1082;
	s9 =	sld [smem:$0x3FB3]  }
0x2f: {  	lr =	sadd.s32 s0, s3;
	s0 =	sld [smem:$0x3FAA]  }
0x30: {  	s3 =	sld [smem:$0x3FAD]  }
0x31: {  	[smem:$0x3FB6] =	sst s10  }
0x32: {  	s10 =	sld [smem:$0x3FB4];
	_ =	sdelay $0x3  }
0x33: {  	p0 =	seq.s32 s10, $0x1;
	s10 =	sld [smem:$0x3FB6];
	_ =	sdelay $0x3  }
0x34: {  	[smem:$0x3FB6] =	sst s10  }
0x35: {  	s10 =	sld [smem:$0x3FB5];
	_ =	sdelay $0x3  }
0x36: {  	p1 =	seq.s32 s10, $0x1;
	s10 =	sld [smem:$0x3FB6];
	_ =	sdelay $0x3  }
0x37: {  	[smem:$0x3FB6] =	sst s10  }
0x38: {  	s10 =	sld [smem:$0x3FB7]  }
0x39: {  	_ = 	snop;
	(pc) =	sbr.ind lr, $3  }
0x3a: {  	_ = 	snop  }
0x3b: {  	_ = 	snop  }
0x3c: {  	p2 =	seq.s32 s10, $0x1;
	s10 =	sld [smem:$0x3FB6]  }
0x3d: {  	_ =	shalt  }
0x3e: {  	_ =	shalt  }
0x3f: {  	_ =	shalt  }
0x40: {  	_ =	shalt  }
0x41: {  	_ =	shalt  }
0x42: {  	_ =	shalt  }
0x43: {  	_ =	shalt  }
0x44: {  	_ =	shalt  }
0x45: {  	_ =	shalt  }
0x46: {  	_ =	shalt  }
0x47: {  	_ =	shalt  }
0x48: {  	_ =	shalt  }
0x49: {  	_ =	shalt  }
0x4a: {  	_ =	shalt  }
0x4b: {  	_ =	shalt  }
0x4c: {  	_ =	shalt  }
0x4d: {  	_ =	shalt  }
0x4e: {  	_ =	shalt  }
0x4f: {  	_ =	shalt  }
0x50: {  	_ =	shalt  }
0x51: {  	_ =	shalt  }
0x52: {  	_ =	shalt  }
0x53: {  	_ =	shalt  }
0x54: {  	_ =	shalt  }
0x55: {  	_ =	shalt  }
0x56: {  	_ =	shalt  }
0x57: {  	_ =	shalt  }
0x58: {  	_ =	shalt  }
0x59: {  	_ =	shalt  }
0x5a: {  	_ =	shalt  }
0x5b: {  	_ =	shalt  }
0x5c: {  	_ =	shalt  }
0x5d: {  	_ =	shalt  }
0x5e: {  	_ =	shalt  }
0x5f: {  	_ =	shalt  }
0x60: {  	_ =	shalt  }
0x61: {  	_ =	shalt  }
0x62: {  	_ =	shalt  }
0x63: {  	_ =	shalt  }
0x64: {  	_ =	shalt  }
0x65: {  	_ =	shalt  }
0x66: {  	_ =	shalt  }
0x67: {  	_ =	shalt  }
0x68: {  	_ =	shalt  }
0x69: {  	_ =	shalt  }
0x6a: {  	_ =	shalt  }
0x6b: {  	_ =	shalt  }
0x6c: {  	_ =	shalt  }
0x6d: {  	_ =	shalt  }
0x6e: {  	_ =	shalt  }
0x6f: {  	_ =	shalt  }
0x70: {  	_ =	shalt  }
0x71: {  	_ =	shalt  }
0x72: {  	_ =	shalt  }
0x73: {  	_ =	shalt  }
0x74: {  	_ =	shalt  }
0x75: {  	_ =	shalt  }
0x76: {  	_ =	shalt  }
0x77: {  	_ =	shalt  }
0x78: {  	_ =	shalt  }
0x79: {  	_ =	shalt  }
0x7a: {  	_ =	shalt  }
0x7b: {  	_ =	shalt  }
0x7c: {  	_ =	shalt  }
0x7d: {  	_ =	shalt  }
0x7e: {  	_ =	shalt  }
0x7f: {  	_ =	shalt  }
0x80: {  	_ =	shalt  }
0x81: {  	_ =	shalt  }
0x82: {  	_ =	shalt  }
0x83: {  	_ =	shalt  }
0x84: {  	_ =	shalt  }
0x85: {  	_ =	shalt  }
0x86: {  	_ =	shalt  }
0x87: {  	_ =	shalt  }
.Lfunc_end0:
.L_simem_size_0:
called_computation_lowered:
.L_overlay_start_0:
0x88: {  	s2 =	sld [smem:$0x3FD9]  }
0x89: {  	s3 =	sld [smem:$0x3FFE];
	_ =	sdelay $0x1  }
0x8a: {  	s1 =	srdreg.scid  }
0x8b: {  	s0 =	sand.u32 $0x1, s1  }
0x8c: {  	s17 =	sshll.u32 s0, $0xA;
	s2 =	sadd.s32 s3, s2  }
0x8d: {  	s2 =	sadd.s32 s2, s17  }
0x8e: {  	[smem:$0x3FC2] =	sst s2  }
0x8f: {  	_ = 	snop  }
0x90: {  	s2 =	sld [smem:$0x3FC8]  }
0x91: {  	s18 =	sld [smem:$0x3FD0];
	(tm) =	ssettm $0x1  }
0x92: {  	s4 =	sld [smem:$0x3FFB];
	_ =	sdelay $0x3  }
0x93: {  	_ =	strace s4  }
0x94: {  	s4 =	sld [smem:$0x3FFC];
	_ =	sdelay $0x3  }
0x95: {  	_ =	strace s4  }
0x96: {  	s4 =	sld [smem:$0x3FFD];
	_ =	sdelay $0x3  }
0x97: {  	_ =	strace s4  }
0x98: {  	_ =	strace $0x8FFFFFFF  }
0x99: {  	s19 =	sld [smem:$0x3FDB];
	_ =	sdelay $0x1  }
0x9a: {  	s5 =	simm.s32 $_scs_section_size  }
0x9b: {  	s6 =	simm.s32 $_size__tile_overlayer_lowered;
	s7 =	simm.s32 $_tile_overlayer_lowered  }
0x9c: {  	s22 =	simm.s32 $0x1BFF;
	s21 =	sshll.u32 s7, $0x1;
	s4 =	sadd.s32 s5, s19  }
0x9d: {  	s8 =	simm.s32 $0x0;
	s20 =	sshll.u32 s6, $0x1;
	s6 =	sadd.s32 s21, s4  }
0x9e: {  	[timem:s8], [sflag:s22] =	dma.local [hbm:s6], s20  }
0x9f: {  	_ =	swait.ge [sflag:s22], s20  }
0xa0: {  	s5 =	ssub.s32 $0x0, s20;
	[sflag:s22] =	ssyncset.done $0x0  }
0xa1: {  	[sflag:s22] =	ssyncadd.s32 s5;
	_ =	sdelay $0x1  }
0xa2: {  	s23 =	simm.s32 $0x1B8B  }
0xa3: {  	_ =	swait.ge [sflag:s23], $0x1  }
0xa4: {  	[sflag:s23] =	ssyncset.done $0x0  }
0xa5: {  	s25 =	simm.s32 $0x1B8E;
	s24 =	sld [smem:$0x3FFE];
	[sflag:s23] =	ssyncadd.s32 $0xFFFFFFFF  }
0xa6: {  	s26 =	simm.s32 $execute0_lowered;
	[smem:$0x3FD2] =	sst s25  }
0xa7: {  	s6 =	sshll.u32 s26, $0x1;
	_ =	strace $0x80000046;
	[dreg:$0x1] =	wrdreg $0xFFFFFFFF  }
0xa8: {  	s28 =	simm.s32 $_size_execute0_lowered;
	s4 =	sadd.s32 s4, s6;
	[dreg:$0x0] =	wrdreg $0x0  }
0xa9: {  	s6 =	sshll.u32 s28, $0x1;
	[dreg:$0x2] =	wrdreg s4  }
0xaa: {  	[dreg:$0x3] =	wrdreg s6  }
0xab: {  	[dreg:$0x4] =	wrdreg $0xC0  }
0xac: {  	_ =	task [dreg:s8], $0x5FFFF  }
0xad: {  	[dreg:$0x1] =	wrdreg $0xFFFFFFFF  }
0xae: {  	[dreg:$0x0] =	wrdreg $0x60  }
0xaf: {  	[dreg:$0x2] =	wrdreg s24  }
0xb0: {  	[dreg:$0x3] =	wrdreg s2  }
0xb1: {  	[dreg:$0x4] =	wrdreg s18  }
0xb2: {  	[dreg:$0x5] =	wrdreg $0x9  }
0xb3: {  	_ =	task.clear_ibuf [dreg:s8], $0x6FFFF;
	_ =	strace $0x90000046  }
0xb4: {  	s29 =	simm.s32 $0x9;
	_ =	strace $0x80000048  }
0xb5: {  	_ =	swait.ge [sflag:s29], $0x1  }
0xb6: {  	[sflag:s29] =	ssyncadd.s32 $0xFFFFFFFF  }
0xb7: {  	_ =	strace $0x90000048  }
0xb8: {  	_ =	sfence  }
0xb9: {  	s30 =	sld [smem:$0x0];
	_ =	sdelay $0x2  }
0xba: {  	s31 =	sshll.u32 s1, $0xD;
	s1 =	sshrl.u32 s1, $0x2  }
0xbb: {  	s3 =	sand.u32 $0x4000, s31;
	s1 =	sadd.s32 s1, s30  }
0xbc: {  	s0 =	sor.u32 s3, s0;
	s1 =	sshll.u32 s1, $0x11  }
0xbd: {  	s0 =	sor.u32 s1, s0  }
0xbe: {  	s0 =	sadd.s32 $0x8F2B, s0  }
0xbf: {  	[sflag:s0] =	ssyncadd.remote.s32 $0x1  }
0xc0: {  	_ =	sfence.sel $0xFFFF  }
0xc1: {  	[dreg:$0x0] =	wrdreg $0xFFFFFFFF;
	(pc) =	sbr.abs _section_cstart, $3  }
0xc2: {  	[dreg:$0x1] =	wrdreg $0xFFFFFFFF  }
0xc3: {  	_ =	task.clear_ibuf [dreg:s8], $0x2FFFF;
	_ =	strace $0x9FFFFFFF  }
0xc4: {  	(tm) =	ssettm $0x7FFFFFFF  }
0xc5: {  	_ =	shalt  }
tec
execute0_lowered:
.L_overlay_start_1:
0x0: {  	(tag) =	ssettag $0x1  }
0x1: {  	s0 =	rddreg [dreg:$0x0]  }
0x2: {  	s1 =	rddreg [dreg:$0x1];
	s2 =	srdreg.scid  }
0x3: {  	s4 =	stileid.u32;
	s9 =	rddreg [dreg:$0x2];
	s13 =	simm.s32 $0x1  }
0x4: {  	s15 =	simm.s32 $0x2;
	s3 =	sand.u32 $0x1, s2;
	s4 =	sshll.u32 s4, $0x1  }
0x5: {  	s16 =	simm.s32 $0x0;
	s2 =	simm.s32 $0x0;
	s11 =	sor.u32 s3, s4  }
0x6: {  	[smem:$0x7FF] =	sst s2;
	s31 =	ssub.s32 $0x2, s3;
	s6 =	smul.u32 $0x4F0, s11  }
.Ltmp0:
0x7: {  	s3 =	sadd.s32 $0x800, s0;
	_ =	strace $0x80000047;
	(pc) =	sbr.rel .LBB2_1-.Ltmp0, $4  }
0x8: {  	s5 =	smul.u32 $0x9E0, s11;
	s8 =	sshrl.u32 s31, $0x1;
	p0 =	seq.s32 s11, $0x1F  }
0x9: {  	s10 =	ssub.s32 s31, s8;
	s8 =	sadd.s32 $0xA710, s0;
	s7 =	sadd.s32 s6, s0  }
0xa: {  	s4 =	sadd.s32 s1, s5;
	s6 =	sadd.s32 s9, s6;
	s9 =	sadd.s32 $0x9910, s9  }
0xb: {  	s10 =	smax.u32 s10, $0x1;
	s5 =	sadd.s32 $0xE00, s7;
	s7 =	sadd.s32 $0x13220, s1  }
.LBB2_7:
0xc: {  	v10 =	vadd.f32 $1.000000000e+00, v10  }
0xd: {  	(erf) = vpow2.f32 v7  }
0xe: {  	(erf) = vrcp.f32 v10  }
0xf: {  	v32 =	vsub.f32 $0.0e+00, v8  }
0x10: {  	v33 =	vmul.f32 $1.442695020e+00, v9  }
0x11: {  	v7 =	vmul.f32 $1.442695020e+00, v32  }
0x12: {  	v5 =	vld.idx.msk [tilespmem:v5+s2+$0x0], $0xffff;
	(erf) = vpow2.f32 v33  }
0x13: {  	v6 =	vld.idx.msk [tilespmem:v6+s2+$0x0], $0xffff;
	(erf) = vpow2.f32 v7  }
0x14: {  	v34 =	vpop (erf);
	v4 =	vld.idx.msk [tilespmem:v4+s2+$0x0], $0xffff  }
0x15: {  	v35 =	vld [tilespmem:s24+$0x50];
	v36 =	vpop (erf)  }
0x16: {  	[tilespmem:s19+$0x60] =	vst v34;
	v9 =	vadd.f32 $1.000000000e+00, v36;
	v37 =	vpop (erf)  }
0x17: {  	v38 =	vld [tilespmem:s20+$0x70];
	v7 =	vadd.f32 $1.000000000e+00, v37;
	v39 =	vpop (erf)  }
0x18: {  	v11 =	vld [tilespmem:s20+$0xF0];
	v5 =	vadd.f32 v6, v5;
	(erf) = vrcp.f32 v9;
	[tilespmem:s1+$0x10] =	vst v39  }
0x19: {  	v0 =	vadd.f32 v4, v0;
	(erf) = vrcp.f32 v7;
	v6 =	vld [tilespmem:s31+$0x20]  }
0x1a: {  	v5 =	vadd.f32 v35, v5;
	v40 =	vld [tilespmem:s31+$0xA0]  }
0x1b: {  	v0 =	vadd.f32 v3, v0;
	v41 =	vpop (erf)  }
0x1c: {  	v5 =	vsub.f32 $0.0e+00, v5;
	v42 =	vpop (erf);
	v4 =	vadd.f32 $1.000000000e+00, v41  }
0x1d: {  	v43 =	vadd.f32 $1.000000000e+00, v42  }
0x1e: {  	v46 =	vld [tilespmem:s21+$0x70];
	v0 =	vsub.f32 $0.0e+00, v0;
	v5 =	vmul.f32 $1.442695020e+00, v5;
	(erf) = vrcp.f32 v4  }
0x1f: {  	v44 =	vld.idx.msk [tilespmem:v38+s2+$0x0], $0xffff;
	(erf) = vrcp.f32 v43  }
0x20: {  	v45 =	vld.idx.msk [tilespmem:v11+s2+$0x0], $0xffff;
	v0 =	vmul.f32 $1.442695020e+00, v0;
	(erf) = vpow2.f32 v5  }
0x21: {  	v47 =	vpop (erf);
	v6 =	vld.idx.msk [tilespmem:v6+s2+$0x0], $0xffff  }
0x22: {  	(erf) = vpow2.f32 v0;
	v48 =	vpop (erf);
	v7 =	vld.idx.msk [tilespmem:v40+s2+$0x0], $0xffff  }
0x23: {  	v49 =	vld [tilespmem:s0+$0x20];
	[tilespmem:s1+$0xFFFFFF90] =	vst v48  }
0x24: {  	v9 =	vld [tilespmem:s31+$0xFFFFFF20]  }
0x25: {  	v50 =	vadd.f32 v45, v44;
	v51 =	vld [tilespmem:s31+$0xFFFFFFA0];
	_ =	sdelay $0x1  }
0x26: {  	v4 =	vadd.f32 v46, v50;
	v0 =	vpop (erf);
	v6 =	vadd.f32 v7, v6  }
0x27: {  	v52 =	vpop (erf)  }
0x28: {  	v4 =	vsub.f32 $0.0e+00, v4;
	v53 =	vpop (erf);
	[tilespmem:s30+$0x30] =	vst v52;
	v6 =	vadd.f32 v49, v6  }
0x29: {  	v54 =	vadd.f32 $1.000000000e+00, v53;
	v55 =	vld [tilespmem:s28+$0x40]  }
0x2a: {  	v4 =	vmul.f32 $1.442695020e+00, v4;
	v56 =	vld [tilespmem:s28+$0xC0];
	v57 =	vpop (erf);
	v6 =	vsub.f32 $0.0e+00, v6  }
0x2b: {  	v59 =	vadd.f32 $1.000000000e+00, v57;
	(erf) = vrcp.f32 v54;
	v58 =	vld.idx.msk [tilespmem:v9+s2+$0x0], $0xffff  }
0x2c: {  	(erf) = vpow2.f32 v4;
	v3 =	vld.idx.msk [tilespmem:v51+s2+$0x0], $0xffff;
	v60 =	vmul.f32 $1.442695020e+00, v6  }
0x2d: {  	(erf) = vrcp.f32 v59  }
0x2e: {  	v61 =	vld [tilespmem:s0+$0xFFFFFFA0];
	(erf) = vpow2.f32 v60  }
0x2f: {  	[tilespmem:s26+$0xFFFFFFC0] =	vst v47  }
0x30: {  	v17 =	vld [tilespmem:s23+$0xFFFFFFD0]  }
0x31: {  	v63 =	vld.idx.msk [tilespmem:v55+s2+$0x0], $0xffff;
	v3 =	vadd.f32 v3, v58  }
0x32: {  	v16 =	vld.idx.msk [tilespmem:v56+s2+$0x0], $0xffff  }
0x33: {  	v62 =	vld [tilespmem:s23+$0xFFFFFF50];
	v3 =	vadd.f32 v61, v3  }
0x34: {  	v19 =	vld [tilespmem:s29+$0x40];
	v18 =	vpop (erf)  }
0x35: {  	v2 =	vld.idx.msk [tilespmem:v2+s2+$0x0], $0xffff;
	v20 =	vpop (erf);
	[tilespmem:s26+$0x50] =	vst v18;
	v3 =	vsub.f32 $0.0e+00, v3  }
0x36: {  	v21 =	vadd.f32 $1.000000000e+00, v20;
	v22 =	vld [tilespmem:s23+$0x60];
	v23 =	vpop (erf)  }
0x37: {  	v12 =	vld [tilespmem:s23+$0xE0];
	v5 =	vadd.f32 v16, v63;
	v3 =	vmul.f32 $1.442695020e+00, v3;
	v24 =	vpop (erf)  }
0x38: {  	v1 =	vld.idx.msk [tilespmem:v1+s2+$0x0], $0xffff;
	(erf) = vrcp.f32 v21;
	v25 =	vadd.f32 $1.000000000e+00, v24  }
0x39: {  	v28 =	vld [tilespmem:s21+$0xFFFFFFE0];
	v5 =	vadd.f32 v19, v5;
	(erf) = vpow2.f32 v3  }
0x3a: {  	v27 =	vld.idx.msk [tilespmem:v17+s2+$0x0], $0xffff;
	(erf) = vrcp.f32 v25  }
0x3b: {  	v4 =	vld.idx.msk [tilespmem:v62+s2+$0x0], $0xffff;
	v5 =	vsub.f32 $0.0e+00, v5  }
0x3c: {  	v35 =	vld [tilespmem:s25+$0xFFFFFF70]  }
0x3d: {  	v26 =	vld [tilespmem:s24+$0xFFFFFFD0];
	v5 =	vmul.f32 $1.442695020e+00, v5  }
0x3e: {  	v29 =	vld.idx.msk [tilespmem:v22+s2+$0x0], $0xffff  }
0x3f: {  	v30 =	vld.idx.msk [tilespmem:v12+s2+$0x0], $0xffff;
	(erf) = vpow2.f32 v5  }
0x40: {  	v37 =	vld [tilespmem:s25+$0xFFFFFFF0];
	v4 =	vadd.f32 v27, v4  }
0x41: {  	v2 =	vadd.f32 v1, v2;
	v32 =	vld [tilespmem:s24+$0x60];
	[tilespmem:s30+$0xFFFFFFB0] =	vst v23;
	v1 =	vpop (erf)  }
0x42: {  	v31 =	vld [tilespmem:s28+$0xFFFFFF40];
	v3 =	vadd.f32 v26, v4;
	v34 =	vpop (erf)  }
0x43: {  	v2 =	vadd.f32 v28, v2;
	v33 =	vld [tilespmem:s28+$0xFFFFFFC0];
	v36 =	vpop (erf)  }
0x44: {  	v3 =	vsub.f32 $0.0e+00, v3;
	v8 =	vadd.f32 v30, v29;
	[tilespmem:s1+$0x20] =	vst v36  }
0x45: {  	v2 =	vsub.f32 $0.0e+00, v2;
	v7 =	vld [tilespmem:s31+$0x30]  }
0x46: {  	v3 =	vmul.f32 $1.442695020e+00, v3;
	v6 =	vadd.f32 v32, v8;
	v38 =	vld [tilespmem:s31+$0xB0]  }
0x47: {  	v2 =	vmul.f32 $1.442695020e+00, v2;
	v45 =	vld [tilespmem:s22+$0xFFFFFFF0]  }
0x48: {  	v43 =	vld.idx.msk [tilespmem:v35+s2+$0x0], $0xffff;
	(erf) = vpow2.f32 v3;
	v40 =	vadd.f32 $1.000000000e+00, v34;
	v41 =	vpop (erf);
	v6 =	vsub.f32 $0.0e+00, v6  }
0x49: {  	v44 =	vld.idx.msk [tilespmem:v37+s2+$0x0], $0xffff;
	(erf) = vpow2.f32 v2;
	v42 =	vadd.f32 $1.000000000e+00, v41  }
0x4a: {  	v5 =	vld.idx.msk [tilespmem:v31+s2+$0x0], $0xffff;
	(erf) = vrcp.f32 v40;
	v6 =	vmul.f32 $1.442695020e+00, v6  }
0x4b: {  	v4 =	vld.idx.msk [tilespmem:v33+s2+$0x0], $0xffff;
	(erf) = vrcp.f32 v42  }
0x4c: {  	v39 =	vld [tilespmem:s29+$0xFFFFFFC0];
	(erf) = vpow2.f32 v6  }
0x4d: {  	v7 =	vld.idx.msk [tilespmem:v7+s2+$0x0], $0xffff  }
0x4e: {  	v8 =	vld.idx.msk [tilespmem:v38+s2+$0x0], $0xffff;
	_ =	sdelay $0x1  }
0x4f: {  	v4 =	vadd.f32 v4, v5;
	v46 =	vld [tilespmem:s0+$0x30]  }
0x50: {  	v2 =	vadd.f32 v44, v43;
	v47 =	vpop (erf)  }
0x51: {  	v3 =	vadd.f32 v39, v4;
	v49 =	vpop (erf)  }
0x52: {  	v2 =	vadd.f32 v45, v2;
	v50 =	vpop (erf);
	v51 =	vadd.f32 v8, v7  }
0x53: {  	v3 =	vsub.f32 $0.0e+00, v3;
	v48 =	vadd.f32 $1.000000000e+00, v47;
	v53 =	vpop (erf)  }
0x54: {  	v52 =	vadd.f32 $1.000000000e+00, v49;
	v54 =	vpop (erf);
	v4 =	vadd.f32 v46, v51  }
0x55: {  	v2 =	vsub.f32 $0.0e+00, v2;
	(erf) = vrcp.f32 v48;
	[tilespmem:s30+$0x40] =	vst v53;
	v55 =	vadd.f32 $1.000000000e+00, v54  }
0x56: {  	v3 =	vmul.f32 $1.442695020e+00, v3;
	(erf) = vrcp.f32 v52;
	v56 =	vld [tilespmem:s28+$0x50];
	v4 =	vsub.f32 $0.0e+00, v4  }
0x57: {  	v2 =	vmul.f32 $1.442695020e+00, v2;
	v8 =	vld [tilespmem:s28+$0xD0];
	(erf) = vrcp.f32 v55  }
0x58: {  	(erf) = vpow2.f32 v3;
	v57 =	vmul.f32 $1.442695020e+00, v4  }
0x59: {  	(erf) = vpow2.f32 v2  }
0x5a: {  	(erf) = vpow2.f32 v57;
	_ =	sdelay $0x3  }
0x5b: {  	v58 =	vpop (erf);
	v59 =	vld.idx.msk [tilespmem:v56+s2+$0x0], $0xffff  }
0x5c: {  	[tilespmem:s1+$0xFFFFFFA0] =	vst v50;
	v60 =	vpop (erf);
	v61 =	vld.idx.msk [tilespmem:v8+s2+$0x0], $0xffff  }
0x5d: {  	v6 =	vld [tilespmem:s31+$0xFFFFFF30];
	v62 =	vpop (erf)  }
0x5e: {  	v63 =	vld [tilespmem:s29+$0x50];
	v16 =	vpop (erf)  }
0x5f: {  	v17 =	vld [tilespmem:s31+$0xFFFFFFB0];
	v9 =	vadd.f32 $1.000000000e+00, v16;
	v18 =	vpop (erf)  }
0x60: {  	[tilespmem:s26+$0x60] =	vst v62;
	v11 =	vadd.f32 $1.000000000e+00, v18;
	v19 =	vpop (erf)  }
0x61: {  	v20 =	vld [tilespmem:s23+$0x70];
	v2 =	vadd.f32 v61, v59;
	(erf) = vrcp.f32 v9;
	v21 =	vadd.f32 $1.000000000e+00, v19  }
0x62: {  	v22 =	vld [tilespmem:s23+$0xF0];
	(erf) = vrcp.f32 v11  }
0x63: {  	v2 =	vadd.f32 v63, v2;
	(erf) = vrcp.f32 v21;
	_ =	sdelay $0x1  }
0x64: {  	v2 =	vsub.f32 $0.0e+00, v2  }
0x65: {  	v23 =	vld.idx.msk [tilespmem:v6+s2+$0x0], $0xffff  }
0x66: {  	v24 =	vld.idx.msk [tilespmem:v17+s2+$0x0], $0xffff;
	v2 =	vmul.f32 $1.442695020e+00, v2  }
0x67: {  	v25 =	vld [tilespmem:s0+$0xFFFFFFB0]  }
0x68: {  	v26 =	vld.idx.msk [tilespmem:v20+s2+$0x0], $0xffff;
	(erf) = vpow2.f32 v2  }
0x69: {  	v7 =	vld.idx.msk [tilespmem:v22+s2+$0x0], $0xffff;
	v27 =	vpop (erf)  }
0x6a: {  	v2 =	vpop (erf)  }
0x6b: {  	v5 =	vadd.f32 v24, v23;
	v28 =	vld [tilespmem:s24+$0x70];
	v29 =	vpop (erf)  }
0x6c: {  	[tilespmem:s1+$0x30] =	vst v29  }
0x6d: {  	v5 =	vadd.f32 v25, v5;
	v30 =	vld [tilespmem:s31+$0x40]  }
0x6e: {  	v7 =	vadd.f32 v7, v26;
	v31 =	vld [tilespmem:s31+$0xC0]  }
0x6f: {  	v5 =	vsub.f32 $0.0e+00, v5  }
0x70: {  	v6 =	vadd.f32 v28, v7  }
0x71: {  	[tilespmem:s26+$0xFFFFFFD0] =	vst v58;
	v32 =	vmul.f32 $1.442695020e+00, v5;
	v33 =	vpop (erf)  }
0x72: {  	v34 =	vld [tilespmem:s23+$0xFFFFFF60];
	[tilespmem:s30+$0xFFFFFFC0] =	vst v27;
	v6 =	vsub.f32 $0.0e+00, v6;
	v5 =	vadd.f32 $1.000000000e+00, v33  }
0x73: {  	(erf) = vpow2.f32 v32;
	v10 =	vld [tilespmem:s28+$0xFFFFFF50]  }
0x74: {  	v36 =	vld [tilespmem:s28+$0xFFFFFFD0];
	v35 =	vmul.f32 $1.442695020e+00, v6;
	(erf) = vrcp.f32 v5  }
0x75: {  	v37 =	vld.idx.msk [tilespmem:v30+s2+$0x0], $0xffff  }
0x76: {  	(erf) = vpow2.f32 v35;
	v38 =	vld.idx.msk [tilespmem:v31+s2+$0x0], $0xffff;
	_ =	sdelay $0x1  }
0x77: {  	v39 =	vld [tilespmem:s0+$0x40]  }
0x78: {  	v40 =	vld [tilespmem:s23+$0xFFFFFFE0];
	_ =	sdelay $0x1  }
0x79: {  	v41 =	vld.idx.msk [tilespmem:v34+s2+$0x0], $0xffff;
	v3 =	vadd.f32 v38, v37  }
0x7a: {  	v47 =	vld [tilespmem:s29+$0xFFFFFFD0];
	v42 =	vpop (erf)  }
0x7b: {  	v10 =	vld.idx.msk [tilespmem:v10+s2+$0x0], $0xffff;
	v43 =	vpop (erf);
	v3 =	vadd.f32 v39, v3  }
0x7c: {  	v5 =	vld.idx.msk [tilespmem:v36+s2+$0x0], $0xffff;
	[tilespmem:s30+$0x50] =	vst v43  }
0x7d: {  	v7 =	vadd.f32 $1.000000000e+00, v42;
	v44 =	vpop (erf);
	v11 =	vld [tilespmem:s28+$0x60];
	v3 =	vsub.f32 $0.0e+00, v3  }
0x7e: {  	v45 =	vadd.f32 $1.000000000e+00, v44;
	v46 =	vld [tilespmem:s28+$0xE0]  }
0x7f: {  	v9 =	vld.idx.msk [tilespmem:v40+s2+$0x0], $0xffff;
	(erf) = vrcp.f32 v7;
	v3 =	vmul.f32 $1.442695020e+00, v3  }
0x80: {  	(erf) = vrcp.f32 v45  }
0x81: {  	v48 =	vld [tilespmem:s24+$0xFFFFFFE0];
	v49 =	vadd.f32 v5, v10;
	(erf) = vpow2.f32 v3;
	_ =	sdelay $0x1  }
0x82: {  	v3 =	vadd.f32 v47, v49  }
0x83: {  	v50 =	vadd.f32 v9, v41  }
0x84: {  	v51 =	vld.idx.msk [tilespmem:v11+s2+$0x0], $0xffff;
	v3 =	vsub.f32 $0.0e+00, v3  }
0x85: {  	v5 =	vadd.f32 v48, v50;
	v52 =	vld.idx.msk [tilespmem:v46+s2+$0x0], $0xffff;
	_ =	sdelay $0x1  }
0x86: {  	[tilespmem:s19+$0xFFFFFFE0] =	vst v60;
	v5 =	vsub.f32 $0.0e+00, v5;
	v54 =	vld [tilespmem:s29+$0x60];
	v53 =	vpop (erf)  }
0x87: {  	v59 =	vld [tilespmem:s20+$0xFFFFFF70];
	[tilespmem:s1+$0xFFFFFFB0] =	vst v53;
	v56 =	vmul.f32 $1.442695020e+00, v3;
	v3 =	vpop (erf)  }
0x88: {  	v5 =	vmul.f32 $1.442695020e+00, v5;
	v55 =	vld [tilespmem:s31+$0xFFFFFF40];
	v58 =	vpop (erf)  }
0x89: {  	v57 =	vld [tilespmem:s31+$0xFFFFFFC0];
	(erf) = vpow2.f32 v56;
	v6 =	vadd.f32 v52, v51;
	v60 =	vadd.f32 $1.000000000e+00, v58  }
0x8a: {  	v61 =	vld [tilespmem:s20+$0xFFFFFFF0];
	(erf) = vpow2.f32 v5  }
0x8b: {  	v62 =	vadd.f32 v54, v6;
	(erf) = vrcp.f32 v60;
	_ =	sdelay $0x1  }
0x8c: {  	v5 =	vsub.f32 $0.0e+00, v62;
	_ =	sdelay $0x1  }
0x8d: {  	v16 =	vld.idx.msk [tilespmem:v59+s2+$0x0], $0xffff;
	v5 =	vmul.f32 $1.442695020e+00, v5  }
0x8e: {  	v63 =	vld.idx.msk [tilespmem:v55+s2+$0x0], $0xffff  }
0x8f: {  	v4 =	vld.idx.msk [tilespmem:v57+s2+$0x0], $0xffff;
	(erf) = vpow2.f32 v5  }
0x90: {  	v18 =	vld.idx.msk [tilespmem:v61+s2+$0x0], $0xffff;
	v17 =	vpop (erf)  }
0x91: {  	v19 =	vld [tilespmem:s0+$0xFFFFFFC0];
	v20 =	vpop (erf)  }
0x92: {  	v21 =	vld [tilespmem:s21+$0xFFFFFFF0];
	v22 =	vpop (erf)  }
0x93: {  	[tilespmem:s1+$0x40] =	vst v22  }
0x94: {  	v4 =	vadd.f32 v4, v63;
	v23 =	vld [tilespmem:s31+$0x50]  }
0x95: {  	v5 =	vadd.f32 v18, v16;
	v12 =	vld [tilespmem:s31+$0xD0]  }
0x96: {  	v4 =	vadd.f32 v19, v4  }
0x97: {  	v7 =	vadd.f32 $1.000000000e+00, v17;
	v5 =	vadd.f32 v21, v5  }
0x98: {  	v4 =	vsub.f32 $0.0e+00, v4;
	v24 =	vadd.f32 $1.000000000e+00, v20;
	v25 =	vpop (erf)  }
0x99: {  	(erf) = vrcp.f32 v7;
	v5 =	vsub.f32 $0.0e+00, v5;
	v26 =	vadd.f32 $1.000000000e+00, v25  }
0x9a: {  	v4 =	vmul.f32 $1.442695020e+00, v4;
	(erf) = vrcp.f32 v24  }
0x9b: {  	v5 =	vmul.f32 $1.442695020e+00, v5;
	(erf) = vrcp.f32 v26  }
0x9c: {  	(erf) = vpow2.f32 v4;
	v27 =	vld.idx.msk [tilespmem:v23+s2+$0x0], $0xffff  }
0x9d: {  	(erf) = vpow2.f32 v5;
	v28 =	vld.idx.msk [tilespmem:v12+s2+$0x0], $0xffff;
	_ =	sdelay $0x1  }
0x9e: {  	v29 =	vld [tilespmem:s0+$0x50];
	_ =	sdelay $0x2  }
0x9f: {  	v30 =	vpop (erf);
	v4 =	vadd.f32 v28, v27  }
0xa0: {  	v31 =	vpop (erf)  }
0xa1: {  	v32 =	vpop (erf);
	v4 =	vadd.f32 v29, v4  }
0xa2: {  	v33 =	vpop (erf)  }
0xa3: {  	v5 =	vadd.f32 $1.000000000e+00, v33;
	v34 =	vpop (erf);
	v4 =	vsub.f32 $0.0e+00, v4  }
0xa4: {  	v9 =	vadd.f32 $1.000000000e+00, v34  }
0xa5: {  	(erf) = vrcp.f32 v5;
	v4 =	vmul.f32 $1.442695020e+00, v4  }
0xa6: {  	(erf) = vrcp.f32 v9  }
0xa7: {  	(erf) = vpow2.f32 v4;
	_ =	sdelay $0x6  }
0xa8: {  	[tilespmem:s30+$0x60] =	vst v32;
	v5 =	vpop (erf)  }
0xa9: {  	v8 =	vld [tilespmem:s28+$0x70];
	v4 =	vpop (erf)  }
0xaa: {  	v35 =	vld [tilespmem:s28+$0xF0];
	v36 =	vpop (erf)  }
0xab: {  	v10 =	vadd.f32 $1.000000000e+00, v36;
	_ =	sdelay $0x1  }
0xac: {  	(erf) = vrcp.f32 v10;
	_ =	sdelay $0x1  }
0xad: {  	[tilespmem:s30+$0xFFFFFFD0] =	vst v30  }
0xae: {  	v7 =	vld [tilespmem:s28+$0xFFFFFF60]  }
0xaf: {  	v8 =	vld.idx.msk [tilespmem:v8+s2+$0x0], $0xffff  }
0xb0: {  	v9 =	vld.idx.msk [tilespmem:v35+s2+$0x0], $0xffff  }
0xb1: {  	v38 =	vld [tilespmem:s28+$0xFFFFFFE0]  }
0xb2: {  	v37 =	vld [tilespmem:s29+$0x70]  }
0xb3: {  	[tilespmem:s1+$0xFFFFFFC0] =	vst v5  }
0xb4: {  	v5 =	vld [tilespmem:s31+$0xFFFFFF50];
	v39 =	vpop (erf)  }
0xb5: {  	v8 =	vadd.f32 v9, v8;
	v40 =	vld [tilespmem:s31+$0xFFFFFFD0];
	[tilespmem:s1+$0x50] =	vst v39  }
0xb6: {  	v12 =	vld [tilespmem:s31+$0x60]  }
0xb7: {  	v8 =	vadd.f32 v37, v8;
	v41 =	vld [tilespmem:s31+$0xE0];
	_ =	sdelay $0x1  }
0xb8: {  	v7 =	vld.idx.msk [tilespmem:v7+s2+$0x0], $0xffff;
	v8 =	vsub.f32 $0.0e+00, v8  }
0xb9: {  	v11 =	vld.idx.msk [tilespmem:v38+s2+$0x0], $0xffff  }
0xba: {  	v13 =	vld [tilespmem:s0+$0xFFFFFFD0];
	v8 =	vmul.f32 $1.442695020e+00, v8  }
0xbb: {  	v5 =	vld.idx.msk [tilespmem:v5+s2+$0x0], $0xffff  }
0xbc: {  	(erf) = vpow2.f32 v8;
	v42 =	vld.idx.msk [tilespmem:v40+s2+$0x0], $0xffff  }
0xbd: {  	v43 =	vld.idx.msk [tilespmem:v12+s2+$0x0], $0xffff  }
0xbe: {  	v10 =	vld.idx.msk [tilespmem:v41+s2+$0x0], $0xffff  }
0xbf: {  	v44 =	vld [tilespmem:s29+$0xFFFFFFE0]  }
0xc0: {  	v14 =	vld [tilespmem:s0+$0x60]  }
0xc1: {  	v5 =	vadd.f32 v42, v5  }
0xc2: {  	v7 =	vadd.f32 v11, v7  }
0xc3: {  	v5 =	vadd.f32 v13, v5;
	v45 =	vadd.f32 v10, v43  }
0xc4: {  	v7 =	vadd.f32 v44, v7  }
0xc5: {  	v46 =	vpop (erf);
	v5 =	vsub.f32 $0.0e+00, v5;
	v8 =	vadd.f32 v14, v45  }
0xc6: {  	v7 =	vsub.f32 $0.0e+00, v7;
	v9 =	vadd.f32 $1.000000000e+00, v46  }
0xc7: {  	v5 =	vmul.f32 $1.442695020e+00, v5;
	v8 =	vsub.f32 $0.0e+00, v8  }
0xc8: {  	v7 =	vmul.f32 $1.442695020e+00, v7;
	(erf) = vrcp.f32 v9  }
0xc9: {  	(erf) = vpow2.f32 v5;
	v47 =	vmul.f32 $1.442695020e+00, v8  }
0xca: {  	(erf) = vpow2.f32 v7  }
0xcb: {  	(erf) = vpow2.f32 v47;
	_ =	sdelay $0x5  }
0xcc: {  	v48 =	vpop (erf)  }
0xcd: {  	v49 =	vpop (erf)  }
0xce: {  	v7 =	vadd.f32 $1.000000000e+00, v49;
	v50 =	vpop (erf)  }
0xcf: {  	[tilespmem:s26+$0xFFFFFFE0] =	vst v31;
	v51 =	vadd.f32 $1.000000000e+00, v50;
	v52 =	vpop (erf)  }
0xd0: {  	v53 =	vld [tilespmem:s23+$0xFFFFFF70];
	(erf) = vrcp.f32 v7;
	v54 =	vadd.f32 $1.000000000e+00, v52  }
0xd1: {  	v55 =	vld [tilespmem:s23+$0xFFFFFFF0];
	(erf) = vrcp.f32 v51  }
0xd2: {  	(erf) = vrcp.f32 v54;
	_ =	sdelay $0x5  }
0xd3: {  	v56 =	vld.idx.msk [tilespmem:v53+s2+$0x0], $0xffff  }
0xd4: {  	v57 =	vld.idx.msk [tilespmem:v55+s2+$0x0], $0xffff;
	v58 =	vpop (erf)  }
0xd5: {  	v59 =	vpop (erf)  }
0xd6: {  	v60 =	vld [tilespmem:s24+$0xFFFFFFF0];
	v61 =	vpop (erf)  }
0xd7: {  	[tilespmem:s1+$0x60] =	vst v61  }
0xd8: {  	v11 =	vld [tilespmem:s31+$0x70]  }
0xd9: {  	v6 =	vadd.f32 v57, v56;
	v62 =	vld [tilespmem:s31+$0xF0];
	_ =	sdelay $0x1  }
0xda: {  	v6 =	vadd.f32 v60, v6;
	_ =	sdelay $0x1  }
0xdb: {  	v6 =	vsub.f32 $0.0e+00, v6;
	_ =	sdelay $0x1  }
0xdc: {  	v6 =	vmul.f32 $1.442695020e+00, v6  }
0xdd: {  	v63 =	vld.idx.msk [tilespmem:v11+s2+$0x0], $0xffff  }
0xde: {  	(erf) = vpow2.f32 v6;
	v12 =	vld.idx.msk [tilespmem:v62+s2+$0x0], $0xffff;
	_ =	sdelay $0x1  }
0xdf: {  	v13 =	vld [tilespmem:s0+$0x70]  }
0xe0: {  	[tilespmem:s1+$0xFFFFFFD0] =	vst v58  }
0xe1: {  	v8 =	vld [tilespmem:s31+$0xFFFFFF60]  }
0xe2: {  	v14 =	vld [tilespmem:s31+$0xFFFFFFE0];
	v6 =	vadd.f32 v12, v63;
	_ =	sdelay $0x1  }
0xe3: {  	v6 =	vadd.f32 v13, v6;
	_ =	sdelay $0x1  }
0xe4: {  	v15 =	vpop (erf);
	v6 =	vsub.f32 $0.0e+00, v6  }
0xe5: {  	v7 =	vadd.f32 $1.000000000e+00, v15  }
0xe6: {  	v6 =	vmul.f32 $1.442695020e+00, v6  }
0xe7: {  	v16 =	vld.idx.msk [tilespmem:v8+s2+$0x0], $0xffff;
	(erf) = vrcp.f32 v7  }
0xe8: {  	v17 =	vld.idx.msk [tilespmem:v14+s2+$0x0], $0xffff;
	(erf) = vpow2.f32 v6;
	_ =	sdelay $0x1  }
0xe9: {  	v18 =	vld [tilespmem:s0+$0xFFFFFFE0];
	_ =	sdelay $0x2  }
0xea: {  	v6 =	vadd.f32 v17, v16;
	_ =	sdelay $0x1  }
0xeb: {  	v6 =	vadd.f32 v18, v6  }
0xec: {  	v19 =	vpop (erf)  }
0xed: {  	v6 =	vsub.f32 $0.0e+00, v6;
	v20 =	vpop (erf)  }
0xee: {  	v8 =	vadd.f32 $1.000000000e+00, v20  }
0xef: {  	v6 =	vmul.f32 $1.442695020e+00, v6  }
0xf0: {  	(erf) = vrcp.f32 v8  }
0xf1: {  	(erf) = vpow2.f32 v6;
	_ =	sdelay $0x7  }
0xf2: {  	v21 =	vpop (erf)  }
0xf3: {  	[tilespmem:s30+$0xFFFFFFE0] =	vst v59;
	v22 =	vpop (erf)  }
0xf4: {  	v9 =	vld [tilespmem:s28+$0xFFFFFF70];
	v8 =	vadd.f32 $1.000000000e+00, v22  }
0xf5: {  	v23 =	vld [tilespmem:s28+$0xFFFFFFF0]  }
0xf6: {  	(erf) = vrcp.f32 v8;
	_ =	sdelay $0x5  }
0xf7: {  	v24 =	vld.idx.msk [tilespmem:v9+s2+$0x0], $0xffff  }
0xf8: {  	v25 =	vld.idx.msk [tilespmem:v23+s2+$0x0], $0xffff;
	_ =	sdelay $0x1  }
0xf9: {  	v26 =	vld [tilespmem:s29+$0xFFFFFFF0];
	v27 =	vpop (erf)  }
0xfa: {  	[tilespmem:s1+$0xFFFFFFE0] =	vst v27  }
0xfb: {  	v11 =	vld [tilespmem:s31+$0xFFFFFF70]  }
0xfc: {  	v8 =	vadd.f32 v25, v24;
	v28 =	vld [tilespmem:s31+$0xFFFFFFF0];
	_ =	sdelay $0x1  }
0xfd: {  	v8 =	vadd.f32 v26, v8;
	_ =	sdelay $0x1  }
0xfe: {  	v8 =	vsub.f32 $0.0e+00, v8;
	_ =	sdelay $0x1  }
0xff: {  	v8 =	vmul.f32 $1.442695020e+00, v8  }
0x100: {  	v29 =	vld.idx.msk [tilespmem:v11+s2+$0x0], $0xffff  }
0x101: {  	(erf) = vpow2.f32 v8;
	v30 =	vld.idx.msk [tilespmem:v28+s2+$0x0], $0xffff;
	_ =	sdelay $0x1  }
0x102: {  	v31 =	vld [tilespmem:s0+$0xFFFFFFF0];
	_ =	sdelay $0x2  }
0x103: {  	v8 =	vadd.f32 v30, v29;
	_ =	sdelay $0x1  }
0x104: {  	v8 =	vadd.f32 v31, v8;
	_ =	sdelay $0x1  }
0x105: {  	v32 =	vpop (erf);
	v8 =	vsub.f32 $0.0e+00, v8  }
0x106: {  	v9 =	vadd.f32 $1.000000000e+00, v32  }
0x107: {  	v8 =	vmul.f32 $1.442695020e+00, v8  }
0x108: {  	(erf) = vrcp.f32 v9  }
0x109: {  	(erf) = vpow2.f32 v8;
	_ =	sdelay $0x7  }
0x10a: {  	v33 =	vpop (erf)  }
0x10b: {  	v34 =	vpop (erf)  }
0x10c: {  	v9 =	vadd.f32 $1.000000000e+00, v34;
	_ =	sdelay $0x1  }
0x10d: {  	(erf) = vrcp.f32 v9  }
0x10e: {  	[tilespmem:s17+$0xFFFFFFF0] =	vst v0  }
0x10f: {  	[tilespmem:s19+$0x70] =	vst v1  }
0x110: {  	[tilespmem:s18+$0xFFFFFFF0] =	vst v2  }
0x111: {  	[tilespmem:s26+$0x70] =	vst v3  }
0x112: {  	[tilespmem:s19+$0xFFFFFFF0] =	vst v4  }
0x113: {  	[tilespmem:s30+$0x70] =	vst v48  }
0x114: {  	[tilespmem:s26+$0xFFFFFFF0] =	vst v19  }
0x115: {  	[tilespmem:s1+$0x70] =	vst v21  }
0x116: {  	[tilespmem:s30+$0xFFFFFFF0] =	vst v33;
	v35 =	vpop (erf)  }
0x117: {  	[tilespmem:s1+$0xFFFFFFF0] =	vst v35  }
0x118: {  	v0 =	vld [tilespmem:$0x5980]  }
0x119: {  	v1 =	vld [tilespmem:$0x5A00];
	_ =	sdelay $0x6  }
0x11a: {  	v0 =	vld.idx.msk [tilespmem:v0+s2+$0x0], $0xffff  }
0x11b: {  	v1 =	vld.idx.msk [tilespmem:v1+s2+$0x0], $0xffff;
	_ =	sdelay $0x1  }
0x11c: {  	v2 =	vld [tilespmem:$0x8F80];
	_ =	sdelay $0x2  }
0x11d: {  	v0 =	vadd.f32 v1, v0;
	_ =	sdelay $0x1  }
0x11e: {  	v0 =	vadd.f32 v2, v0;
	_ =	sdelay $0x1  }
0x11f: {  	v0 =	vsub.f32 $0.0e+00, v0;
	_ =	sdelay $0x1  }
0x120: {  	v0 =	vmul.f32 $1.442695020e+00, v0;
	_ =	sdelay $0x1  }
0x121: {  	(erf) = vpow2.f32 v0;
	_ =	sdelay $0x8  }
0x122: {  	v0 =	vpop (erf)  }
0x123: {  	v0 =	vadd.f32 $1.000000000e+00, v0;
	_ =	sdelay $0x1  }
0x124: {  	(erf) = vrcp.f32 v0;
	_ =	sdelay $0x2  }
0x125: {  	v36 =	vld [tilespmem:$0x5990]  }
0x126: {  	v37 =	vld [tilespmem:$0x5A10];
	_ =	sdelay $0x4  }
0x127: {  	v38 =	vpop (erf)  }
0x128: {  	[tilespmem:$0xB700] =	vst v38  }
0x129: {  	v0 =	vld.idx.msk [tilespmem:v36+s2+$0x0], $0xffff  }
0x12a: {  	v1 =	vld.idx.msk [tilespmem:v37+s2+$0x0], $0xffff;
	_ =	sdelay $0x1  }
0x12b: {  	v39 =	vld [tilespmem:$0x8F90];
	_ =	sdelay $0x2  }
0x12c: {  	v0 =	vadd.f32 v1, v0;
	_ =	sdelay $0x1  }
0x12d: {  	v0 =	vadd.f32 v39, v0;
	_ =	sdelay $0x1  }
0x12e: {  	v0 =	vsub.f32 $0.0e+00, v0;
	_ =	sdelay $0x1  }
0x12f: {  	v0 =	vmul.f32 $1.442695020e+00, v0;
	_ =	sdelay $0x1  }
0x130: {  	(erf) = vpow2.f32 v0;
	_ =	sdelay $0x8  }
0x131: {  	v0 =	vpop (erf)  }
0x132: {  	v0 =	vadd.f32 $1.000000000e+00, v0;
	_ =	sdelay $0x1  }
0x133: {  	(erf) = vrcp.f32 v0;
	_ =	sdelay $0x2  }
0x134: {  	v40 =	vld [tilespmem:$0x59A0]  }
0x135: {  	v41 =	vld [tilespmem:$0x5A20];
	_ =	sdelay $0x4  }
0x136: {  	v42 =	vpop (erf)  }
0x137: {  	[tilespmem:$0xB710] =	vst v42  }
0x138: {  	v0 =	vld.idx.msk [tilespmem:v40+s2+$0x0], $0xffff  }
0x139: {  	v1 =	vld.idx.msk [tilespmem:v41+s2+$0x0], $0xffff;
	_ =	sdelay $0x1  }
0x13a: {  	v43 =	vld [tilespmem:$0x8FA0];
	_ =	sdelay $0x2  }
0x13b: {  	v0 =	vadd.f32 v1, v0;
	_ =	sdelay $0x1  }
0x13c: {  	v0 =	vadd.f32 v43, v0;
	_ =	sdelay $0x1  }
0x13d: {  	v0 =	vsub.f32 $0.0e+00, v0;
	_ =	sdelay $0x1  }
0x13e: {  	v0 =	vmul.f32 $1.442695020e+00, v0;
	_ =	sdelay $0x1  }
0x13f: {  	(erf) = vpow2.f32 v0;
	_ =	sdelay $0x8  }
0x140: {  	v0 =	vpop (erf)  }
0x141: {  	v0 =	vadd.f32 $1.000000000e+00, v0;
	_ =	sdelay $0x1  }
0x142: {  	(erf) = vrcp.f32 v0;
	_ =	sdelay $0x2  }
0x143: {  	v44 =	vld [tilespmem:$0x59B0]  }
0x144: {  	v45 =	vld [tilespmem:$0x5A30];
	_ =	sdelay $0x4  }
0x145: {  	v46 =	vpop (erf)  }
0x146: {  	[tilespmem:$0xB720] =	vst v46  }
0x147: {  	v0 =	vld.idx.msk [tilespmem:v44+s2+$0x0], $0xffff  }
0x148: {  	v1 =	vld.idx.msk [tilespmem:v45+s2+$0x0], $0xffff;
	_ =	sdelay $0x1  }
0x149: {  	v47 =	vld [tilespmem:$0x8FB0];
	_ =	sdelay $0x2  }
0x14a: {  	v0 =	vadd.f32 v1, v0;
	_ =	sdelay $0x1  }
0x14b: {  	v0 =	vadd.f32 v47, v0;
	_ =	sdelay $0x1  }
0x14c: {  	v0 =	vsub.f32 $0.0e+00, v0;
	_ =	sdelay $0x1  }
0x14d: {  	v0 =	vmul.f32 $1.442695020e+00, v0;
	_ =	sdelay $0x1  }
0x14e: {  	(erf) = vpow2.f32 v0;
	_ =	sdelay $0x8  }
0x14f: {  	v0 =	vpop (erf)  }
0x150: {  	v0 =	vadd.f32 $1.000000000e+00, v0;
	_ =	sdelay $0x1  }
0x151: {  	(erf) = vrcp.f32 v0;
	_ =	sdelay $0x2  }
0x152: {  	v48 =	vld [tilespmem:$0x59C0]  }
0x153: {  	v49 =	vld [tilespmem:$0x5A40];
	_ =	sdelay $0x4  }
0x154: {  	v50 =	vpop (erf)  }
0x155: {  	[tilespmem:$0xB730] =	vst v50  }
0x156: {  	v0 =	vld.idx.msk [tilespmem:v48+s2+$0x0], $0xffff  }
0x157: {  	v1 =	vld.idx.msk [tilespmem:v49+s2+$0x0], $0xffff;
	_ =	sdelay $0x1  }
0x158: {  	v51 =	vld [tilespmem:$0x8FC0];
	_ =	sdelay $0x2  }
0x159: {  	v0 =	vadd.f32 v1, v0;
	_ =	sdelay $0x1  }
0x15a: {  	v0 =	vadd.f32 v51, v0;
	_ =	sdelay $0x1  }
0x15b: {  	v0 =	vsub.f32 $0.0e+00, v0;
	_ =	sdelay $0x1  }
0x15c: {  	v0 =	vmul.f32 $1.442695020e+00, v0;
	_ =	sdelay $0x1  }
0x15d: {  	(erf) = vpow2.f32 v0;
	_ =	sdelay $0x8  }
0x15e: {  	v0 =	vpop (erf)  }
0x15f: {  	v0 =	vadd.f32 $1.000000000e+00, v0;
	_ =	sdelay $0x1  }
0x160: {  	(erf) = vrcp.f32 v0;
	_ =	sdelay $0x2  }
0x161: {  	v52 =	vld [tilespmem:$0x59D0]  }
0x162: {  	v53 =	vld [tilespmem:$0x5A50];
	_ =	sdelay $0x4  }
0x163: {  	v54 =	vpop (erf)  }
0x164: {  	[tilespmem:$0xB740] =	vst v54  }
0x165: {  	v0 =	vld.idx.msk [tilespmem:v52+s2+$0x0], $0xffff  }
0x166: {  	v1 =	vld.idx.msk [tilespmem:v53+s2+$0x0], $0xffff;
	_ =	sdelay $0x1  }
0x167: {  	v55 =	vld [tilespmem:$0x8FD0];
	_ =	sdelay $0x2  }
0x168: {  	v0 =	vadd.f32 v1, v0;
	_ =	sdelay $0x1  }
0x169: {  	v0 =	vadd.f32 v55, v0;
	_ =	sdelay $0x1  }
0x16a: {  	v0 =	vsub.f32 $0.0e+00, v0;
	_ =	sdelay $0x1  }
0x16b: {  	v0 =	vmul.f32 $1.442695020e+00, v0;
	_ =	sdelay $0x1  }
0x16c: {  	(erf) = vpow2.f32 v0;
	_ =	sdelay $0x8  }
0x16d: {  	v0 =	vpop (erf)  }
0x16e: {  	v0 =	vadd.f32 $1.000000000e+00, v0;
	_ =	sdelay $0x1  }
0x16f: {  	(erf) = vrcp.f32 v0;
	_ =	sdelay $0x2  }
0x170: {  	v56 =	vld [tilespmem:$0x59E0]  }
0x171: {  	v57 =	vld [tilespmem:$0x5A60];
	_ =	sdelay $0x4  }
0x172: {  	v58 =	vpop (erf)  }
0x173: {  	[tilespmem:$0xB750] =	vst v58  }
0x174: {  	v0 =	vld.idx.msk [tilespmem:v56+s2+$0x0], $0xffff  }
0x175: {  	v1 =	vld.idx.msk [tilespmem:v57+s2+$0x0], $0xffff;
	_ =	sdelay $0x1  }
0x176: {  	v59 =	vld [tilespmem:$0x8FE0];
	_ =	sdelay $0x2  }
0x177: {  	v0 =	vadd.f32 v1, v0;
	_ =	sdelay $0x1  }
0x178: {  	v0 =	vadd.f32 v59, v0;
	_ =	sdelay $0x1  }
0x179: {  	v0 =	vsub.f32 $0.0e+00, v0;
	_ =	sdelay $0x1  }
0x17a: {  	v0 =	vmul.f32 $1.442695020e+00, v0;
	_ =	sdelay $0x1  }
0x17b: {  	(erf) = vpow2.f32 v0;
	_ =	sdelay $0x8  }
0x17c: {  	v0 =	vpop (erf)  }
0x17d: {  	v0 =	vadd.f32 $1.000000000e+00, v0;
	_ =	sdelay $0x1  }
0x17e: {  	(erf) = vrcp.f32 v0;
	_ =	sdelay $0x2  }
0x17f: {  	v60 =	vld [tilespmem:$0x59F0]  }
0x180: {  	v61 =	vld [tilespmem:$0x5A70];
	_ =	sdelay $0x4  }
0x181: {  	v62 =	vpop (erf)  }
0x182: {  	[tilespmem:$0xB760] =	vst v62  }
0x183: {  	v0 =	vld.idx.msk [tilespmem:v60+s2+$0x0], $0xffff  }
0x184: {  	v1 =	vld.idx.msk [tilespmem:v61+s2+$0x0], $0xffff;
	_ =	sdelay $0x1  }
0x185: {  	v63 =	vld [tilespmem:$0x8FF0];
	_ =	sdelay $0x2  }
0x186: {  	v0 =	vadd.f32 v1, v0;
	_ =	sdelay $0x1  }
0x187: {  	v0 =	vadd.f32 v63, v0;
	_ =	sdelay $0x1  }
0x188: {  	v0 =	vsub.f32 $0.0e+00, v0;
	_ =	sdelay $0x1  }
0x189: {  	v0 =	vmul.f32 $1.442695020e+00, v0;
	_ =	sdelay $0x1  }
0x18a: {  	(erf) = vpow2.f32 v0;
	_ =	sdelay $0x8  }
0x18b: {  	v0 =	vpop (erf)  }
0x18c: {  	v0 =	vadd.f32 $1.000000000e+00, v0;
	_ =	sdelay $0x1  }
0x18d: {  	(erf) = vrcp.f32 v0;
	_ =	sdelay $0x8  }
0x18e: {  	v0 =	vpop (erf)  }
0x18f: {  	s31 =	simm.s32 $0x9E00;
	[tilespmem:$0xB770] =	vst v0  }
0x190: {  	[hbm4b:s9+s2] =	stream.linear.scatter [tilespmem:s31], [sflag:$0x2], $0x1980, $0x38;
	[tilespmem:$0xC580] =	vst v63  }
0x191: {  	_ =	swait.ge [sflag:s15], $0x1980  }
0x192: {  	[sflag:s15] =	ssyncset.done $0x0  }
0x193: {  	[sflag:s15] =	ssyncadd.s32 $0xFFFFE680  }
.LBB2_8:
0x194: {  	s16 =	sadd.s32 $0x1, s16  }
0x195: {  	p1 =	sne.s32 s16, s10  }
.Ltmp1:
0x196: {  	_ = 	snop;
	(pc) =	sbr.rel @!p1 .LBB2_9-.Ltmp1, $1  }
0x197: {  	_ =	sdelay $0x3  }
.LBB2_1:
.Ltmp2:
0x198: {  	(pc) =	sbr.rel @!p0 .LBB2_2-.Ltmp2, $3  }
0x199: {  	_ =	sdelay $0x1  }
0x19a: {  	[tilespmem:s2], [sflag:$0x1] =	stream.linear.gather [hbm4b:s3+s2], $0x2780, $0x38;
	[tilespmem:$0xC580] =	vst v63  }
0x19b: {  	s0 =	simm.s32 $0x2780  }
0x19c: {  	[tilespmem:s0], [sflag:$0x1] =	stream.linear.gather [hbm4b:s7+s2], $0x3300, $0x38;
	[tilespmem:$0xC580] =	vst v63  }
0x19d: {  	s12 =	simm.s32 $0x7680  }
0x19e: {  	[tilespmem:s12], [sflag:$0x1] =	stream.linear.gather [hbm4b:s8+s2], $0x1980, $0x38;
	[tilespmem:$0xC580] =	vst v63  }
0x19f: {  	_ =	swait.ge [sflag:s13], $0x2780  }
0x1a0: {  	[sflag:s13] =	ssyncset.done $0x0  }
0x1a1: {  	[sflag:s13] =	ssyncadd.s32 $0xFFFFD880  }
0x1a2: {  	_ =	swait.ge [sflag:s13], $0x3300  }
0x1a3: {  	[sflag:s13] =	ssyncset.done $0x0  }
0x1a4: {  	[sflag:s13] =	ssyncadd.s32 $0xFFFFCD00  }
0x1a5: {  	_ =	swait.ge [sflag:s13], $0x1980  }
0x1a6: {  	[sflag:s13] =	ssyncset.done $0x0  }
0x1a7: {  	s11 =	simm.s32 $0x2880;
	[sflag:s13] =	ssyncadd.s32 $0xFFFFE680  }
0x1a8: {  	v0 =	vld [tilespmem:s11+$0x0]  }
0x1a9: {  	v1 =	vld [tilespmem:s11+$0x80];
	_ =	sdelay $0x5  }
0x1aa: {  	v2 =	vld [tilespmem:s11+$0xFFFFFF80]  }
0x1ab: {  	v0 =	vld.idx.msk [tilespmem:v0+s2+$0x0], $0xffff  }
0x1ac: {  	v1 =	vld.idx.msk [tilespmem:v1+s2+$0x0], $0xffff  }
0x1ad: {  	s14 =	simm.s32 $0x7700;
	v3 =	vld [tilespmem:s11+$0xFFFFFF00]  }
0x1ae: {  	v4 =	vld [tilespmem:s14+$0x0];
	_ =	sdelay $0x2  }
0x1af: {  	v0 =	vadd.f32 v1, v0;
	_ =	sdelay $0x1  }
0x1b0: {  	v0 =	vadd.f32 v4, v0;
	_ =	sdelay $0x1  }
0x1b1: {  	v2 =	vld.idx.msk [tilespmem:v2+s2+$0x0], $0xffff;
	v0 =	vsub.f32 $0.0e+00, v0  }
0x1b2: {  	v1 =	vld.idx.msk [tilespmem:v3+s2+$0x0], $0xffff  }
0x1b3: {  	v0 =	vmul.f32 $1.442695020e+00, v0  }
0x1b4: {  	v3 =	vld [tilespmem:s14+$0xFFFFFF80]  }
0x1b5: {  	(erf) = vpow2.f32 v0;
	_ =	sdelay $0x1  }
0x1b6: {  	v0 =	vadd.f32 v2, v1;
	_ =	sdelay $0x1  }
0x1b7: {  	v0 =	vadd.f32 v3, v0;
	_ =	sdelay $0x1  }
0x1b8: {  	v0 =	vsub.f32 $0.0e+00, v0;
	_ =	sdelay $0x1  }
0x1b9: {  	v0 =	vmul.f32 $1.442695020e+00, v0  }
0x1ba: {  	v1 =	vpop (erf)  }
0x1bb: {  	(erf) = vpow2.f32 v0;
	v0 =	vadd.f32 $1.000000000e+00, v1;
	_ =	sdelay $0x1  }
0x1bc: {  	(erf) = vrcp.f32 v0;
	_ =	sdelay $0x6  }
0x1bd: {  	v0 =	vpop (erf)  }
0x1be: {  	v0 =	vadd.f32 $1.000000000e+00, v0  }
0x1bf: {  	s17 =	simm.s32 $0x9E80;
	v1 =	vpop (erf)  }
0x1c0: {  	(erf) = vrcp.f32 v0;
	[tilespmem:s17+$0x0] =	vst v1  }
0x1c1: {  	v0 =	vld [tilespmem:s11+$0x10]  }
0x1c2: {  	v1 =	vld [tilespmem:s11+$0x90];
	_ =	sdelay $0x5  }
0x1c3: {  	v4 =	vld [tilespmem:s14+$0x10]  }
0x1c4: {  	v2 =	vpop (erf);
	v0 =	vld.idx.msk [tilespmem:v0+s2+$0x0], $0xffff  }
0x1c5: {  	[tilespmem:s17+$0xFFFFFF80] =	vst v2;
	v1 =	vld.idx.msk [tilespmem:v1+s2+$0x0], $0xffff  }
0x1c6: {  	v2 =	vld [tilespmem:s11+$0xFFFFFF10]  }
0x1c7: {  	v3 =	vld [tilespmem:s11+$0xFFFFFF90];
	_ =	sdelay $0x2  }
0x1c8: {  	v0 =	vadd.f32 v1, v0;
	_ =	sdelay $0x1  }
0x1c9: {  	v0 =	vadd.f32 v4, v0;
	_ =	sdelay $0x1  }
0x1ca: {  	v1 =	vld.idx.msk [tilespmem:v2+s2+$0x0], $0xffff;
	v0 =	vsub.f32 $0.0e+00, v0  }
0x1cb: {  	v2 =	vld.idx.msk [tilespmem:v3+s2+$0x0], $0xffff  }
0x1cc: {  	v0 =	vmul.f32 $1.442695020e+00, v0  }
0x1cd: {  	v3 =	vld [tilespmem:s14+$0xFFFFFF90]  }
0x1ce: {  	(erf) = vpow2.f32 v0;
	_ =	sdelay $0x1  }
0x1cf: {  	v0 =	vadd.f32 v2, v1;
	_ =	sdelay $0x1  }
0x1d0: {  	v0 =	vadd.f32 v3, v0;
	_ =	sdelay $0x1  }
0x1d1: {  	v0 =	vsub.f32 $0.0e+00, v0;
	_ =	sdelay $0x1  }
0x1d2: {  	s25 =	simm.s32 $0x2A80;
	v0 =	vmul.f32 $1.442695020e+00, v0  }
0x1d3: {  	v2 =	vld [tilespmem:s25+$0x0];
	v1 =	vpop (erf)  }
0x1d4: {  	(erf) = vpow2.f32 v0;
	v1 =	vadd.f32 $1.000000000e+00, v1  }
0x1d5: {  	v0 =	vld [tilespmem:s25+$0x80]  }
0x1d6: {  	(erf) = vrcp.f32 v1;
	_ =	sdelay $0x3  }
0x1d7: {  	v3 =	vld [tilespmem:s25+$0xFFFFFF00]  }
0x1d8: {  	v2 =	vld.idx.msk [tilespmem:v2+s2+$0x0], $0xffff  }
0x1d9: {  	v1 =	vld [tilespmem:s25+$0xFFFFFF80]  }
0x1da: {  	v0 =	vld.idx.msk [tilespmem:v0+s2+$0x0], $0xffff;
	v4 =	vpop (erf)  }
0x1db: {  	s22 =	simm.s32 $0x7800;
	v4 =	vadd.f32 $1.000000000e+00, v4  }
0x1dc: {  	v5 =	vld [tilespmem:s22+$0x0];
	v6 =	vpop (erf)  }
0x1dd: {  	(erf) = vrcp.f32 v4;
	[tilespmem:s17+$0x10] =	vst v6  }
0x1de: {  	v4 =	vld [tilespmem:s11+$0x20]  }
0x1df: {  	v0 =	vadd.f32 v0, v2;
	v2 =	vld [tilespmem:s11+$0xA0]  }
0x1e0: {  	v3 =	vld.idx.msk [tilespmem:v3+s2+$0x0], $0xffff  }
0x1e1: {  	v1 =	vld.idx.msk [tilespmem:v1+s2+$0x0], $0xffff;
	v0 =	vadd.f32 v5, v0;
	_ =	sdelay $0x1  }
0x1e2: {  	v5 =	vld [tilespmem:s22+$0xFFFFFF80];
	v0 =	vsub.f32 $0.0e+00, v0;
	_ =	sdelay $0x1  }
0x1e3: {  	v0 =	vmul.f32 $1.442695020e+00, v0  }
0x1e4: {  	v1 =	vadd.f32 v1, v3;
	v6 =	vpop (erf);
	v4 =	vld.idx.msk [tilespmem:v4+s2+$0x0], $0xffff  }
0x1e5: {  	(erf) = vpow2.f32 v0;
	[tilespmem:s17+$0xFFFFFF90] =	vst v6;
	v0 =	vld.idx.msk [tilespmem:v2+s2+$0x0], $0xffff  }
0x1e6: {  	v1 =	vadd.f32 v5, v1;
	v2 =	vld [tilespmem:s11+$0xFFFFFF20]  }
0x1e7: {  	v5 =	vld [tilespmem:s11+$0xFFFFFFA0]  }
0x1e8: {  	v3 =	vld [tilespmem:s14+$0x20];
	v1 =	vsub.f32 $0.0e+00, v1;
	_ =	sdelay $0x1  }
0x1e9: {  	v1 =	vmul.f32 $1.442695020e+00, v1  }
0x1ea: {  	v0 =	vadd.f32 v0, v4  }
0x1eb: {  	(erf) = vpow2.f32 v1  }
0x1ec: {  	v0 =	vadd.f32 v3, v0  }
0x1ed: {  	v3 =	vpop (erf);
	v2 =	vld.idx.msk [tilespmem:v2+s2+$0x0], $0xffff  }
0x1ee: {  	v1 =	vadd.f32 $1.000000000e+00, v3;
	v3 =	vld.idx.msk [tilespmem:v5+s2+$0x0], $0xffff;
	v0 =	vsub.f32 $0.0e+00, v0;
	_ =	sdelay $0x1  }
0x1ef: {  	(erf) = vrcp.f32 v1;
	v1 =	vld [tilespmem:s14+$0xFFFFFFA0];
	v0 =	vmul.f32 $1.442695020e+00, v0;
	_ =	sdelay $0x1  }
0x1f0: {  	(erf) = vpow2.f32 v0  }
0x1f1: {  	v0 =	vadd.f32 v3, v2  }
0x1f2: {  	v2 =	vpop (erf)  }
0x1f3: {  	v0 =	vadd.f32 v1, v0;
	v1 =	vadd.f32 $1.000000000e+00, v2;
	_ =	sdelay $0x1  }
0x1f4: {  	(erf) = vrcp.f32 v1;
	_ =	sdelay $0x1  }
0x1f5: {  	s18 =	simm.s32 $0x9F80;
	v0 =	vsub.f32 $0.0e+00, v0;
	v2 =	vpop (erf)  }
0x1f6: {  	[tilespmem:s18+$0x0] =	vst v2  }
0x1f7: {  	v0 =	vmul.f32 $1.442695020e+00, v0;
	v1 =	vld [tilespmem:s25+$0x10];
	v2 =	vpop (erf)  }
0x1f8: {  	v3 =	vld [tilespmem:s25+$0x90];
	v2 =	vadd.f32 $1.000000000e+00, v2  }
0x1f9: {  	(erf) = vpow2.f32 v0  }
0x1fa: {  	(erf) = vrcp.f32 v2;
	_ =	sdelay $0x1  }
0x1fb: {  	v0 =	vpop (erf)  }
0x1fc: {  	[tilespmem:s18+$0xFFFFFF80] =	vst v0  }
0x1fd: {  	v2 =	vld [tilespmem:s25+$0xFFFFFF10]  }
0x1fe: {  	v1 =	vld.idx.msk [tilespmem:v1+s2+$0x0], $0xffff  }
0x1ff: {  	v0 =	vld.idx.msk [tilespmem:v3+s2+$0x0], $0xffff  }
0x200: {  	v4 =	vld [tilespmem:s25+$0xFFFFFF90]  }
0x201: {  	v5 =	vld [tilespmem:s22+$0x10];
	v3 =	vpop (erf)  }
0x202: {  	v6 =	vpop (erf)  }
0x203: {  	[tilespmem:s17+$0x20] =	vst v6  }
0x204: {  	v0 =	vadd.f32 v0, v1;
	v6 =	vld [tilespmem:s11+$0x30]  }
0x205: {  	v3 =	vadd.f32 $1.000000000e+00, v3;
	v1 =	vld [tilespmem:s11+$0xB0]  }
0x206: {  	v0 =	vadd.f32 v5, v0  }
0x207: {  	(erf) = vrcp.f32 v3;
	v2 =	vld.idx.msk [tilespmem:v2+s2+$0x0], $0xffff  }
0x208: {  	v3 =	vld.idx.msk [tilespmem:v4+s2+$0x0], $0xffff;
	v0 =	vsub.f32 $0.0e+00, v0;
	_ =	sdelay $0x1  }
0x209: {  	v4 =	vld [tilespmem:s22+$0xFFFFFF90];
	v0 =	vmul.f32 $1.442695020e+00, v0;
	_ =	sdelay $0x1  }
0x20a: {  	(erf) = vpow2.f32 v0;
	v5 =	vld.idx.msk [tilespmem:v6+s2+$0x0], $0xffff  }
0x20b: {  	v0 =	vld.idx.msk [tilespmem:v1+s2+$0x0], $0xffff;
	v1 =	vadd.f32 v3, v2;
	_ =	sdelay $0x1  }
0x20c: {  	v2 =	vld [tilespmem:s14+$0x30];
	v1 =	vadd.f32 v4, v1  }
0x20d: {  	v3 =	vpop (erf)  }
0x20e: {  	[tilespmem:s17+$0xFFFFFFA0] =	vst v3;
	v1 =	vsub.f32 $0.0e+00, v1  }
0x20f: {  	s20 =	simm.s32 $0x2C80;
	v3 =	vld [tilespmem:s11+$0xFFFFFF30];
	v0 =	vadd.f32 v0, v5  }
0x210: {  	v5 =	vld [tilespmem:s20+$0x80];
	v1 =	vmul.f32 $1.442695020e+00, v1  }
0x211: {  	v0 =	vadd.f32 v2, v0;
	v2 =	vld [tilespmem:s20+$0x0]  }
0x212: {  	v4 =	vpop (erf);
	(erf) = vpow2.f32 v1  }
0x213: {  	v6 =	vld [tilespmem:s11+$0xFFFFFFB0];
	v4 =	vadd.f32 $1.000000000e+00, v4;
	v0 =	vsub.f32 $0.0e+00, v0;
	_ =	sdelay $0x1  }
0x214: {  	s21 =	simm.s32 $0x7900;
	(erf) = vrcp.f32 v4;
	v0 =	vmul.f32 $1.442695020e+00, v0  }
0x215: {  	v7 =	vld [tilespmem:s21+$0x0]  }
0x216: {  	v1 =	vld.idx.msk [tilespmem:v3+s2+$0x0], $0xffff;
	(erf) = vpow2.f32 v0  }
0x217: {  	v4 =	vld.idx.msk [tilespmem:v5+s2+$0x0], $0xffff  }
0x218: {  	v2 =	vld.idx.msk [tilespmem:v2+s2+$0x0], $0xffff  }
0x219: {  	v3 =	vld [tilespmem:s20+$0xFFFFFF00]  }
0x21a: {  	v5 =	vld.idx.msk [tilespmem:v6+s2+$0x0], $0xffff;
	v6 =	vpop (erf)  }
0x21b: {  	v0 =	vld [tilespmem:s20+$0xFFFFFF80];
	v6 =	vadd.f32 $1.000000000e+00, v6;
	_ =	sdelay $0x1  }
0x21c: {  	v9 =	vpop (erf);
	v2 =	vadd.f32 v4, v2  }
0x21d: {  	v8 =	vld [tilespmem:s14+$0xFFFFFFB0];
	[tilespmem:s18+$0x10] =	vst v9;
	(erf) = vrcp.f32 v6  }
0x21e: {  	v4 =	vld [tilespmem:s25+$0x20];
	v6 =	vpop (erf);
	v2 =	vadd.f32 v7, v2  }
0x21f: {  	v9 =	vld [tilespmem:s25+$0xA0];
	v6 =	vadd.f32 $1.000000000e+00, v6  }
0x220: {  	v1 =	vadd.f32 v5, v1;
	v2 =	vsub.f32 $0.0e+00, v2  }
0x221: {  	v3 =	vld.idx.msk [tilespmem:v3+s2+$0x0], $0xffff;
	(erf) = vrcp.f32 v6  }
0x222: {  	v1 =	vadd.f32 v8, v1;
	v0 =	vld.idx.msk [tilespmem:v0+s2+$0x0], $0xffff;
	v2 =	vmul.f32 $1.442695020e+00, v2;
	_ =	sdelay $0x1  }
0x223: {  	v5 =	vld [tilespmem:s21+$0xFFFFFF80];
	v1 =	vsub.f32 $0.0e+00, v1;
	_ =	sdelay $0x1  }
0x224: {  	v1 =	vmul.f32 $1.442695020e+00, v1;
	(erf) = vpow2.f32 v2;
	v4 =	vld.idx.msk [tilespmem:v4+s2+$0x0], $0xffff;
	v2 =	vpop (erf)  }
0x225: {  	v0 =	vadd.f32 v0, v3;
	[tilespmem:s18+$0xFFFFFF90] =	vst v2;
	v2 =	vld.idx.msk [tilespmem:v9+s2+$0x0], $0xffff  }
0x226: {  	(erf) = vpow2.f32 v1  }
0x227: {  	v0 =	vadd.f32 v5, v0;
	v5 =	vld [tilespmem:s22+$0x20]  }
0x228: {  	v1 =	vld [tilespmem:s25+$0xFFFFFF20];
	v3 =	vpop (erf)  }
0x229: {  	v0 =	vsub.f32 $0.0e+00, v0;
	v6 =	vld [tilespmem:s25+$0xFFFFFFA0];
	[tilespmem:s17+$0x30] =	vst v3  }
0x22a: {  	v3 =	vld [tilespmem:s11+$0x40];
	v2 =	vadd.f32 v2, v4  }
0x22b: {  	v0 =	vmul.f32 $1.442695020e+00, v0;
	v7 =	vld [tilespmem:s11+$0xC0];
	_ =	sdelay $0x1  }
0x22c: {  	(erf) = vpow2.f32 v0;
	v0 =	vadd.f32 v5, v2  }
0x22d: {  	v2 =	vpop (erf)  }
0x22e: {  	v4 =	vld [tilespmem:s22+$0xFFFFFFA0];
	v0 =	vsub.f32 $0.0e+00, v0;
	v2 =	vadd.f32 $1.000000000e+00, v2;
	v5 =	vpop (erf)  }
0x22f: {  	v1 =	vld.idx.msk [tilespmem:v1+s2+$0x0], $0xffff;
	v5 =	vadd.f32 $1.000000000e+00, v5  }
0x230: {  	v0 =	vmul.f32 $1.442695020e+00, v0;
	(erf) = vrcp.f32 v2;
	v2 =	vld.idx.msk [tilespmem:v6+s2+$0x0], $0xffff  }
0x231: {  	v3 =	vld.idx.msk [tilespmem:v3+s2+$0x0], $0xffff;
	(erf) = vrcp.f32 v5  }
0x232: {  	v5 =	vld.idx.msk [tilespmem:v7+s2+$0x0], $0xffff;
	(erf) = vpow2.f32 v0;
	_ =	sdelay $0x1  }
0x233: {  	v0 =	vld [tilespmem:s14+$0x40]  }
0x234: {  	v1 =	vadd.f32 v2, v1;
	v2 =	vpop (erf)  }
0x235: {  	v2 =	vadd.f32 $1.000000000e+00, v2  }
0x236: {  	v3 =	vadd.f32 v5, v3;
	v1 =	vadd.f32 v4, v1;
	_ =	sdelay $0x1  }
0x237: {  	s19 =	simm.s32 $0xA080;
	v0 =	vadd.f32 v0, v3;
	v4 =	vpop (erf);
	v1 =	vsub.f32 $0.0e+00, v1  }
0x238: {  	(erf) = vrcp.f32 v2;
	[tilespmem:s19+$0x0] =	vst v4;
	v2 =	vpop (erf)  }
0x239: {  	v0 =	vsub.f32 $0.0e+00, v0;
	v3 =	vld [tilespmem:s20+$0x10];
	v1 =	vmul.f32 $1.442695020e+00, v1;
	v4 =	vpop (erf)  }
0x23a: {  	v5 =	vld [tilespmem:s20+$0x90];
	v4 =	vadd.f32 $1.000000000e+00, v4  }
0x23b: {  	v0 =	vmul.f32 $1.442695020e+00, v0;
	(erf) = vpow2.f32 v1  }
0x23c: {  	(erf) = vrcp.f32 v4  }
0x23d: {  	(erf) = vpow2.f32 v0  }
0x23e: {  	[tilespmem:s17+$0xFFFFFFB0] =	vst v2  }
0x23f: {  	v1 =	vld [tilespmem:s11+$0xFFFFFFC0]  }
0x240: {  	v0 =	vld [tilespmem:s11+$0xFFFFFF40]  }
0x241: {  	v2 =	vpop (erf);
	v3 =	vld.idx.msk [tilespmem:v3+s2+$0x0], $0xffff  }
0x242: {  	[tilespmem:s19+$0xFFFFFF80] =	vst v2;
	v2 =	vld.idx.msk [tilespmem:v5+s2+$0x0], $0xffff  }
0x243: {  	v4 =	vld [tilespmem:s20+$0xFFFFFF10]  }
0x244: {  	v5 =	vld [tilespmem:s20+$0xFFFFFF90];
	v6 =	vpop (erf)  }
0x245: {  	v7 =	vld [tilespmem:s21+$0x10];
	v8 =	vpop (erf)  }
0x246: {  	v6 =	vadd.f32 $1.000000000e+00, v6;
	[tilespmem:s18+$0x20] =	vst v8;
	v8 =	vpop (erf)  }
0x247: {  	v9 =	vld [tilespmem:s25+$0x30];
	v8 =	vadd.f32 $1.000000000e+00, v8  }
0x248: {  	v2 =	vadd.f32 v2, v3;
	(erf) = vrcp.f32 v6;
	v3 =	vld [tilespmem:s25+$0xB0]  }
0x249: {  	v1 =	vld.idx.msk [tilespmem:v1+s2+$0x0], $0xffff;
	(erf) = vrcp.f32 v8  }
0x24a: {  	v0 =	vld.idx.msk [tilespmem:v0+s2+$0x0], $0xffff;
	v2 =	vadd.f32 v7, v2  }
0x24b: {  	v4 =	vld.idx.msk [tilespmem:v4+s2+$0x0], $0xffff  }
0x24c: {  	v5 =	vld.idx.msk [tilespmem:v5+s2+$0x0], $0xffff;
	v2 =	vsub.f32 $0.0e+00, v2  }
0x24d: {  	v6 =	vld [tilespmem:s14+$0xFFFFFFC0]  }
0x24e: {  	v7 =	vld [tilespmem:s21+$0xFFFFFF90];
	v2 =	vmul.f32 $1.442695020e+00, v2  }
0x24f: {  	v8 =	vld.idx.msk [tilespmem:v9+s2+$0x0], $0xffff  }
0x250: {  	v0 =	vadd.f32 v1, v0;
	(erf) = vpow2.f32 v2;
	v2 =	vld.idx.msk [tilespmem:v3+s2+$0x0], $0xffff  }
0x251: {  	v3 =	vadd.f32 v5, v4;
	v1 =	vpop (erf)  }
0x252: {  	v0 =	vadd.f32 v6, v0;
	v4 =	vld [tilespmem:s22+$0x30];
	[tilespmem:s18+$0xFFFFFFA0] =	vst v1;
	v1 =	vpop (erf)  }
0x253: {  	[tilespmem:s17+$0x40] =	vst v1;
	v1 =	vadd.f32 v7, v3  }
0x254: {  	v0 =	vsub.f32 $0.0e+00, v0  }
0x255: {  	v3 =	vld [tilespmem:s11+$0x50];
	v2 =	vadd.f32 v2, v8;
	v1 =	vsub.f32 $0.0e+00, v1  }
0x256: {  	v0 =	vmul.f32 $1.442695020e+00, v0;
	v6 =	vld [tilespmem:s11+$0xD0]  }
0x257: {  	v5 =	vld [tilespmem:s25+$0xFFFFFF30];
	v2 =	vadd.f32 v4, v2;
	v1 =	vmul.f32 $1.442695020e+00, v1  }
0x258: {  	s23 =	simm.s32 $0x2E80;
	(erf) = vpow2.f32 v0  }
0x259: {  	v0 =	vld [tilespmem:s23+$0x0];
	v7 =	vpop (erf);
	(erf) = vpow2.f32 v1;
	v1 =	vsub.f32 $0.0e+00, v2  }
0x25a: {  	v8 =	vld [tilespmem:s23+$0xFFFFFF00];
	v7 =	vadd.f32 $1.000000000e+00, v7  }
0x25b: {  	v2 =	vld [tilespmem:s23+$0x80];
	v1 =	vmul.f32 $1.442695020e+00, v1  }
0x25c: {  	v4 =	vld [tilespmem:s25+$0xFFFFFFB0];
	(erf) = vrcp.f32 v7  }
0x25d: {  	v3 =	vld.idx.msk [tilespmem:v3+s2+$0x0], $0xffff;
	(erf) = vpow2.f32 v1  }
0x25e: {  	v6 =	vld.idx.msk [tilespmem:v6+s2+$0x0], $0xffff  }
0x25f: {  	v5 =	vld.idx.msk [tilespmem:v5+s2+$0x0], $0xffff  }
0x260: {  	v7 =	vld [tilespmem:s14+$0x50]  }
0x261: {  	v0 =	vld.idx.msk [tilespmem:v0+s2+$0x0], $0xffff  }
0x262: {  	v9 =	vpop (erf);
	v1 =	vld [tilespmem:s23+$0xFFFFFF80]  }
0x263: {  	v9 =	vadd.f32 $1.000000000e+00, v9;
	v3 =	vadd.f32 v6, v3;
	v2 =	vld.idx.msk [tilespmem:v2+s2+$0x0], $0xffff;
	v10 =	vpop (erf)  }
0x264: {  	s24 =	simm.s32 $0x7A00;
	v4 =	vld.idx.msk [tilespmem:v4+s2+$0x0], $0xffff;
	v6 =	vadd.f32 $1.000000000e+00, v10  }
0x265: {  	(erf) = vrcp.f32 v9;
	v10 =	vpop (erf);
	v3 =	vadd.f32 v7, v3;
	v7 =	vld [tilespmem:s24+$0x0]  }
0x266: {  	v9 =	vld [tilespmem:s22+$0xFFFFFFB0];
	[tilespmem:s19+$0x10] =	vst v10;
	(erf) = vrcp.f32 v6;
	v10 =	vpop (erf)  }
0x267: {  	v6 =	vld [tilespmem:s20+$0x20];
	v3 =	vsub.f32 $0.0e+00, v3;
	v10 =	vadd.f32 $1.000000000e+00, v10  }
0x268: {  	v11 =	vld [tilespmem:s20+$0xA0];
	v0 =	vadd.f32 v2, v0  }
0x269: {  	v2 =	vmul.f32 $1.442695020e+00, v3;
	v3 =	vadd.f32 v4, v5;
	(erf) = vrcp.f32 v10  }
0x26a: {  	v0 =	vadd.f32 v7, v0  }
0x26b: {  	(erf) = vpow2.f32 v2;
	v2 =	vadd.f32 v9, v3  }
0x26c: {  	v1 =	vld.idx.msk [tilespmem:v1+s2+$0x0], $0xffff;
	v0 =	vsub.f32 $0.0e+00, v0  }
0x26d: {  	v3 =	vld.idx.msk [tilespmem:v8+s2+$0x0], $0xffff;
	v2 =	vsub.f32 $0.0e+00, v2  }
0x26e: {  	v4 =	vld [tilespmem:s24+$0xFFFFFF80];
	v5 =	vpop (erf);
	v0 =	vmul.f32 $1.442695020e+00, v0  }
0x26f: {  	v6 =	vld.idx.msk [tilespmem:v6+s2+$0x0], $0xffff;
	v7 =	vpop (erf);
	v2 =	vmul.f32 $1.442695020e+00, v2  }
0x270: {  	(erf) = vpow2.f32 v0;
	v0 =	vld.idx.msk [tilespmem:v11+s2+$0x0], $0xffff;
	[tilespmem:s19+$0xFFFFFF90] =	vst v7  }
0x271: {  	v7 =	vld [tilespmem:s20+$0xFFFFFF20];
	(erf) = vpow2.f32 v2  }
0x272: {  	v1 =	vadd.f32 v1, v3;
	v2 =	vld [tilespmem:s20+$0xFFFFFFA0];
	v3 =	vpop (erf)  }
0x273: {  	v8 =	vld [tilespmem:s21+$0x20];
	[tilespmem:s18+$0x30] =	vst v3  }
0x274: {  	v1 =	vadd.f32 v4, v1;
	v4 =	vld [tilespmem:s25+$0x40]  }
0x275: {  	[tilespmem:s17+$0xFFFFFFC0] =	vst v5;
	v9 =	vpop (erf);
	v5 =	vld [tilespmem:s25+$0xC0]  }
0x276: {  	v1 =	vsub.f32 $0.0e+00, v1;
	v3 =	vadd.f32 $1.000000000e+00, v9  }
0x277: {  	v0 =	vadd.f32 v0, v6;
	v6 =	vld [tilespmem:s11+$0xFFFFFF50]  }
0x278: {  	v1 =	vmul.f32 $1.442695020e+00, v1;
	(erf) = vrcp.f32 v3;
	v3 =	vld [tilespmem:s11+$0xFFFFFFD0]  }
0x279: {  	v0 =	vadd.f32 v8, v0;
	v8 =	vpop (erf);
	v7 =	vld.idx.msk [tilespmem:v7+s2+$0x0], $0xffff  }
0x27a: {  	(erf) = vpow2.f32 v1;
	v8 =	vadd.f32 $1.000000000e+00, v8;
	v1 =	vld.idx.msk [tilespmem:v2+s2+$0x0], $0xffff;
	v9 =	vpop (erf)  }
0x27b: {  	v0 =	vsub.f32 $0.0e+00, v0;
	v2 =	vadd.f32 $1.000000000e+00, v9;
	v9 =	vld [tilespmem:s21+$0xFFFFFFA0]  }
0x27c: {  	(erf) = vrcp.f32 v8;
	v4 =	vld.idx.msk [tilespmem:v4+s2+$0x0], $0xffff  }
0x27d: {  	v0 =	vmul.f32 $1.442695020e+00, v0;
	(erf) = vrcp.f32 v2;
	v2 =	vld.idx.msk [tilespmem:v5+s2+$0x0], $0xffff;
	_ =	sdelay $0x1  }
0x27e: {  	(erf) = vpow2.f32 v0;
	v0 =	vld.idx.msk [tilespmem:v6+s2+$0x0], $0xffff;
	v1 =	vadd.f32 v1, v7  }
0x27f: {  	v3 =	vld.idx.msk [tilespmem:v3+s2+$0x0], $0xffff  }
0x280: {  	v6 =	vld [tilespmem:s22+$0x40];
	v5 =	vpop (erf);
	v1 =	vadd.f32 v9, v1  }
0x281: {  	[tilespmem:s17+$0x50] =	vst v5;
	v2 =	vadd.f32 v2, v4;
	v4 =	vld [tilespmem:s14+$0xFFFFFFD0]  }
0x282: {  	v8 =	vpop (erf);
	v5 =	vld [tilespmem:s11+$0x60];
	v1 =	vsub.f32 $0.0e+00, v1  }
0x283: {  	v7 =	vld [tilespmem:s11+$0xE0];
	v8 =	vadd.f32 $1.000000000e+00, v8  }
0x284: {  	v1 =	vmul.f32 $1.442695020e+00, v1;
	v0 =	vadd.f32 v3, v0  }
0x285: {  	s26 =	simm.s32 $0xA180;
	v9 =	vpop (erf);
	v2 =	vadd.f32 v6, v2;
	(erf) = vrcp.f32 v8  }
0x286: {  	[tilespmem:s26+$0x0] =	vst v9;
	v6 =	vpop (erf);
	(erf) = vpow2.f32 v1;
	v0 =	vadd.f32 v4, v0  }
0x287: {  	v2 =	vsub.f32 $0.0e+00, v2;
	v1 =	vld [tilespmem:s23+$0x90];
	v3 =	vpop (erf)  }
0x288: {  	v8 =	vld [tilespmem:s23+$0x10];
	v3 =	vadd.f32 $1.000000000e+00, v3;
	v0 =	vsub.f32 $0.0e+00, v0  }
0x289: {  	v2 =	vmul.f32 $1.442695020e+00, v2  }
0x28a: {  	v4 =	vld.idx.msk [tilespmem:v5+s2+$0x0], $0xffff;
	(erf) = vrcp.f32 v3;
	v0 =	vmul.f32 $1.442695020e+00, v0  }
0x28b: {  	[tilespmem:s18+$0xFFFFFFB0] =	vst v6;
	v3 =	vld.idx.msk [tilespmem:v7+s2+$0x0], $0xffff;
	(erf) = vpow2.f32 v2  }
0x28c: {  	v6 =	vld [tilespmem:s25+$0xFFFFFFC0]  }
0x28d: {  	v2 =	vld [tilespmem:s14+$0x60]  }
0x28e: {  	v5 =	vld [tilespmem:s25+$0xFFFFFF40];
	(erf) = vpow2.f32 v0;
	v0 =	vpop (erf)  }
0x28f: {  	[tilespmem:s26+$0xFFFFFF80] =	vst v0;
	v0 =	vld.idx.msk [tilespmem:v1+s2+$0x0], $0xffff;
	v1 =	vpop (erf)  }
0x290: {  	v7 =	vld.idx.msk [tilespmem:v8+s2+$0x0], $0xffff;
	v3 =	vadd.f32 v3, v4;
	v1 =	vadd.f32 $1.000000000e+00, v1  }
0x291: {  	v4 =	vld [tilespmem:s23+$0xFFFFFF10]  }
0x292: {  	v2 =	vadd.f32 v2, v3;
	v3 =	vld [tilespmem:s23+$0xFFFFFF90]  }
0x293: {  	v9 =	vld [tilespmem:s24+$0x10];
	v8 =	vpop (erf)  }
0x294: {  	(erf) = vrcp.f32 v1;
	v2 =	vsub.f32 $0.0e+00, v2;
	v1 =	vpop (erf)  }
0x295: {  	v6 =	vld.idx.msk [tilespmem:v6+s2+$0x0], $0xffff;
	[tilespmem:s19+$0x20] =	vst v8;
	v1 =	vadd.f32 $1.000000000e+00, v1  }
0x296: {  	v8 =	vld [tilespmem:s20+$0x30];
	v2 =	vmul.f32 $1.442695020e+00, v2;
	v0 =	vadd.f32 v0, v7  }
0x297: {  	(erf) = vrcp.f32 v1;
	v1 =	vld [tilespmem:s20+$0xB0]  }
0x298: {  	v0 =	vadd.f32 v9, v0;
	(erf) = vpow2.f32 v2;
	v2 =	vld.idx.msk [tilespmem:v5+s2+$0x0], $0xffff  }
0x299: {  	v7 =	vpop (erf);
	v4 =	vld.idx.msk [tilespmem:v4+s2+$0x0], $0xffff  }
0x29a: {  	v5 =	vadd.f32 $1.000000000e+00, v7;
	v0 =	vsub.f32 $0.0e+00, v0;
	v3 =	vld.idx.msk [tilespmem:v3+s2+$0x0], $0xffff  }
0x29b: {  	v10 =	vld [tilespmem:s22+$0xFFFFFFC0]  }
0x29c: {  	(erf) = vrcp.f32 v5;
	v5 =	vld [tilespmem:s24+$0xFFFFFF90];
	v0 =	vmul.f32 $1.442695020e+00, v0;
	_ =	sdelay $0x1  }
0x29d: {  	v7 =	vpop (erf);
	v8 =	vld.idx.msk [tilespmem:v8+s2+$0x0], $0xffff;
	(erf) = vpow2.f32 v0  }
0x29e: {  	[tilespmem:s19+$0xFFFFFFA0] =	vst v7;
	v2 =	vadd.f32 v6, v2;
	v3 =	vadd.f32 v3, v4;
	v1 =	vld.idx.msk [tilespmem:v1+s2+$0x0], $0xffff  }
0x29f: {  	v0 =	vld [tilespmem:s20+$0xFFFFFF30]  }
0x2a0: {  	v4 =	vld [tilespmem:s21+$0x30];
	v2 =	vadd.f32 v10, v2;
	v3 =	vadd.f32 v5, v3;
	v6 =	vpop (erf)  }
0x2a1: {  	v9 =	vld [tilespmem:s20+$0xFFFFFFB0];
	[tilespmem:s18+$0x40] =	vst v6  }
0x2a2: {  	v6 =	vpop (erf);
	v2 =	vsub.f32 $0.0e+00, v2;
	v3 =	vsub.f32 $0.0e+00, v3;
	v7 =	vld [tilespmem:s25+$0x50]  }
0x2a3: {  	v6 =	vadd.f32 $1.000000000e+00, v6;
	v5 =	vld [tilespmem:s25+$0xD0];
	v1 =	vadd.f32 v1, v8  }
0x2a4: {  	v11 =	vld [tilespmem:s22+$0x50];
	v2 =	vmul.f32 $1.442695020e+00, v2  }
0x2a5: {  	s28 =	simm.s32 $0x3080;
	v10 =	vpop (erf);
	v3 =	vmul.f32 $1.442695020e+00, v3;
	(erf) = vrcp.f32 v6;
	v6 =	vld [tilespmem:s21+$0xFFFFFFB0];
	v1 =	vadd.f32 v4, v1  }
0x2a6: {  	(erf) = vpow2.f32 v2;
	v2 =	vld [tilespmem:s28+$0x0];
	v4 =	vpop (erf)  }
0x2a7: {  	(erf) = vpow2.f32 v3;
	v3 =	vld [tilespmem:s28+$0x80];
	v4 =	vadd.f32 $1.000000000e+00, v4;
	v1 =	vsub.f32 $0.0e+00, v1  }
0x2a8: {  	v0 =	vld.idx.msk [tilespmem:v0+s2+$0x0], $0xffff  }
0x2a9: {  	v9 =	vld.idx.msk [tilespmem:v9+s2+$0x0], $0xffff;
	(erf) = vrcp.f32 v4;
	v1 =	vmul.f32 $1.442695020e+00, v1  }
0x2aa: {  	v7 =	vld.idx.msk [tilespmem:v7+s2+$0x0], $0xffff  }
0x2ab: {  	v4 =	vld.idx.msk [tilespmem:v5+s2+$0x0], $0xffff;
	(erf) = vpow2.f32 v1  }
0x2ac: {  	v5 =	vld [tilespmem:s28+$0xFFFFFF80]  }
0x2ad: {  	v1 =	vld [tilespmem:s28+$0xFFFFFF00]  }
0x2ae: {  	[tilespmem:s17+$0xFFFFFFD0] =	vst v10;
	v10 =	vpop (erf);
	v2 =	vld.idx.msk [tilespmem:v2+s2+$0x0], $0xffff  }
0x2af: {  	[tilespmem:s17+$0x60] =	vst v10;
	v3 =	vld.idx.msk [tilespmem:v3+s2+$0x0], $0xffff  }
0x2b0: {  	v13 =	vpop (erf);
	v10 =	vld [tilespmem:s11+$0x70];
	v4 =	vadd.f32 v4, v7  }
0x2b1: {  	s29 =	simm.s32 $0x7B00;
	v12 =	vld [tilespmem:s11+$0xF0];
	v14 =	vpop (erf);
	v13 =	vadd.f32 $1.000000000e+00, v13  }
0x2b2: {  	v7 =	vadd.f32 $1.000000000e+00, v14;
	v4 =	vadd.f32 v11, v4;
	v11 =	vld [tilespmem:s29+$0x0];
	v33 =	vpop (erf)  }
0x2b3: {  	v8 =	vld [tilespmem:s11+$0xFFFFFF60];
	(erf) = vrcp.f32 v13;
	[tilespmem:s26+$0x10] =	vst v33  }
0x2b4: {  	v0 =	vadd.f32 v9, v0;
	(erf) = vrcp.f32 v7;
	v4 =	vsub.f32 $0.0e+00, v4;
	v7 =	vld [tilespmem:s23+$0x20];
	v35 =	vpop (erf)  }
0x2b5: {  	v2 =	vadd.f32 v3, v2;
	v15 =	vld [tilespmem:s23+$0xA0];
	v14 =	vadd.f32 $1.000000000e+00, v35  }
0x2b6: {  	v0 =	vadd.f32 v6, v0;
	v6 =	vld [tilespmem:s29+$0xFFFFFF80];
	v3 =	vmul.f32 $1.442695020e+00, v4  }
0x2b7: {  	v1 =	vld.idx.msk [tilespmem:v1+s2+$0x0], $0xffff;
	v2 =	vadd.f32 v11, v2;
	(erf) = vrcp.f32 v14  }
0x2b8: {  	v4 =	vld.idx.msk [tilespmem:v10+s2+$0x0], $0xffff;
	(erf) = vpow2.f32 v3  }
0x2b9: {  	v9 =	vld.idx.msk [tilespmem:v12+s2+$0x0], $0xffff;
	v2 =	vsub.f32 $0.0e+00, v2  }
0x2ba: {  	v3 =	vld.idx.msk [tilespmem:v5+s2+$0x0], $0xffff  }
0x2bb: {  	v0 =	vsub.f32 $0.0e+00, v0;
	v5 =	vld [tilespmem:s14+$0x70];
	v2 =	vmul.f32 $1.442695020e+00, v2  }
0x2bc: {  	v10 =	vpop (erf);
	v7 =	vld.idx.msk [tilespmem:v7+s2+$0x0], $0xffff  }
0x2bd: {  	v0 =	vmul.f32 $1.442695020e+00, v0;
	v11 =	vpop (erf);
	[tilespmem:s18+$0xFFFFFFC0] =	vst v10;
	(erf) = vpow2.f32 v2;
	v2 =	vld.idx.msk [tilespmem:v15+s2+$0x0], $0xffff  }
0x2be: {  	[tilespmem:s26+$0xFFFFFF90] =	vst v11;
	v10 =	vld [tilespmem:s25+$0xFFFFFF50]  }
0x2bf: {  	v11 =	vld [tilespmem:s23+$0xFFFFFF20];
	(erf) = vpow2.f32 v0;
	v0 =	vadd.f32 v9, v4  }
0x2c0: {  	v4 =	vld [tilespmem:s23+$0xFFFFFFA0];
	v1 =	vadd.f32 v3, v1;
	v3 =	vpop (erf)  }
0x2c1: {  	v9 =	vld [tilespmem:s24+$0x20];
	v0 =	vadd.f32 v5, v0;
	v5 =	vpop (erf);
	[tilespmem:s19+$0x30] =	vst v3  }
0x2c2: {  	v1 =	vadd.f32 v6, v1;
	v3 =	vadd.f32 $1.000000000e+00, v5;
	v5 =	vld [tilespmem:s20+$0x40]  }
0x2c3: {  	v0 =	vsub.f32 $0.0e+00, v0;
	v6 =	vld [tilespmem:s20+$0xC0]  }
0x2c4: {  	v2 =	vadd.f32 v2, v7;
	v7 =	vld.idx.msk [tilespmem:v8+s2+$0x0], $0xffff;
	v1 =	vsub.f32 $0.0e+00, v1  }
0x2c5: {  	v8 =	vld [tilespmem:s25+$0xFFFFFFD0];
	v0 =	vmul.f32 $1.442695020e+00, v0;
	(erf) = vrcp.f32 v3  }
0x2c6: {  	v34 =	vld [tilespmem:s11+$0xFFFFFFE0];
	v1 =	vmul.f32 $1.442695020e+00, v1  }
0x2c7: {  	v2 =	vadd.f32 v9, v2;
	v9 =	vpop (erf);
	(erf) = vpow2.f32 v0;
	v0 =	vld.idx.msk [tilespmem:v11+s2+$0x0], $0xffff  }
0x2c8: {  	v9 =	vadd.f32 $1.000000000e+00, v9;
	v11 =	vpop (erf);
	(erf) = vpow2.f32 v1;
	v1 =	vld.idx.msk [tilespmem:v4+s2+$0x0], $0xffff  }
0x2c9: {  	v3 =	vld [tilespmem:s24+$0xFFFFFFA0];
	v2 =	vsub.f32 $0.0e+00, v2;
	v4 =	vadd.f32 $1.000000000e+00, v11  }
0x2ca: {  	(erf) = vrcp.f32 v9;
	v5 =	vld.idx.msk [tilespmem:v5+s2+$0x0], $0xffff  }
0x2cb: {  	v2 =	vmul.f32 $1.442695020e+00, v2;
	(erf) = vrcp.f32 v4;
	v4 =	vld.idx.msk [tilespmem:v6+s2+$0x0], $0xffff  }
0x2cc: {  	v10 =	vld.idx.msk [tilespmem:v10+s2+$0x0], $0xffff  }
0x2cd: {  	v8 =	vld.idx.msk [tilespmem:v8+s2+$0x0], $0xffff;
	(erf) = vpow2.f32 v2;
	v0 =	vadd.f32 v1, v0  }
0x2ce: {  	v1 =	vld [tilespmem:s21+$0x40];
	v6 =	vpop (erf)  }
0x2cf: {  	v2 =	vld [tilespmem:s22+$0xFFFFFFD0];
	v0 =	vadd.f32 v3, v0;
	[tilespmem:s18+$0x50] =	vst v6  }
0x2d0: {  	v3 =	vpop (erf);
	v6 =	vld [tilespmem:s25+$0x60];
	v4 =	vadd.f32 v4, v5  }
0x2d1: {  	v5 =	vld.idx.msk [tilespmem:v34+s2+$0x0], $0xffff;
	v3 =	vadd.f32 $1.000000000e+00, v3;
	v11 =	vpop (erf);
	v0 =	vsub.f32 $0.0e+00, v0  }
0x2d2: {  	v9 =	vld [tilespmem:s25+$0xE0];
	v11 =	vadd.f32 $1.000000000e+00, v11  }
0x2d3: {  	v1 =	vadd.f32 v1, v4;
	(erf) = vrcp.f32 v3;
	v3 =	vld [tilespmem:s14+$0xFFFFFFE0];
	v0 =	vmul.f32 $1.442695020e+00, v0  }
0x2d4: {  	s30 =	simm.s32 $0xA280;
	v36 =	vpop (erf);
	v4 =	vadd.f32 v8, v10;
	(erf) = vrcp.f32 v11  }
0x2d5: {  	v8 =	vpop (erf);
	[tilespmem:s30+$0x0] =	vst v36;
	v1 =	vsub.f32 $0.0e+00, v1;
	(erf) = vpow2.f32 v0  }
0x2d6: {  	v10 =	vpop (erf);
	v2 =	vadd.f32 v2, v4;
	v0 =	vadd.f32 v5, v7;
	v5 =	vld [tilespmem:s28+$0x90]  }
0x2d7: {  	v11 =	vld [tilespmem:s28+$0x10];
	v4 =	vadd.f32 $1.000000000e+00, v10  }
0x2d8: {  	v1 =	vmul.f32 $1.442695020e+00, v1;
	v2 =	vsub.f32 $0.0e+00, v2;
	v0 =	vadd.f32 v3, v0  }
0x2d9: {  	(erf) = vrcp.f32 v4;
	v6 =	vld.idx.msk [tilespmem:v6+s2+$0x0], $0xffff  }
0x2da: {  	[tilespmem:s19+$0xFFFFFFB0] =	vst v8;
	v3 =	vld.idx.msk [tilespmem:v9+s2+$0x0], $0xffff;
	(erf) = vpow2.f32 v1;
	v1 =	vmul.f32 $1.442695020e+00, v2;
	v2 =	vsub.f32 $0.0e+00, v0  }
0x2db: {  	v7 =	vld [tilespmem:s20+$0xFFFFFF40]  }
0x2dc: {  	v4 =	vld [tilespmem:s22+$0x60];
	v0 =	vpop (erf);
	v2 =	vmul.f32 $1.442695020e+00, v2  }
0x2dd: {  	(erf) = vpow2.f32 v1;
	v1 =	vld [tilespmem:s20+$0xFFFFFFC0];
	v8 =	vpop (erf)  }
0x2de: {  	(erf) = vpow2.f32 v2;
	v2 =	vld.idx.msk [tilespmem:v5+s2+$0x0], $0xffff;
	v5 =	vpop (erf)  }
0x2df: {  	v9 =	vld.idx.msk [tilespmem:v11+s2+$0x0], $0xffff;
	v3 =	vadd.f32 v3, v6;
	[tilespmem:s30+$0xFFFFFF80] =	vst v8;
	v5 =	vadd.f32 $1.000000000e+00, v5  }
0x2e0: {  	v6 =	vld [tilespmem:s28+$0xFFFFFF10]  }
0x2e1: {  	v10 =	vld [tilespmem:s28+$0xFFFFFF90];
	v3 =	vadd.f32 v4, v3  }
0x2e2: {  	v4 =	vld [tilespmem:s29+$0x10];
	v8 =	vpop (erf)  }
0x2e3: {  	[tilespmem:s26+$0x20] =	vst v8;
	(erf) = vrcp.f32 v5;
	v3 =	vsub.f32 $0.0e+00, v3;
	v5 =	vpop (erf)  }
0x2e4: {  	v8 =	vld [tilespmem:s23+$0x30];
	v5 =	vadd.f32 $1.000000000e+00, v5  }
0x2e5: {  	v2 =	vadd.f32 v2, v9;
	v9 =	vld [tilespmem:s23+$0xB0];
	v3 =	vmul.f32 $1.442695020e+00, v3  }
0x2e6: {  	v1 =	vld.idx.msk [tilespmem:v1+s2+$0x0], $0xffff;
	(erf) = vrcp.f32 v5  }
0x2e7: {  	v2 =	vadd.f32 v4, v2;
	(erf) = vpow2.f32 v3;
	v3 =	vld.idx.msk [tilespmem:v7+s2+$0x0], $0xffff  }
0x2e8: {  	v37 =	vpop (erf);
	v6 =	vld.idx.msk [tilespmem:v6+s2+$0x0], $0xffff  }
0x2e9: {  	v12 =	vadd.f32 $1.000000000e+00, v37;
	v4 =	vpop (erf);
	v2 =	vsub.f32 $0.0e+00, v2;
	v7 =	vld.idx.msk [tilespmem:v10+s2+$0x0], $0xffff  }
0x2ea: {  	v11 =	vld [tilespmem:s21+$0xFFFFFFC0];
	v4 =	vadd.f32 $1.000000000e+00, v4  }
0x2eb: {  	s12 =	simm.s32 $0x7C00;
	v5 =	vld [tilespmem:s29+$0xFFFFFF90];
	(erf) = vrcp.f32 v12;
	v2 =	vmul.f32 $1.442695020e+00, v2  }
0x2ec: {  	v43 =	vld [tilespmem:s12+$0x0];
	(erf) = vrcp.f32 v4  }
0x2ed: {  	v4 =	vld.idx.msk [tilespmem:v8+s2+$0x0], $0xffff;
	v8 =	vpop (erf);
	(erf) = vpow2.f32 v2;
	v1 =	vadd.f32 v1, v3  }
0x2ee: {  	[tilespmem:s26+$0xFFFFFFA0] =	vst v8;
	v2 =	vld.idx.msk [tilespmem:v9+s2+$0x0], $0xffff;
	v6 =	vadd.f32 v7, v6  }
0x2ef: {  	v3 =	vld [tilespmem:s23+$0xFFFFFF30];
	v1 =	vadd.f32 v11, v1;
	v9 =	vpop (erf)  }
0x2f0: {  	v7 =	vld [tilespmem:s24+$0x30];
	v5 =	vadd.f32 v5, v6;
	[tilespmem:s19+$0x40] =	vst v9;
	v9 =	vpop (erf)  }
0x2f1: {  	v8 =	vld [tilespmem:s23+$0xFFFFFFB0];
	v1 =	vsub.f32 $0.0e+00, v1;
	v9 =	vadd.f32 $1.000000000e+00, v9  }
0x2f2: {  	v5 =	vsub.f32 $0.0e+00, v5;
	v10 =	vld [tilespmem:s20+$0x50]  }
0x2f3: {  	v2 =	vadd.f32 v2, v4;
	v11 =	vld [tilespmem:s20+$0xD0];
	v1 =	vmul.f32 $1.442695020e+00, v1  }
0x2f4: {  	s31 =	simm.s32 $0x3280;
	v6 =	vpop (erf);
	v40 =	vld [tilespmem:s21+$0x50];
	v5 =	vmul.f32 $1.442695020e+00, v5;
	(erf) = vrcp.f32 v9  }
0x2f5: {  	v2 =	vadd.f32 v7, v2;
	(erf) = vpow2.f32 v1;
	v1 =	vld [tilespmem:s31+$0x0];
	v9 =	vpop (erf)  }
0x2f6: {  	(erf) = vpow2.f32 v5;
	v5 =	vld [tilespmem:s31+$0x80];
	v7 =	vpop (erf)  }
0x2f7: {  	[tilespmem:s18+$0xFFFFFFD0] =	vst v6;
	v6 =	vld [tilespmem:s24+$0xFFFFFFB0];
	v2 =	vsub.f32 $0.0e+00, v2;
	v7 =	vadd.f32 $1.000000000e+00, v7  }
0x2f8: {  	v4 =	vld [tilespmem:s25+$0xFFFFFF60]  }
0x2f9: {  	v3 =	vld.idx.msk [tilespmem:v3+s2+$0x0], $0xffff;
	v2 =	vmul.f32 $1.442695020e+00, v2;
	(erf) = vrcp.f32 v7  }
0x2fa: {  	v7 =	vld.idx.msk [tilespmem:v10+s2+$0x0], $0xffff  }
0x2fb: {  	v10 =	vld.idx.msk [tilespmem:v11+s2+$0x0], $0xffff;
	(erf) = vpow2.f32 v2  }
0x2fc: {  	v8 =	vld.idx.msk [tilespmem:v8+s2+$0x0], $0xffff  }
0x2fd: {  	v39 =	vpop (erf);
	v1 =	vld.idx.msk [tilespmem:v1+s2+$0x0], $0xffff  }
0x2fe: {  	[tilespmem:s18+$0x60] =	vst v39;
	v5 =	vld.idx.msk [tilespmem:v5+s2+$0x0], $0xffff  }
0x2ff: {  	v41 =	vpop (erf);
	v13 =	vld [tilespmem:s25+$0x70]  }
0x300: {  	v16 =	vld [tilespmem:s25+$0xF0];
	v15 =	vadd.f32 $1.000000000e+00, v41;
	v17 =	vpop (erf);
	v7 =	vadd.f32 v10, v7  }
0x301: {  	v2 =	vld [tilespmem:s31+$0xFFFFFF00];
	v42 =	vadd.f32 $1.000000000e+00, v17  }
0x302: {  	v11 =	vld [tilespmem:s31+$0xFFFFFF80];
	(erf) = vrcp.f32 v15;
	v7 =	vadd.f32 v40, v7;
	v10 =	vpop (erf)  }
0x303: {  	v38 =	vld [tilespmem:s25+$0xFFFFFFE0];
	(erf) = vrcp.f32 v42;
	[tilespmem:s30+$0x10] =	vst v10  }
0x304: {  	v3 =	vadd.f32 v8, v3;
	v7 =	vsub.f32 $0.0e+00, v7;
	v44 =	vpop (erf);
	v10 =	vld [tilespmem:s28+$0x20]  }
0x305: {  	v1 =	vadd.f32 v5, v1;
	v45 =	vld [tilespmem:s28+$0xA0];
	v15 =	vadd.f32 $1.000000000e+00, v44  }
0x306: {  	v3 =	vadd.f32 v6, v3;
	v6 =	vld [tilespmem:s22+$0x70];
	v5 =	vmul.f32 $1.442695020e+00, v7  }
0x307: {  	v1 =	vadd.f32 v43, v1;
	v13 =	vld.idx.msk [tilespmem:v13+s2+$0x0], $0xffff;
	(erf) = vrcp.f32 v15  }
0x308: {  	v7 =	vld.idx.msk [tilespmem:v16+s2+$0x0], $0xffff;
	(erf) = vpow2.f32 v5  }
0x309: {  	v2 =	vld.idx.msk [tilespmem:v2+s2+$0x0], $0xffff;
	v1 =	vsub.f32 $0.0e+00, v1  }
0x30a: {  	v3 =	vsub.f32 $0.0e+00, v3;
	v5 =	vld.idx.msk [tilespmem:v11+s2+$0x0], $0xffff  }
0x30b: {  	v8 =	vld [tilespmem:s12+$0xFFFFFF80];
	v1 =	vmul.f32 $1.442695020e+00, v1;
	v11 =	vpop (erf)  }
0x30c: {  	v3 =	vmul.f32 $1.442695020e+00, v3;
	v46 =	vpop (erf);
	v10 =	vld.idx.msk [tilespmem:v10+s2+$0x0], $0xffff  }
0x30d: {  	(erf) = vpow2.f32 v1;
	v7 =	vadd.f32 v7, v13;
	[tilespmem:s30+$0xFFFFFF90] =	vst v46;
	v1 =	vld.idx.msk [tilespmem:v45+s2+$0x0], $0xffff  }
0x30e: {  	v47 =	vld [tilespmem:s28+$0xFFFFFF20]  }
0x30f: {  	(erf) = vpow2.f32 v3;
	v2 =	vadd.f32 v5, v2;
	v5 =	vld [tilespmem:s28+$0xFFFFFFA0];
	v6 =	vadd.f32 v6, v7  }
0x310: {  	v48 =	vld [tilespmem:s29+$0x20];
	[tilespmem:s19+$0xFFFFFFC0] =	vst v11;
	v3 =	vpop (erf)  }
0x311: {  	v11 =	vld [tilespmem:s20+$0xFFFFFF50];
	v2 =	vadd.f32 v8, v2;
	v6 =	vsub.f32 $0.0e+00, v6;
	v7 =	vpop (erf);
	[tilespmem:s26+$0x30] =	vst v3  }
0x312: {  	v3 =	vadd.f32 $1.000000000e+00, v7;
	v7 =	vld [tilespmem:s23+$0x40]  }
0x313: {  	v2 =	vsub.f32 $0.0e+00, v2;
	v8 =	vld [tilespmem:s23+$0xC0];
	v6 =	vmul.f32 $1.442695020e+00, v6  }
0x314: {  	v1 =	vadd.f32 v1, v10;
	v10 =	vld [tilespmem:s20+$0xFFFFFFD0];
	(erf) = vrcp.f32 v3  }
0x315: {  	v4 =	vld.idx.msk [tilespmem:v4+s2+$0x0], $0xffff;
	v2 =	vmul.f32 $1.442695020e+00, v2;
	(erf) = vpow2.f32 v6  }
0x316: {  	v1 =	vadd.f32 v48, v1;
	v13 =	vld.idx.msk [tilespmem:v47+s2+$0x0], $0xffff  }
0x317: {  	v6 =	vpop (erf);
	(erf) = vpow2.f32 v2;
	v5 =	vld.idx.msk [tilespmem:v5+s2+$0x0], $0xffff  }
0x318: {  	v3 =	vld [tilespmem:s29+$0xFFFFFFA0];
	v1 =	vsub.f32 $0.0e+00, v1;
	v2 =	vadd.f32 $1.000000000e+00, v6;
	v6 =	vpop (erf)  }
0x319: {  	v11 =	vld.idx.msk [tilespmem:v11+s2+$0x0], $0xffff;
	v6 =	vadd.f32 $1.000000000e+00, v6  }
0x31a: {  	v1 =	vmul.f32 $1.442695020e+00, v1;
	(erf) = vrcp.f32 v2;
	v2 =	vld.idx.msk [tilespmem:v7+s2+$0x0], $0xffff  }
0x31b: {  	v7 =	vld.idx.msk [tilespmem:v8+s2+$0x0], $0xffff;
	(erf) = vrcp.f32 v6  }
0x31c: {  	v8 =	vld.idx.msk [tilespmem:v10+s2+$0x0], $0xffff;
	(erf) = vpow2.f32 v1;
	v5 =	vadd.f32 v5, v13  }
0x31d: {  	v10 =	vld [tilespmem:s24+$0x40];
	v6 =	vpop (erf)  }
0x31e: {  	v1 =	vld.idx.msk [tilespmem:v38+s2+$0x0], $0xffff;
	v3 =	vadd.f32 v3, v5;
	[tilespmem:s19+$0x50] =	vst v6;
	v50 =	vpop (erf)  }
0x31f: {  	[tilespmem:s17+$0xFFFFFFE0] =	vst v9;
	v6 =	vld [tilespmem:s20+$0x60];
	v9 =	vadd.f32 $1.000000000e+00, v50  }
0x320: {  	v5 =	vld [tilespmem:s20+$0xE0];
	v51 =	vpop (erf);
	v3 =	vsub.f32 $0.0e+00, v3  }
0x321: {  	v49 =	vld [tilespmem:s21+$0xFFFFFFD0];
	v2 =	vadd.f32 v7, v2;
	v12 =	vadd.f32 $1.000000000e+00, v51  }
0x322: {  	v7 =	vld [tilespmem:s22+$0xFFFFFFE0];
	(erf) = vrcp.f32 v9;
	v3 =	vmul.f32 $1.442695020e+00, v3  }
0x323: {  	s1 =	simm.s32 $0xA380;
	v2 =	vadd.f32 v10, v2;
	v9 =	vpop (erf);
	(erf) = vrcp.f32 v12  }
0x324: {  	v8 =	vadd.f32 v8, v11;
	[tilespmem:s1+$0x0] =	vst v9;
	v9 =	vpop (erf);
	(erf) = vpow2.f32 v3  }
0x325: {  	v52 =	vld [tilespmem:s11+$0xFFFFFF70];
	v1 =	vadd.f32 v1, v4;
	v2 =	vsub.f32 $0.0e+00, v2;
	v54 =	vpop (erf)  }
0x326: {  	v8 =	vadd.f32 v49, v8;
	v53 =	vld [tilespmem:s31+$0x10];
	v15 =	vadd.f32 $1.000000000e+00, v54  }
0x327: {  	v1 =	vadd.f32 v7, v1;
	v2 =	vmul.f32 $1.442695020e+00, v2;
	v3 =	vld.idx.msk [tilespmem:v6+s2+$0x0], $0xffff  }
0x328: {  	v4 =	vsub.f32 $0.0e+00, v8;
	v5 =	vld.idx.msk [tilespmem:v5+s2+$0x0], $0xffff;
	(erf) = vrcp.f32 v15  }
0x329: {  	v55 =	vld [tilespmem:s31+$0x90];
	v1 =	vsub.f32 $0.0e+00, v1;
	(erf) = vpow2.f32 v2  }
0x32a: {  	v10 =	vld [tilespmem:s11+$0xFFFFFFF0];
	v2 =	vmul.f32 $1.442695020e+00, v4  }
0x32b: {  	v11 =	vld [tilespmem:s14+$0xFFFFFFF0];
	v1 =	vmul.f32 $1.442695020e+00, v1;
	v8 =	vpop (erf)  }
0x32c: {  	v7 =	vld [tilespmem:s21+$0x60];
	[tilespmem:s26+$0xFFFFFFB0] =	vst v9;
	(erf) = vpow2.f32 v2;
	v9 =	vpop (erf)  }
0x32d: {  	v6 =	vld [tilespmem:s23+$0xFFFFFF40];
	(erf) = vpow2.f32 v1;
	v1 =	vadd.f32 v5, v3;
	v5 =	vpop (erf)  }
0x32e: {  	v4 =	vld [tilespmem:s23+$0xFFFFFFC0];
	v5 =	vadd.f32 $1.000000000e+00, v5  }
0x32f: {  	v12 =	vld.idx.msk [tilespmem:v53+s2+$0x0], $0xffff;
	[tilespmem:s1+$0xFFFFFF80] =	vst v9  }
0x330: {  	v3 =	vld [tilespmem:s31+$0xFFFFFF10]  }
0x331: {  	v9 =	vld.idx.msk [tilespmem:v55+s2+$0x0], $0xffff;
	v15 =	vpop (erf)  }
0x332: {  	v10 =	vld.idx.msk [tilespmem:v10+s2+$0x0], $0xffff;
	v1 =	vadd.f32 v7, v1;
	(erf) = vrcp.f32 v5;
	v5 =	vpop (erf)  }
0x333: {  	v7 =	vld [tilespmem:s12+$0x10];
	v5 =	vadd.f32 $1.000000000e+00, v5  }
0x334: {  	v56 =	vld [tilespmem:s31+$0xFFFFFF90];
	v1 =	vsub.f32 $0.0e+00, v1  }
0x335: {  	v6 =	vld.idx.msk [tilespmem:v6+s2+$0x0], $0xffff;
	[tilespmem:s30+$0x20] =	vst v15  }
0x336: {  	v9 =	vadd.f32 v9, v12;
	v1 =	vmul.f32 $1.442695020e+00, v1;
	v15 =	vld [tilespmem:s28+$0x30]  }
0x337: {  	v58 =	vld [tilespmem:s28+$0xB0];
	(erf) = vrcp.f32 v5;
	v5 =	vpop (erf)  }
0x338: {  	v7 =	vadd.f32 v7, v9;
	(erf) = vpow2.f32 v1;
	v1 =	vld.idx.msk [tilespmem:v3+s2+$0x0], $0xffff;
	v3 =	vpop (erf)  }
0x339: {  	v4 =	vld.idx.msk [tilespmem:v4+s2+$0x0], $0xffff;
	v5 =	vadd.f32 $1.000000000e+00, v5;
	v3 =	vadd.f32 $1.000000000e+00, v3  }
0x33a: {  	v2 =	vld [tilespmem:s24+$0xFFFFFFC0]  }
0x33b: {  	v57 =	vld [tilespmem:s12+$0xFFFFFF90];
	v7 =	vsub.f32 $0.0e+00, v7;
	(erf) = vrcp.f32 v5  }
0x33c: {  	v5 =	vld.idx.msk [tilespmem:v56+s2+$0x0], $0xffff  }
0x33d: {  	v9 =	vld.idx.msk [tilespmem:v52+s2+$0x0], $0xffff;
	v7 =	vmul.f32 $1.442695020e+00, v7;
	(erf) = vrcp.f32 v3;
	v3 =	vpop (erf)  }
0x33e: {  	v59 =	vld.idx.msk [tilespmem:v15+s2+$0x0], $0xffff;
	[tilespmem:s30+$0xFFFFFFA0] =	vst v3;
	v3 =	vadd.f32 v4, v6  }
0x33f: {  	(erf) = vpow2.f32 v7;
	v7 =	vld.idx.msk [tilespmem:v58+s2+$0x0], $0xffff  }
0x340: {  	v60 =	vld [tilespmem:s28+$0xFFFFFF30]  }
0x341: {  	v61 =	vld [tilespmem:s29+$0x30];
	v1 =	vadd.f32 v5, v1;
	v5 =	vpop (erf)  }
0x342: {  	v9 =	vadd.f32 v10, v9;
	v4 =	vld [tilespmem:s28+$0xFFFFFFB0];
	v2 =	vadd.f32 v2, v3;
	[tilespmem:s26+$0x40] =	vst v5;
	v3 =	vpop (erf)  }
0x343: {  	v1 =	vadd.f32 v57, v1;
	v5 =	vld [tilespmem:s23+$0x50];
	v10 =	vadd.f32 $1.000000000e+00, v3  }
0x344: {  	[tilespmem:s17+$0x70] =	vst v0;
	v6 =	vld [tilespmem:s23+$0xD0];
	v2 =	vsub.f32 $0.0e+00, v2;
	v62 =	vpop (erf)  }
0x345: {  	v0 =	vadd.f32 v7, v59;
	v1 =	vsub.f32 $0.0e+00, v1;
	v3 =	vld [tilespmem:s29+$0xFFFFFFB0];
	[tilespmem:s19+$0xFFFFFFD0] =	vst v62;
	(erf) = vrcp.f32 v10  }
0x346: {  	[tilespmem:s18+$0x70] =	vst v8;
	v9 =	vadd.f32 v11, v9;
	v63 =	vmul.f32 $1.442695020e+00, v2;
	v8 =	vpop (erf);
	v2 =	vld [tilespmem:s20+$0xFFFFFF60]  }
0x347: {  	v7 =	vmul.f32 $1.442695020e+00, v1;
	v1 =	vld [tilespmem:s20+$0xFFFFFFE0];
	[tilespmem:s18+$0xFFFFFFE0] =	vst v8;
	v8 =	vadd.f32 v61, v0  }
0x348: {  	s0 =	simm.s32 $0x7C00;
	s14 =	simm.s32 $0x3480;
	s11 =	simm.s32 $0xA;
	v9 =	vsub.f32 $0.0e+00, v9;
	(erf) = vpow2.f32 v63;
	v10 =	vpop (erf);
	v0 =	vld.idx.msk [tilespmem:v60+s2+$0x0], $0xffff  }
.LBB2_6:
0x349: {  	v11 =	vld [tilespmem:s14+$0x0];
	v10 =	vadd.f32 $1.000000000e+00, v10;
	(erf) = vpow2.f32 v7;
	v7 =	vsub.f32 $0.0e+00, v8  }
0x34a: {  	v9 =	vmul.f32 $1.442695020e+00, v9;
	v8 =	vld [tilespmem:s14+$0x80]  }
0x34b: {  	(erf) = vrcp.f32 v10;
	v7 =	vmul.f32 $1.442695020e+00, v7;
	v5 =	vld.idx.msk [tilespmem:v5+s2+$0x0], $0xffff  }
0x34c: {  	v6 =	vld.idx.msk [tilespmem:v6+s2+$0x0], $0xffff;
	(erf) = vpow2.f32 v9  }
0x34d: {  	v9 =	vld [tilespmem:s14+$0xFFFFFF80];
	(erf) = vpow2.f32 v7  }
0x34e: {  	v7 =	vld [tilespmem:s14+$0xFFFFFF00];
	v10 =	vpop (erf)  }
0x34f: {  	v12 =	vld [tilespmem:s24+$0x50];
	[tilespmem:s19+$0x60] =	vst v10  }
0x350: {  	v10 =	vld [tilespmem:s20+$0x70]  }
0x351: {  	v13 =	vpop (erf);
	v14 =	vld [tilespmem:s20+$0xF0]  }
0x352: {  	v5 =	vadd.f32 v6, v5;
	v11 =	vld.idx.msk [tilespmem:v11+s2+$0x0], $0xffff;
	v15 =	vpop (erf);
	v13 =	vadd.f32 $1.000000000e+00, v13  }
0x353: {  	v6 =	vld.idx.msk [tilespmem:v8+s2+$0x0], $0xffff;
	v16 =	vadd.f32 $1.000000000e+00, v15  }
0x354: {  	s12 =	sadd.s32 $0x100, s12;
	v15 =	vpop (erf);
	v4 =	vld.idx.msk [tilespmem:v4+s2+$0x0], $0xffff;
	v5 =	vadd.f32 v12, v5;
	(erf) = vrcp.f32 v13  }
0x355: {  	v12 =	vld [tilespmem:s12+$0x0];
	[tilespmem:s1+$0x10] =	vst v15;
	(erf) = vrcp.f32 v16;
	v8 =	vpop (erf)  }
0x356: {  	s11 =	sadd.s32 $0x2, s11;
	v13 =	vld [tilespmem:s31+$0x20];
	v15 =	vpop (erf);
	v5 =	vsub.f32 $0.0e+00, v5;
	v8 =	vadd.f32 $1.000000000e+00, v8  }
0x357: {  	p1 =	slt.u32 s11, $0x30;
	v16 =	vld [tilespmem:s31+$0xA0];
	v15 =	vadd.f32 $1.000000000e+00, v15  }
0x358: {  	v5 =	vmul.f32 $1.442695020e+00, v5;
	v10 =	vld.idx.msk [tilespmem:v10+s2+$0x0], $0xffff;
	(erf) = vrcp.f32 v8  }
0x359: {  	v6 =	vadd.f32 v6, v11;
	(erf) = vrcp.f32 v15;
	v8 =	vld.idx.msk [tilespmem:v14+s2+$0x0], $0xffff  }
0x35a: {  	v0 =	vadd.f32 v4, v0;
	v7 =	vld.idx.msk [tilespmem:v7+s2+$0x0], $0xffff;
	(erf) = vpow2.f32 v5  }
0x35b: {  	v5 =	vadd.f32 v12, v6;
	v4 =	vld.idx.msk [tilespmem:v9+s2+$0x0], $0xffff  }
0x35c: {  	v0 =	vadd.f32 v3, v0;
	v3 =	vld [tilespmem:s21+$0x70]  }
0x35d: {  	v5 =	vsub.f32 $0.0e+00, v5;
	v6 =	vld [tilespmem:s12+$0xFFFFFF80];
	v9 =	vpop (erf)  }
0x35e: {  	v0 =	vsub.f32 $0.0e+00, v0;
	v11 =	vpop (erf);
	[tilespmem:s26+$0xFFFFFFC0] =	vst v9;
	v2 =	vld.idx.msk [tilespmem:v2+s2+$0x0], $0xffff  }
0x35f: {  	v5 =	vmul.f32 $1.442695020e+00, v5;
	v8 =	vadd.f32 v8, v10;
	[tilespmem:s1+$0xFFFFFF90] =	vst v11;
	v9 =	vld [tilespmem:s23+$0xFFFFFF50]  }
0x360: {  	v11 =	vmul.f32 $1.442695020e+00, v0;
	v10 =	vld.idx.msk [tilespmem:v13+s2+$0x0], $0xffff  }
0x361: {  	v4 =	vadd.f32 v4, v7;
	(erf) = vpow2.f32 v5;
	v5 =	vld.idx.msk [tilespmem:v16+s2+$0x0], $0xffff;
	v3 =	vadd.f32 v3, v8;
	v7 =	vpop (erf)  }
0x362: {  	v8 =	vld [tilespmem:s31+$0xFFFFFF20];
	(erf) = vpow2.f32 v11;
	v0 =	vpop (erf);
	[tilespmem:s17+$0xFFFFFFF0] =	vst v7;
	s17 =	smov.u32 s18;
	s18 =	smov.u32 s19;
	s19 =	smov.u32 s26  }
0x363: {  	v4 =	vadd.f32 v6, v4;
	s26 =	smov.u32 s30;
	s30 =	smov.u32 s1;
	v6 =	vld [tilespmem:s31+$0xFFFFFFA0];
	v7 =	vpop (erf);
	v3 =	vsub.f32 $0.0e+00, v3  }
0x364: {  	v11 =	vld [tilespmem:s0+$0x20];
	[tilespmem:s26+$0x30] =	vst v0;
	v0 =	vadd.f32 $1.000000000e+00, v7  }
0x365: {  	v4 =	vsub.f32 $0.0e+00, v4;
	v7 =	vld [tilespmem:s28+$0x40];
	v3 =	vmul.f32 $1.442695020e+00, v3  }
0x366: {  	v12 =	vld [tilespmem:s28+$0xC0];
	(erf) = vrcp.f32 v0  }
0x367: {  	v0 =	vmul.f32 $1.442695020e+00, v4;
	v5 =	vadd.f32 v5, v10;
	v4 =	vld [tilespmem:s0+$0xFFFFFFA0];
	(erf) = vpow2.f32 v3  }
0x368: {  	v3 =	vld [tilespmem:s23+$0xFFFFFFD0]  }
0x369: {  	(erf) = vpow2.f32 v0;
	v0 =	vadd.f32 v11, v5;
	v5 =	vld.idx.msk [tilespmem:v9+s2+$0x0], $0xffff  }
0x36a: {  	v9 =	vpop (erf);
	v8 =	vld.idx.msk [tilespmem:v8+s2+$0x0], $0xffff  }
0x36b: {  	v9 =	vadd.f32 $1.000000000e+00, v9;
	v6 =	vld.idx.msk [tilespmem:v6+s2+$0x0], $0xffff;
	v0 =	vsub.f32 $0.0e+00, v0;
	v10 =	vpop (erf)  }
0x36c: {  	v10 =	vadd.f32 $1.000000000e+00, v10;
	v11 =	vld [tilespmem:s24+$0xFFFFFFD0]  }
0x36d: {  	(erf) = vrcp.f32 v9;
	v13 =	vmul.f32 $1.442695020e+00, v0;
	v7 =	vld.idx.msk [tilespmem:v7+s2+$0x0], $0xffff  }
0x36e: {  	v9 =	vld.idx.msk [tilespmem:v12+s2+$0x0], $0xffff;
	(erf) = vrcp.f32 v10  }
0x36f: {  	(erf) = vpow2.f32 v13;
	v0 =	vpop (erf);
	v1 =	vld.idx.msk [tilespmem:v1+s2+$0x0], $0xffff  }
0x370: {  	v3 =	vld.idx.msk [tilespmem:v3+s2+$0x0], $0xffff;
	v10 =	vpop (erf)  }
0x371: {  	v6 =	vadd.f32 v6, v8;
	v8 =	vld [tilespmem:s29+$0x40];
	[tilespmem:s19+$0x50] =	vst v0;
	v0 =	vadd.f32 $1.000000000e+00, v10  }
0x372: {  	v10 =	vpop (erf);
	v12 =	vld [tilespmem:s23+$0x60]  }
0x373: {  	v4 =	vadd.f32 v4, v6;
	v10 =	vadd.f32 $1.000000000e+00, v10;
	v6 =	vld [tilespmem:s23+$0xE0];
	(erf) = vrcp.f32 v0  }
0x374: {  	v0 =	vadd.f32 v9, v7;
	v7 =	vld [tilespmem:s21+$0xFFFFFFE0]  }
0x375: {  	v4 =	vsub.f32 $0.0e+00, v4;
	v1 =	vadd.f32 v1, v2;
	(erf) = vrcp.f32 v10;
	v2 =	vld [tilespmem:s25+$0xFFFFFF70]  }
0x376: {  	s1 =	sadd.s32 $0x100, s1;
	v3 =	vadd.f32 v3, v5;
	v9 =	vpop (erf);
	v8 =	vadd.f32 v8, v0;
	v5 =	vld [tilespmem:s25+$0xFFFFFFF0];
	s25 =	smov.u32 s20;
	s20 =	smov.u32 s23  }
0x377: {  	v4 =	vmul.f32 $1.442695020e+00, v4;
	[tilespmem:s1+$0x0] =	vst v9;
	v9 =	vpop (erf);
	v0 =	vld [tilespmem:s22+$0xFFFFFFF0];
	s22 =	smov.u32 s21;
	s21 =	smov.u32 s24;
	s24 =	smov.u32 s29  }
0x378: {  	s23 =	smov.u32 s28;
	v3 =	vadd.f32 v11, v3;
	s29 =	smov.u32 s0;
	s0 =	smov.u32 s12;
	v10 =	vld [tilespmem:s14+$0x10];
	v13 =	vpop (erf);
	[tilespmem:s26+$0xFFFFFFB0] =	vst v9;
	v8 =	vsub.f32 $0.0e+00, v8  }
0x379: {  	s28 =	smov.u32 s31;
	s31 =	smov.u32 s14;
	v9 =	vld [tilespmem:s14+$0x90];
	v11 =	vadd.f32 $1.000000000e+00, v13;
	(erf) = vpow2.f32 v4;
	v1 =	vadd.f32 v7, v1  }
0x37a: {  	v3 =	vsub.f32 $0.0e+00, v3;
	v13 =	vmul.f32 $1.442695020e+00, v8;
	v7 =	vld.idx.msk [tilespmem:v12+s2+$0x0], $0xffff  }
0x37b: {  	(erf) = vrcp.f32 v11;
	v6 =	vld.idx.msk [tilespmem:v6+s2+$0x0], $0xffff;
	v1 =	vsub.f32 $0.0e+00, v1  }
0x37c: {  	v3 =	vmul.f32 $1.442695020e+00, v3;
	v8 =	vld [tilespmem:s23+$0xFFFFFF40];
	(erf) = vpow2.f32 v13;
	v4 =	vpop (erf)  }
0x37d: {  	v11 =	vld [tilespmem:s23+$0xFFFFFFC0];
	v1 =	vmul.f32 $1.442695020e+00, v1;
	[tilespmem:s18+$0x70] =	vst v4  }
0x37e: {  	v4 =	vpop (erf);
	v12 =	vld [tilespmem:s21+$0x60];
	(erf) = vpow2.f32 v3  }
0x37f: {  	[tilespmem:s1+$0xFFFFFF80] =	vst v4;
	v3 =	vld [tilespmem:s24+$0xFFFFFFC0];
	(erf) = vpow2.f32 v1  }
0x380: {  	v1 =	vld.idx.msk [tilespmem:v10+s2+$0x0], $0xffff  }
0x381: {  	v6 =	vadd.f32 v6, v7;
	v4 =	vld.idx.msk [tilespmem:v9+s2+$0x0], $0xffff  }
0x382: {  	v7 =	vld [tilespmem:s14+$0xFFFFFF10];
	v9 =	vpop (erf)  }
0x383: {  	v10 =	vld [tilespmem:s14+$0xFFFFFF90];
	v15 =	vadd.f32 $1.000000000e+00, v9;
	v6 =	vadd.f32 v12, v6  }
0x384: {  	v12 =	vld [tilespmem:s12+$0x10];
	v13 =	vpop (erf)  }
0x385: {  	v14 =	vld [tilespmem:s12+$0xFFFFFF90];
	[tilespmem:s30+$0x20] =	vst v13;
	(erf) = vrcp.f32 v15;
	v9 =	vpop (erf);
	v6 =	vsub.f32 $0.0e+00, v6  }
0x386: {  	v13 =	vld [tilespmem:s28+$0x30];
	v9 =	vadd.f32 $1.000000000e+00, v9  }
0x387: {  	v1 =	vadd.f32 v4, v1;
	v4 =	vld [tilespmem:s28+$0xB0];
	v6 =	vmul.f32 $1.442695020e+00, v6;
	v15 =	vpop (erf)  }
0x388: {  	v8 =	vld.idx.msk [tilespmem:v8+s2+$0x0], $0xffff;
	(erf) = vrcp.f32 v9;
	v9 =	vadd.f32 $1.000000000e+00, v15;
	v15 =	vpop (erf)  }
0x389: {  	v1 =	vadd.f32 v12, v1;
	v11 =	vld.idx.msk [tilespmem:v11+s2+$0x0], $0xffff;
	(erf) = vpow2.f32 v6;
	v6 =	vadd.f32 $1.000000000e+00, v15  }
0x38a: {  	v7 =	vld.idx.msk [tilespmem:v7+s2+$0x0], $0xffff;
	(erf) = vrcp.f32 v9  }
0x38b: {  	v9 =	vld.idx.msk [tilespmem:v10+s2+$0x0], $0xffff;
	v1 =	vsub.f32 $0.0e+00, v1;
	(erf) = vrcp.f32 v6  }
0x38c: {  	v2 =	vld.idx.msk [tilespmem:v2+s2+$0x0], $0xffff  }
0x38d: {  	v1 =	vmul.f32 $1.442695020e+00, v1;
	v10 =	vld.idx.msk [tilespmem:v5+s2+$0x0], $0xffff  }
0x38e: {  	v12 =	vld.idx.msk [tilespmem:v13+s2+$0x0], $0xffff;
	v5 =	vpop (erf)  }
0x38f: {  	v8 =	vadd.f32 v11, v8;
	(erf) = vpow2.f32 v1;
	[tilespmem:s30+$0xFFFFFFA0] =	vst v5;
	v1 =	vld.idx.msk [tilespmem:v4+s2+$0x0], $0xffff  }
0x390: {  	v11 =	vld [tilespmem:s28+$0xFFFFFF30]  }
0x391: {  	v6 =	vadd.f32 v9, v7;
	v3 =	vadd.f32 v3, v8;
	v4 =	vld [tilespmem:s28+$0xFFFFFFB0];
	v5 =	vpop (erf)  }
0x392: {  	v8 =	vld [tilespmem:s29+$0x30];
	[tilespmem:s26+$0x40] =	vst v5;
	v7 =	vpop (erf)  }
0x393: {  	v9 =	vadd.f32 v14, v6;
	v5 =	vld [tilespmem:s23+$0x50];
	v7 =	vadd.f32 $1.000000000e+00, v7;
	v13 =	vpop (erf)  }
.Ltmp3:
0x394: {  	v14 =	vsub.f32 $0.0e+00, v3;
	v10 =	vadd.f32 v10, v2;
	v6 =	vld [tilespmem:s23+$0xD0];
	[tilespmem:s19+$0xFFFFFFD0] =	vst v13;
	v13 =	vpop (erf);
	(pc) =	sbr.rel @p1 .LBB2_6-.Ltmp3, $4  }
0x395: {  	v9 =	vsub.f32 $0.0e+00, v9;
	v1 =	vadd.f32 v1, v12;
	v3 =	vld [tilespmem:s29+$0xFFFFFFB0];
	(erf) = vrcp.f32 v7;
	[tilespmem:s18+$0xFFFFFFE0] =	vst v13  }
0x396: {  	v12 =	vmul.f32 $1.442695020e+00, v14;
	v13 =	vadd.f32 v0, v10;
	v2 =	vld [tilespmem:s20+$0xFFFFFF60]  }
0x397: {  	v7 =	vmul.f32 $1.442695020e+00, v9;
	v8 =	vadd.f32 v8, v1;
	v1 =	vld [tilespmem:s20+$0xFFFFFFE0]  }
0x398: {  	s14 =	sadd.s32 $0x200, s14;
	v9 =	vsub.f32 $0.0e+00, v13;
	v10 =	vpop (erf);
	v0 =	vld.idx.msk [tilespmem:v11+s2+$0x0], $0xffff;
	(erf) = vpow2.f32 v12  }
.Ltmp4:
0x399: {  	_ = 	snop;
	(pc) =	sbr.rel .LBB2_7-.Ltmp4, $1  }
0x39a: {  	_ =	sdelay $0x3  }
.LBB2_2:
0x39b: {  	[tilespmem:s0], [sflag:$0x1] =	stream.linear.gather [hbm4b:s4+s2], $0x4F00, $0x38;
	[tilespmem:$0xC580] =	vst v63  }
0x39c: {  	s12 =	simm.s32 $0x7680  }
0x39d: {  	[tilespmem:s12], [sflag:$0x1] =	stream.linear.gather [hbm4b:s5+s2], $0x2780, $0x38;
	[tilespmem:$0xC580] =	vst v63  }
0x39e: {  	_ =	swait.ge [sflag:s13], $0x2780  }
0x39f: {  	[sflag:s13] =	ssyncset.done $0x0  }
0x3a0: {  	[sflag:s13] =	ssyncadd.s32 $0xFFFFD880  }
0x3a1: {  	_ =	swait.ge [sflag:s13], $0x4F00  }
0x3a2: {  	[sflag:s13] =	ssyncset.done $0x0  }
0x3a3: {  	[sflag:s13] =	ssyncadd.s32 $0xFFFFB100  }
0x3a4: {  	_ =	swait.ge [sflag:s13], $0x2780  }
0x3a5: {  	[sflag:s13] =	ssyncset.done $0x0  }
0x3a6: {  	s11 =	simm.s32 $0x2880;
	[sflag:s13] =	ssyncadd.s32 $0xFFFFD880  }
0x3a7: {  	v0 =	vld [tilespmem:s11+$0x0]  }
0x3a8: {  	v1 =	vld [tilespmem:s11+$0x80];
	_ =	sdelay $0x5  }
0x3a9: {  	v2 =	vld [tilespmem:s11+$0xFFFFFF80]  }
0x3aa: {  	v0 =	vld.idx.msk [tilespmem:v0+s2+$0x0], $0xffff  }
0x3ab: {  	v1 =	vld.idx.msk [tilespmem:v1+s2+$0x0], $0xffff  }
0x3ac: {  	s14 =	simm.s32 $0x7700;
	v3 =	vld [tilespmem:s11+$0xFFFFFF00]  }
0x3ad: {  	v4 =	vld [tilespmem:s14+$0x0];
	_ =	sdelay $0x2  }
0x3ae: {  	v0 =	vadd.f32 v1, v0;
	_ =	sdelay $0x1  }
0x3af: {  	v0 =	vadd.f32 v4, v0;
	_ =	sdelay $0x1  }
0x3b0: {  	v2 =	vld.idx.msk [tilespmem:v2+s2+$0x0], $0xffff;
	v0 =	vsub.f32 $0.0e+00, v0  }
0x3b1: {  	v1 =	vld.idx.msk [tilespmem:v3+s2+$0x0], $0xffff  }
0x3b2: {  	v0 =	vmul.f32 $1.442695020e+00, v0  }
0x3b3: {  	v3 =	vld [tilespmem:s14+$0xFFFFFF80]  }
0x3b4: {  	(erf) = vpow2.f32 v0;
	_ =	sdelay $0x1  }
0x3b5: {  	v0 =	vadd.f32 v2, v1;
	_ =	sdelay $0x1  }
0x3b6: {  	v0 =	vadd.f32 v3, v0;
	_ =	sdelay $0x1  }
0x3b7: {  	v0 =	vsub.f32 $0.0e+00, v0;
	_ =	sdelay $0x1  }
0x3b8: {  	v0 =	vmul.f32 $1.442695020e+00, v0  }
0x3b9: {  	v1 =	vpop (erf)  }
0x3ba: {  	(erf) = vpow2.f32 v0;
	v0 =	vadd.f32 $1.000000000e+00, v1;
	_ =	sdelay $0x1  }
0x3bb: {  	(erf) = vrcp.f32 v0;
	_ =	sdelay $0x6  }
0x3bc: {  	v0 =	vpop (erf)  }
0x3bd: {  	v0 =	vadd.f32 $1.000000000e+00, v0  }
0x3be: {  	s17 =	simm.s32 $0x9E80;
	v1 =	vpop (erf)  }
0x3bf: {  	(erf) = vrcp.f32 v0;
	[tilespmem:s17+$0x0] =	vst v1  }
0x3c0: {  	v0 =	vld [tilespmem:s11+$0x10]  }
0x3c1: {  	v1 =	vld [tilespmem:s11+$0x90];
	_ =	sdelay $0x5  }
0x3c2: {  	v4 =	vld [tilespmem:s14+$0x10]  }
0x3c3: {  	v2 =	vpop (erf);
	v0 =	vld.idx.msk [tilespmem:v0+s2+$0x0], $0xffff  }
0x3c4: {  	[tilespmem:s17+$0xFFFFFF80] =	vst v2;
	v1 =	vld.idx.msk [tilespmem:v1+s2+$0x0], $0xffff  }
0x3c5: {  	v2 =	vld [tilespmem:s11+$0xFFFFFF10]  }
0x3c6: {  	v3 =	vld [tilespmem:s11+$0xFFFFFF90];
	_ =	sdelay $0x2  }
0x3c7: {  	v0 =	vadd.f32 v1, v0;
	_ =	sdelay $0x1  }
0x3c8: {  	v0 =	vadd.f32 v4, v0;
	_ =	sdelay $0x1  }
0x3c9: {  	v1 =	vld.idx.msk [tilespmem:v2+s2+$0x0], $0xffff;
	v0 =	vsub.f32 $0.0e+00, v0  }
0x3ca: {  	v2 =	vld.idx.msk [tilespmem:v3+s2+$0x0], $0xffff  }
0x3cb: {  	v0 =	vmul.f32 $1.442695020e+00, v0  }
0x3cc: {  	v3 =	vld [tilespmem:s14+$0xFFFFFF90]  }
0x3cd: {  	(erf) = vpow2.f32 v0;
	_ =	sdelay $0x1  }
0x3ce: {  	v0 =	vadd.f32 v2, v1;
	_ =	sdelay $0x1  }
0x3cf: {  	v0 =	vadd.f32 v3, v0;
	_ =	sdelay $0x1  }
0x3d0: {  	v0 =	vsub.f32 $0.0e+00, v0;
	_ =	sdelay $0x1  }
0x3d1: {  	s25 =	simm.s32 $0x2A80;
	v0 =	vmul.f32 $1.442695020e+00, v0  }
0x3d2: {  	v2 =	vld [tilespmem:s25+$0x0];
	v1 =	vpop (erf)  }
0x3d3: {  	(erf) = vpow2.f32 v0;
	v1 =	vadd.f32 $1.000000000e+00, v1  }
0x3d4: {  	v0 =	vld [tilespmem:s25+$0x80]  }
0x3d5: {  	(erf) = vrcp.f32 v1;
	_ =	sdelay $0x3  }
0x3d6: {  	v3 =	vld [tilespmem:s25+$0xFFFFFF00]  }
0x3d7: {  	v2 =	vld.idx.msk [tilespmem:v2+s2+$0x0], $0xffff  }
0x3d8: {  	v1 =	vld [tilespmem:s25+$0xFFFFFF80]  }
0x3d9: {  	v0 =	vld.idx.msk [tilespmem:v0+s2+$0x0], $0xffff;
	v4 =	vpop (erf)  }
0x3da: {  	s22 =	simm.s32 $0x7800;
	v4 =	vadd.f32 $1.000000000e+00, v4  }
0x3db: {  	v5 =	vld [tilespmem:s22+$0x0];
	v6 =	vpop (erf)  }
0x3dc: {  	(erf) = vrcp.f32 v4;
	[tilespmem:s17+$0x10] =	vst v6  }
0x3dd: {  	v4 =	vld [tilespmem:s11+$0x20]  }
0x3de: {  	v0 =	vadd.f32 v0, v2;
	v2 =	vld [tilespmem:s11+$0xA0]  }
0x3df: {  	v3 =	vld.idx.msk [tilespmem:v3+s2+$0x0], $0xffff  }
0x3e0: {  	v1 =	vld.idx.msk [tilespmem:v1+s2+$0x0], $0xffff;
	v0 =	vadd.f32 v5, v0;
	_ =	sdelay $0x1  }
0x3e1: {  	v5 =	vld [tilespmem:s22+$0xFFFFFF80];
	v0 =	vsub.f32 $0.0e+00, v0;
	_ =	sdelay $0x1  }
0x3e2: {  	v0 =	vmul.f32 $1.442695020e+00, v0  }
0x3e3: {  	v1 =	vadd.f32 v1, v3;
	v6 =	vpop (erf);
	v4 =	vld.idx.msk [tilespmem:v4+s2+$0x0], $0xffff  }
0x3e4: {  	(erf) = vpow2.f32 v0;
	[tilespmem:s17+$0xFFFFFF90] =	vst v6;
	v0 =	vld.idx.msk [tilespmem:v2+s2+$0x0], $0xffff  }
0x3e5: {  	v1 =	vadd.f32 v5, v1;
	v2 =	vld [tilespmem:s11+$0xFFFFFF20]  }
0x3e6: {  	v5 =	vld [tilespmem:s11+$0xFFFFFFA0]  }
0x3e7: {  	v3 =	vld [tilespmem:s14+$0x20];
	v1 =	vsub.f32 $0.0e+00, v1;
	_ =	sdelay $0x1  }
0x3e8: {  	v1 =	vmul.f32 $1.442695020e+00, v1  }
0x3e9: {  	v0 =	vadd.f32 v0, v4  }
0x3ea: {  	(erf) = vpow2.f32 v1  }
0x3eb: {  	v0 =	vadd.f32 v3, v0  }
0x3ec: {  	v3 =	vpop (erf);
	v2 =	vld.idx.msk [tilespmem:v2+s2+$0x0], $0xffff  }
0x3ed: {  	v1 =	vadd.f32 $1.000000000e+00, v3;
	v3 =	vld.idx.msk [tilespmem:v5+s2+$0x0], $0xffff;
	v0 =	vsub.f32 $0.0e+00, v0;
	_ =	sdelay $0x1  }
0x3ee: {  	(erf) = vrcp.f32 v1;
	v1 =	vld [tilespmem:s14+$0xFFFFFFA0];
	v0 =	vmul.f32 $1.442695020e+00, v0;
	_ =	sdelay $0x1  }
0x3ef: {  	(erf) = vpow2.f32 v0  }
0x3f0: {  	v0 =	vadd.f32 v3, v2  }
0x3f1: {  	v2 =	vpop (erf)  }
0x3f2: {  	v0 =	vadd.f32 v1, v0;
	v1 =	vadd.f32 $1.000000000e+00, v2;
	_ =	sdelay $0x1  }
0x3f3: {  	(erf) = vrcp.f32 v1;
	_ =	sdelay $0x1  }
0x3f4: {  	s18 =	simm.s32 $0x9F80;
	v0 =	vsub.f32 $0.0e+00, v0;
	v2 =	vpop (erf)  }
0x3f5: {  	[tilespmem:s18+$0x0] =	vst v2  }
0x3f6: {  	v0 =	vmul.f32 $1.442695020e+00, v0;
	v1 =	vld [tilespmem:s25+$0x10];
	v2 =	vpop (erf)  }
0x3f7: {  	v3 =	vld [tilespmem:s25+$0x90];
	v2 =	vadd.f32 $1.000000000e+00, v2  }
0x3f8: {  	(erf) = vpow2.f32 v0  }
0x3f9: {  	(erf) = vrcp.f32 v2;
	_ =	sdelay $0x1  }
0x3fa: {  	v0 =	vpop (erf)  }
0x3fb: {  	[tilespmem:s18+$0xFFFFFF80] =	vst v0  }
0x3fc: {  	v2 =	vld [tilespmem:s25+$0xFFFFFF10]  }
0x3fd: {  	v1 =	vld.idx.msk [tilespmem:v1+s2+$0x0], $0xffff  }
0x3fe: {  	v0 =	vld.idx.msk [tilespmem:v3+s2+$0x0], $0xffff  }
0x3ff: {  	v4 =	vld [tilespmem:s25+$0xFFFFFF90]  }
0x400: {  	v5 =	vld [tilespmem:s22+$0x10];
	v3 =	vpop (erf)  }
0x401: {  	v6 =	vpop (erf)  }
0x402: {  	[tilespmem:s17+$0x20] =	vst v6  }
0x403: {  	v0 =	vadd.f32 v0, v1;
	v6 =	vld [tilespmem:s11+$0x30]  }
0x404: {  	v3 =	vadd.f32 $1.000000000e+00, v3;
	v1 =	vld [tilespmem:s11+$0xB0]  }
0x405: {  	v0 =	vadd.f32 v5, v0  }
0x406: {  	(erf) = vrcp.f32 v3;
	v2 =	vld.idx.msk [tilespmem:v2+s2+$0x0], $0xffff  }
0x407: {  	v3 =	vld.idx.msk [tilespmem:v4+s2+$0x0], $0xffff;
	v0 =	vsub.f32 $0.0e+00, v0;
	_ =	sdelay $0x1  }
0x408: {  	v4 =	vld [tilespmem:s22+$0xFFFFFF90];
	v0 =	vmul.f32 $1.442695020e+00, v0;
	_ =	sdelay $0x1  }
0x409: {  	(erf) = vpow2.f32 v0;
	v5 =	vld.idx.msk [tilespmem:v6+s2+$0x0], $0xffff  }
0x40a: {  	v0 =	vld.idx.msk [tilespmem:v1+s2+$0x0], $0xffff;
	v1 =	vadd.f32 v3, v2;
	_ =	sdelay $0x1  }
0x40b: {  	v2 =	vld [tilespmem:s14+$0x30];
	v1 =	vadd.f32 v4, v1  }
0x40c: {  	v3 =	vpop (erf)  }
0x40d: {  	[tilespmem:s17+$0xFFFFFFA0] =	vst v3;
	v1 =	vsub.f32 $0.0e+00, v1  }
0x40e: {  	s20 =	simm.s32 $0x2C80;
	v3 =	vld [tilespmem:s11+$0xFFFFFF30];
	v0 =	vadd.f32 v0, v5  }
0x40f: {  	v5 =	vld [tilespmem:s20+$0x80];
	v1 =	vmul.f32 $1.442695020e+00, v1  }
0x410: {  	v0 =	vadd.f32 v2, v0;
	v2 =	vld [tilespmem:s20+$0x0]  }
0x411: {  	v4 =	vpop (erf);
	(erf) = vpow2.f32 v1  }
0x412: {  	v6 =	vld [tilespmem:s11+$0xFFFFFFB0];
	v4 =	vadd.f32 $1.000000000e+00, v4;
	v0 =	vsub.f32 $0.0e+00, v0;
	_ =	sdelay $0x1  }
0x413: {  	s21 =	simm.s32 $0x7900;
	(erf) = vrcp.f32 v4;
	v0 =	vmul.f32 $1.442695020e+00, v0  }
0x414: {  	v7 =	vld [tilespmem:s21+$0x0]  }
0x415: {  	v1 =	vld.idx.msk [tilespmem:v3+s2+$0x0], $0xffff;
	(erf) = vpow2.f32 v0  }
0x416: {  	v4 =	vld.idx.msk [tilespmem:v5+s2+$0x0], $0xffff  }
0x417: {  	v2 =	vld.idx.msk [tilespmem:v2+s2+$0x0], $0xffff  }
0x418: {  	v3 =	vld [tilespmem:s20+$0xFFFFFF00]  }
0x419: {  	v5 =	vld.idx.msk [tilespmem:v6+s2+$0x0], $0xffff;
	v6 =	vpop (erf)  }
0x41a: {  	v0 =	vld [tilespmem:s20+$0xFFFFFF80];
	v6 =	vadd.f32 $1.000000000e+00, v6;
	_ =	sdelay $0x1  }
0x41b: {  	v9 =	vpop (erf);
	v2 =	vadd.f32 v4, v2  }
0x41c: {  	v8 =	vld [tilespmem:s14+$0xFFFFFFB0];
	[tilespmem:s18+$0x10] =	vst v9;
	(erf) = vrcp.f32 v6  }
0x41d: {  	v4 =	vld [tilespmem:s25+$0x20];
	v6 =	vpop (erf);
	v2 =	vadd.f32 v7, v2  }
0x41e: {  	v9 =	vld [tilespmem:s25+$0xA0];
	v6 =	vadd.f32 $1.000000000e+00, v6  }
0x41f: {  	v1 =	vadd.f32 v5, v1;
	v2 =	vsub.f32 $0.0e+00, v2  }
0x420: {  	v3 =	vld.idx.msk [tilespmem:v3+s2+$0x0], $0xffff;
	(erf) = vrcp.f32 v6  }
0x421: {  	v1 =	vadd.f32 v8, v1;
	v0 =	vld.idx.msk [tilespmem:v0+s2+$0x0], $0xffff;
	v2 =	vmul.f32 $1.442695020e+00, v2;
	_ =	sdelay $0x1  }
0x422: {  	v5 =	vld [tilespmem:s21+$0xFFFFFF80];
	v1 =	vsub.f32 $0.0e+00, v1;
	_ =	sdelay $0x1  }
0x423: {  	v1 =	vmul.f32 $1.442695020e+00, v1;
	(erf) = vpow2.f32 v2;
	v4 =	vld.idx.msk [tilespmem:v4+s2+$0x0], $0xffff;
	v2 =	vpop (erf)  }
0x424: {  	v0 =	vadd.f32 v0, v3;
	[tilespmem:s18+$0xFFFFFF90] =	vst v2;
	v2 =	vld.idx.msk [tilespmem:v9+s2+$0x0], $0xffff  }
0x425: {  	(erf) = vpow2.f32 v1  }
0x426: {  	v0 =	vadd.f32 v5, v0;
	v5 =	vld [tilespmem:s22+$0x20]  }
0x427: {  	v1 =	vld [tilespmem:s25+$0xFFFFFF20];
	v3 =	vpop (erf)  }
0x428: {  	v0 =	vsub.f32 $0.0e+00, v0;
	v6 =	vld [tilespmem:s25+$0xFFFFFFA0];
	[tilespmem:s17+$0x30] =	vst v3  }
0x429: {  	v3 =	vld [tilespmem:s11+$0x40];
	v2 =	vadd.f32 v2, v4  }
0x42a: {  	v0 =	vmul.f32 $1.442695020e+00, v0;
	v7 =	vld [tilespmem:s11+$0xC0];
	_ =	sdelay $0x1  }
0x42b: {  	(erf) = vpow2.f32 v0;
	v0 =	vadd.f32 v5, v2  }
0x42c: {  	v2 =	vpop (erf)  }
0x42d: {  	v4 =	vld [tilespmem:s22+$0xFFFFFFA0];
	v0 =	vsub.f32 $0.0e+00, v0;
	v2 =	vadd.f32 $1.000000000e+00, v2;
	v5 =	vpop (erf)  }
0x42e: {  	v1 =	vld.idx.msk [tilespmem:v1+s2+$0x0], $0xffff;
	v5 =	vadd.f32 $1.000000000e+00, v5  }
0x42f: {  	v0 =	vmul.f32 $1.442695020e+00, v0;
	(erf) = vrcp.f32 v2;
	v2 =	vld.idx.msk [tilespmem:v6+s2+$0x0], $0xffff  }
0x430: {  	v3 =	vld.idx.msk [tilespmem:v3+s2+$0x0], $0xffff;
	(erf) = vrcp.f32 v5  }
0x431: {  	v5 =	vld.idx.msk [tilespmem:v7+s2+$0x0], $0xffff;
	(erf) = vpow2.f32 v0;
	_ =	sdelay $0x1  }
0x432: {  	v0 =	vld [tilespmem:s14+$0x40]  }
0x433: {  	v1 =	vadd.f32 v2, v1;
	v2 =	vpop (erf)  }
0x434: {  	v2 =	vadd.f32 $1.000000000e+00, v2  }
0x435: {  	v3 =	vadd.f32 v5, v3;
	v1 =	vadd.f32 v4, v1;
	_ =	sdelay $0x1  }
0x436: {  	s19 =	simm.s32 $0xA080;
	v0 =	vadd.f32 v0, v3;
	v4 =	vpop (erf);
	v1 =	vsub.f32 $0.0e+00, v1  }
0x437: {  	(erf) = vrcp.f32 v2;
	[tilespmem:s19+$0x0] =	vst v4;
	v2 =	vpop (erf)  }
0x438: {  	v0 =	vsub.f32 $0.0e+00, v0;
	v3 =	vld [tilespmem:s20+$0x10];
	v1 =	vmul.f32 $1.442695020e+00, v1;
	v4 =	vpop (erf)  }
0x439: {  	v5 =	vld [tilespmem:s20+$0x90];
	v4 =	vadd.f32 $1.000000000e+00, v4  }
0x43a: {  	v0 =	vmul.f32 $1.442695020e+00, v0;
	(erf) = vpow2.f32 v1  }
0x43b: {  	(erf) = vrcp.f32 v4  }
0x43c: {  	(erf) = vpow2.f32 v0  }
0x43d: {  	[tilespmem:s17+$0xFFFFFFB0] =	vst v2  }
0x43e: {  	v1 =	vld [tilespmem:s11+$0xFFFFFFC0]  }
0x43f: {  	v0 =	vld [tilespmem:s11+$0xFFFFFF40]  }
0x440: {  	v2 =	vpop (erf);
	v3 =	vld.idx.msk [tilespmem:v3+s2+$0x0], $0xffff  }
0x441: {  	[tilespmem:s19+$0xFFFFFF80] =	vst v2;
	v2 =	vld.idx.msk [tilespmem:v5+s2+$0x0], $0xffff  }
0x442: {  	v4 =	vld [tilespmem:s20+$0xFFFFFF10]  }
0x443: {  	v5 =	vld [tilespmem:s20+$0xFFFFFF90];
	v6 =	vpop (erf)  }
0x444: {  	v7 =	vld [tilespmem:s21+$0x10];
	v8 =	vpop (erf)  }
0x445: {  	v6 =	vadd.f32 $1.000000000e+00, v6;
	[tilespmem:s18+$0x20] =	vst v8;
	v8 =	vpop (erf)  }
0x446: {  	v9 =	vld [tilespmem:s25+$0x30];
	v8 =	vadd.f32 $1.000000000e+00, v8  }
0x447: {  	v2 =	vadd.f32 v2, v3;
	(erf) = vrcp.f32 v6;
	v3 =	vld [tilespmem:s25+$0xB0]  }
0x448: {  	v1 =	vld.idx.msk [tilespmem:v1+s2+$0x0], $0xffff;
	(erf) = vrcp.f32 v8  }
0x449: {  	v0 =	vld.idx.msk [tilespmem:v0+s2+$0x0], $0xffff;
	v2 =	vadd.f32 v7, v2  }
0x44a: {  	v4 =	vld.idx.msk [tilespmem:v4+s2+$0x0], $0xffff  }
0x44b: {  	v5 =	vld.idx.msk [tilespmem:v5+s2+$0x0], $0xffff;
	v2 =	vsub.f32 $0.0e+00, v2  }
0x44c: {  	v6 =	vld [tilespmem:s14+$0xFFFFFFC0]  }
0x44d: {  	v7 =	vld [tilespmem:s21+$0xFFFFFF90];
	v2 =	vmul.f32 $1.442695020e+00, v2  }
0x44e: {  	v8 =	vld.idx.msk [tilespmem:v9+s2+$0x0], $0xffff  }
0x44f: {  	v0 =	vadd.f32 v1, v0;
	(erf) = vpow2.f32 v2;
	v2 =	vld.idx.msk [tilespmem:v3+s2+$0x0], $0xffff  }
0x450: {  	v3 =	vadd.f32 v5, v4;
	v1 =	vpop (erf)  }
0x451: {  	v0 =	vadd.f32 v6, v0;
	v4 =	vld [tilespmem:s22+$0x30];
	[tilespmem:s18+$0xFFFFFFA0] =	vst v1;
	v1 =	vpop (erf)  }
0x452: {  	[tilespmem:s17+$0x40] =	vst v1;
	v1 =	vadd.f32 v7, v3  }
0x453: {  	v0 =	vsub.f32 $0.0e+00, v0  }
0x454: {  	v3 =	vld [tilespmem:s11+$0x50];
	v2 =	vadd.f32 v2, v8;
	v1 =	vsub.f32 $0.0e+00, v1  }
0x455: {  	v0 =	vmul.f32 $1.442695020e+00, v0;
	v6 =	vld [tilespmem:s11+$0xD0]  }
0x456: {  	v5 =	vld [tilespmem:s25+$0xFFFFFF30];
	v2 =	vadd.f32 v4, v2;
	v1 =	vmul.f32 $1.442695020e+00, v1  }
0x457: {  	s23 =	simm.s32 $0x2E80;
	(erf) = vpow2.f32 v0  }
0x458: {  	v0 =	vld [tilespmem:s23+$0x0];
	v7 =	vpop (erf);
	(erf) = vpow2.f32 v1;
	v1 =	vsub.f32 $0.0e+00, v2  }
0x459: {  	v8 =	vld [tilespmem:s23+$0xFFFFFF00];
	v7 =	vadd.f32 $1.000000000e+00, v7  }
0x45a: {  	v2 =	vld [tilespmem:s23+$0x80];
	v1 =	vmul.f32 $1.442695020e+00, v1  }
0x45b: {  	v4 =	vld [tilespmem:s25+$0xFFFFFFB0];
	(erf) = vrcp.f32 v7  }
0x45c: {  	v3 =	vld.idx.msk [tilespmem:v3+s2+$0x0], $0xffff;
	(erf) = vpow2.f32 v1  }
0x45d: {  	v6 =	vld.idx.msk [tilespmem:v6+s2+$0x0], $0xffff  }
0x45e: {  	v5 =	vld.idx.msk [tilespmem:v5+s2+$0x0], $0xffff  }
0x45f: {  	v7 =	vld [tilespmem:s14+$0x50]  }
0x460: {  	v0 =	vld.idx.msk [tilespmem:v0+s2+$0x0], $0xffff  }
0x461: {  	v9 =	vpop (erf);
	v1 =	vld [tilespmem:s23+$0xFFFFFF80]  }
0x462: {  	v9 =	vadd.f32 $1.000000000e+00, v9;
	v3 =	vadd.f32 v6, v3;
	v2 =	vld.idx.msk [tilespmem:v2+s2+$0x0], $0xffff;
	v10 =	vpop (erf)  }
0x463: {  	s24 =	simm.s32 $0x7A00;
	v4 =	vld.idx.msk [tilespmem:v4+s2+$0x0], $0xffff;
	v6 =	vadd.f32 $1.000000000e+00, v10  }
0x464: {  	(erf) = vrcp.f32 v9;
	v10 =	vpop (erf);
	v3 =	vadd.f32 v7, v3;
	v7 =	vld [tilespmem:s24+$0x0]  }
0x465: {  	v9 =	vld [tilespmem:s22+$0xFFFFFFB0];
	[tilespmem:s19+$0x10] =	vst v10;
	(erf) = vrcp.f32 v6;
	v10 =	vpop (erf)  }
0x466: {  	v6 =	vld [tilespmem:s20+$0x20];
	v3 =	vsub.f32 $0.0e+00, v3;
	v10 =	vadd.f32 $1.000000000e+00, v10  }
0x467: {  	v11 =	vld [tilespmem:s20+$0xA0];
	v0 =	vadd.f32 v2, v0  }
0x468: {  	v2 =	vmul.f32 $1.442695020e+00, v3;
	v3 =	vadd.f32 v4, v5;
	(erf) = vrcp.f32 v10  }
0x469: {  	v0 =	vadd.f32 v7, v0  }
0x46a: {  	(erf) = vpow2.f32 v2;
	v2 =	vadd.f32 v9, v3  }
0x46b: {  	v1 =	vld.idx.msk [tilespmem:v1+s2+$0x0], $0xffff;
	v0 =	vsub.f32 $0.0e+00, v0  }
0x46c: {  	v3 =	vld.idx.msk [tilespmem:v8+s2+$0x0], $0xffff;
	v2 =	vsub.f32 $0.0e+00, v2  }
0x46d: {  	v4 =	vld [tilespmem:s24+$0xFFFFFF80];
	v5 =	vpop (erf);
	v0 =	vmul.f32 $1.442695020e+00, v0  }
0x46e: {  	v6 =	vld.idx.msk [tilespmem:v6+s2+$0x0], $0xffff;
	v7 =	vpop (erf);
	v2 =	vmul.f32 $1.442695020e+00, v2  }
0x46f: {  	(erf) = vpow2.f32 v0;
	v0 =	vld.idx.msk [tilespmem:v11+s2+$0x0], $0xffff;
	[tilespmem:s19+$0xFFFFFF90] =	vst v7  }
0x470: {  	v7 =	vld [tilespmem:s20+$0xFFFFFF20];
	(erf) = vpow2.f32 v2  }
0x471: {  	v1 =	vadd.f32 v1, v3;
	v2 =	vld [tilespmem:s20+$0xFFFFFFA0];
	v3 =	vpop (erf)  }
0x472: {  	v8 =	vld [tilespmem:s21+$0x20];
	[tilespmem:s18+$0x30] =	vst v3  }
0x473: {  	v1 =	vadd.f32 v4, v1;
	v4 =	vld [tilespmem:s25+$0x40]  }
0x474: {  	[tilespmem:s17+$0xFFFFFFC0] =	vst v5;
	v9 =	vpop (erf);
	v5 =	vld [tilespmem:s25+$0xC0]  }
0x475: {  	v1 =	vsub.f32 $0.0e+00, v1;
	v3 =	vadd.f32 $1.000000000e+00, v9  }
0x476: {  	v0 =	vadd.f32 v0, v6;
	v6 =	vld [tilespmem:s11+$0xFFFFFF50]  }
0x477: {  	v1 =	vmul.f32 $1.442695020e+00, v1;
	(erf) = vrcp.f32 v3;
	v3 =	vld [tilespmem:s11+$0xFFFFFFD0]  }
0x478: {  	v0 =	vadd.f32 v8, v0;
	v8 =	vpop (erf);
	v7 =	vld.idx.msk [tilespmem:v7+s2+$0x0], $0xffff  }
0x479: {  	(erf) = vpow2.f32 v1;
	v8 =	vadd.f32 $1.000000000e+00, v8;
	v1 =	vld.idx.msk [tilespmem:v2+s2+$0x0], $0xffff;
	v9 =	vpop (erf)  }
0x47a: {  	v0 =	vsub.f32 $0.0e+00, v0;
	v2 =	vadd.f32 $1.000000000e+00, v9;
	v9 =	vld [tilespmem:s21+$0xFFFFFFA0]  }
0x47b: {  	(erf) = vrcp.f32 v8;
	v4 =	vld.idx.msk [tilespmem:v4+s2+$0x0], $0xffff  }
0x47c: {  	v0 =	vmul.f32 $1.442695020e+00, v0;
	(erf) = vrcp.f32 v2;
	v2 =	vld.idx.msk [tilespmem:v5+s2+$0x0], $0xffff;
	_ =	sdelay $0x1  }
0x47d: {  	(erf) = vpow2.f32 v0;
	v0 =	vld.idx.msk [tilespmem:v6+s2+$0x0], $0xffff;
	v1 =	vadd.f32 v1, v7  }
0x47e: {  	v3 =	vld.idx.msk [tilespmem:v3+s2+$0x0], $0xffff  }
0x47f: {  	v6 =	vld [tilespmem:s22+$0x40];
	v5 =	vpop (erf);
	v1 =	vadd.f32 v9, v1  }
0x480: {  	[tilespmem:s17+$0x50] =	vst v5;
	v2 =	vadd.f32 v2, v4;
	v4 =	vld [tilespmem:s14+$0xFFFFFFD0]  }
0x481: {  	v8 =	vpop (erf);
	v5 =	vld [tilespmem:s11+$0x60];
	v1 =	vsub.f32 $0.0e+00, v1  }
0x482: {  	v7 =	vld [tilespmem:s11+$0xE0];
	v8 =	vadd.f32 $1.000000000e+00, v8  }
0x483: {  	v1 =	vmul.f32 $1.442695020e+00, v1;
	v0 =	vadd.f32 v3, v0  }
0x484: {  	s26 =	simm.s32 $0xA180;
	v9 =	vpop (erf);
	v2 =	vadd.f32 v6, v2;
	(erf) = vrcp.f32 v8  }
0x485: {  	[tilespmem:s26+$0x0] =	vst v9;
	v6 =	vpop (erf);
	(erf) = vpow2.f32 v1;
	v0 =	vadd.f32 v4, v0  }
0x486: {  	v2 =	vsub.f32 $0.0e+00, v2;
	v1 =	vld [tilespmem:s23+$0x90];
	v3 =	vpop (erf)  }
0x487: {  	v8 =	vld [tilespmem:s23+$0x10];
	v3 =	vadd.f32 $1.000000000e+00, v3;
	v0 =	vsub.f32 $0.0e+00, v0  }
0x488: {  	v2 =	vmul.f32 $1.442695020e+00, v2  }
0x489: {  	v4 =	vld.idx.msk [tilespmem:v5+s2+$0x0], $0xffff;
	(erf) = vrcp.f32 v3;
	v0 =	vmul.f32 $1.442695020e+00, v0  }
0x48a: {  	[tilespmem:s18+$0xFFFFFFB0] =	vst v6;
	v3 =	vld.idx.msk [tilespmem:v7+s2+$0x0], $0xffff;
	(erf) = vpow2.f32 v2  }
0x48b: {  	v6 =	vld [tilespmem:s25+$0xFFFFFFC0]  }
0x48c: {  	v2 =	vld [tilespmem:s14+$0x60]  }
0x48d: {  	v5 =	vld [tilespmem:s25+$0xFFFFFF40];
	(erf) = vpow2.f32 v0;
	v0 =	vpop (erf)  }
0x48e: {  	[tilespmem:s26+$0xFFFFFF80] =	vst v0;
	v0 =	vld.idx.msk [tilespmem:v1+s2+$0x0], $0xffff;
	v1 =	vpop (erf)  }
0x48f: {  	v7 =	vld.idx.msk [tilespmem:v8+s2+$0x0], $0xffff;
	v3 =	vadd.f32 v3, v4;
	v1 =	vadd.f32 $1.000000000e+00, v1  }
0x490: {  	v4 =	vld [tilespmem:s23+$0xFFFFFF10]  }
0x491: {  	v2 =	vadd.f32 v2, v3;
	v3 =	vld [tilespmem:s23+$0xFFFFFF90]  }
0x492: {  	v9 =	vld [tilespmem:s24+$0x10];
	v8 =	vpop (erf)  }
0x493: {  	(erf) = vrcp.f32 v1;
	v2 =	vsub.f32 $0.0e+00, v2;
	v1 =	vpop (erf)  }
0x494: {  	v6 =	vld.idx.msk [tilespmem:v6+s2+$0x0], $0xffff;
	[tilespmem:s19+$0x20] =	vst v8;
	v1 =	vadd.f32 $1.000000000e+00, v1  }
0x495: {  	v8 =	vld [tilespmem:s20+$0x30];
	v2 =	vmul.f32 $1.442695020e+00, v2;
	v0 =	vadd.f32 v0, v7  }
0x496: {  	(erf) = vrcp.f32 v1;
	v1 =	vld [tilespmem:s20+$0xB0]  }
0x497: {  	v0 =	vadd.f32 v9, v0;
	(erf) = vpow2.f32 v2;
	v2 =	vld.idx.msk [tilespmem:v5+s2+$0x0], $0xffff  }
0x498: {  	v7 =	vpop (erf);
	v4 =	vld.idx.msk [tilespmem:v4+s2+$0x0], $0xffff  }
0x499: {  	v5 =	vadd.f32 $1.000000000e+00, v7;
	v0 =	vsub.f32 $0.0e+00, v0;
	v3 =	vld.idx.msk [tilespmem:v3+s2+$0x0], $0xffff  }
0x49a: {  	v10 =	vld [tilespmem:s22+$0xFFFFFFC0]  }
0x49b: {  	(erf) = vrcp.f32 v5;
	v5 =	vld [tilespmem:s24+$0xFFFFFF90];
	v0 =	vmul.f32 $1.442695020e+00, v0;
	_ =	sdelay $0x1  }
0x49c: {  	v7 =	vpop (erf);
	v8 =	vld.idx.msk [tilespmem:v8+s2+$0x0], $0xffff;
	(erf) = vpow2.f32 v0  }
0x49d: {  	[tilespmem:s19+$0xFFFFFFA0] =	vst v7;
	v2 =	vadd.f32 v6, v2;
	v3 =	vadd.f32 v3, v4;
	v1 =	vld.idx.msk [tilespmem:v1+s2+$0x0], $0xffff  }
0x49e: {  	v0 =	vld [tilespmem:s20+$0xFFFFFF30]  }
0x49f: {  	v4 =	vld [tilespmem:s21+$0x30];
	v2 =	vadd.f32 v10, v2;
	v3 =	vadd.f32 v5, v3;
	v6 =	vpop (erf)  }
0x4a0: {  	v9 =	vld [tilespmem:s20+$0xFFFFFFB0];
	[tilespmem:s18+$0x40] =	vst v6  }
0x4a1: {  	v6 =	vpop (erf);
	v2 =	vsub.f32 $0.0e+00, v2;
	v3 =	vsub.f32 $0.0e+00, v3;
	v7 =	vld [tilespmem:s25+$0x50]  }
0x4a2: {  	v6 =	vadd.f32 $1.000000000e+00, v6;
	v5 =	vld [tilespmem:s25+$0xD0];
	v1 =	vadd.f32 v1, v8  }
0x4a3: {  	v11 =	vld [tilespmem:s22+$0x50];
	v2 =	vmul.f32 $1.442695020e+00, v2  }
0x4a4: {  	s28 =	simm.s32 $0x3080;
	v10 =	vpop (erf);
	v3 =	vmul.f32 $1.442695020e+00, v3;
	(erf) = vrcp.f32 v6;
	v6 =	vld [tilespmem:s21+$0xFFFFFFB0];
	v1 =	vadd.f32 v4, v1  }
0x4a5: {  	(erf) = vpow2.f32 v2;
	v2 =	vld [tilespmem:s28+$0x0];
	v4 =	vpop (erf)  }
0x4a6: {  	(erf) = vpow2.f32 v3;
	v3 =	vld [tilespmem:s28+$0x80];
	v4 =	vadd.f32 $1.000000000e+00, v4;
	v1 =	vsub.f32 $0.0e+00, v1  }
0x4a7: {  	v0 =	vld.idx.msk [tilespmem:v0+s2+$0x0], $0xffff  }
0x4a8: {  	v9 =	vld.idx.msk [tilespmem:v9+s2+$0x0], $0xffff;
	(erf) = vrcp.f32 v4;
	v1 =	vmul.f32 $1.442695020e+00, v1  }
0x4a9: {  	v7 =	vld.idx.msk [tilespmem:v7+s2+$0x0], $0xffff  }
0x4aa: {  	v4 =	vld.idx.msk [tilespmem:v5+s2+$0x0], $0xffff;
	(erf) = vpow2.f32 v1  }
0x4ab: {  	v5 =	vld [tilespmem:s28+$0xFFFFFF80]  }
0x4ac: {  	v1 =	vld [tilespmem:s28+$0xFFFFFF00]  }
0x4ad: {  	[tilespmem:s17+$0xFFFFFFD0] =	vst v10;
	v10 =	vpop (erf);
	v2 =	vld.idx.msk [tilespmem:v2+s2+$0x0], $0xffff  }
0x4ae: {  	[tilespmem:s17+$0x60] =	vst v10;
	v3 =	vld.idx.msk [tilespmem:v3+s2+$0x0], $0xffff  }
0x4af: {  	v13 =	vpop (erf);
	v10 =	vld [tilespmem:s11+$0x70];
	v4 =	vadd.f32 v4, v7  }
0x4b0: {  	s29 =	simm.s32 $0x7B00;
	v12 =	vld [tilespmem:s11+$0xF0];
	v14 =	vpop (erf);
	v13 =	vadd.f32 $1.000000000e+00, v13  }
0x4b1: {  	v7 =	vadd.f32 $1.000000000e+00, v14;
	v4 =	vadd.f32 v11, v4;
	v11 =	vld [tilespmem:s29+$0x0];
	v33 =	vpop (erf)  }
0x4b2: {  	v8 =	vld [tilespmem:s11+$0xFFFFFF60];
	(erf) = vrcp.f32 v13;
	[tilespmem:s26+$0x10] =	vst v33  }
0x4b3: {  	v0 =	vadd.f32 v9, v0;
	(erf) = vrcp.f32 v7;
	v4 =	vsub.f32 $0.0e+00, v4;
	v7 =	vld [tilespmem:s23+$0x20];
	v35 =	vpop (erf)  }
0x4b4: {  	v2 =	vadd.f32 v3, v2;
	v15 =	vld [tilespmem:s23+$0xA0];
	v14 =	vadd.f32 $1.000000000e+00, v35  }
0x4b5: {  	v0 =	vadd.f32 v6, v0;
	v6 =	vld [tilespmem:s29+$0xFFFFFF80];
	v3 =	vmul.f32 $1.442695020e+00, v4  }
0x4b6: {  	v1 =	vld.idx.msk [tilespmem:v1+s2+$0x0], $0xffff;
	v2 =	vadd.f32 v11, v2;
	(erf) = vrcp.f32 v14  }
0x4b7: {  	v4 =	vld.idx.msk [tilespmem:v10+s2+$0x0], $0xffff;
	(erf) = vpow2.f32 v3  }
0x4b8: {  	v9 =	vld.idx.msk [tilespmem:v12+s2+$0x0], $0xffff;
	v2 =	vsub.f32 $0.0e+00, v2  }
0x4b9: {  	v3 =	vld.idx.msk [tilespmem:v5+s2+$0x0], $0xffff  }
0x4ba: {  	v0 =	vsub.f32 $0.0e+00, v0;
	v5 =	vld [tilespmem:s14+$0x70];
	v2 =	vmul.f32 $1.442695020e+00, v2  }
0x4bb: {  	v10 =	vpop (erf);
	v7 =	vld.idx.msk [tilespmem:v7+s2+$0x0], $0xffff  }
0x4bc: {  	v0 =	vmul.f32 $1.442695020e+00, v0;
	v11 =	vpop (erf);
	[tilespmem:s18+$0xFFFFFFC0] =	vst v10;
	(erf) = vpow2.f32 v2;
	v2 =	vld.idx.msk [tilespmem:v15+s2+$0x0], $0xffff  }
0x4bd: {  	[tilespmem:s26+$0xFFFFFF90] =	vst v11;
	v10 =	vld [tilespmem:s25+$0xFFFFFF50]  }
0x4be: {  	v11 =	vld [tilespmem:s23+$0xFFFFFF20];
	(erf) = vpow2.f32 v0;
	v0 =	vadd.f32 v9, v4  }
0x4bf: {  	v4 =	vld [tilespmem:s23+$0xFFFFFFA0];
	v1 =	vadd.f32 v3, v1;
	v3 =	vpop (erf)  }
0x4c0: {  	v9 =	vld [tilespmem:s24+$0x20];
	v0 =	vadd.f32 v5, v0;
	v5 =	vpop (erf);
	[tilespmem:s19+$0x30] =	vst v3  }
0x4c1: {  	v1 =	vadd.f32 v6, v1;
	v3 =	vadd.f32 $1.000000000e+00, v5;
	v5 =	vld [tilespmem:s20+$0x40]  }
0x4c2: {  	v0 =	vsub.f32 $0.0e+00, v0;
	v6 =	vld [tilespmem:s20+$0xC0]  }
0x4c3: {  	v2 =	vadd.f32 v2, v7;
	v7 =	vld.idx.msk [tilespmem:v8+s2+$0x0], $0xffff;
	v1 =	vsub.f32 $0.0e+00, v1  }
0x4c4: {  	v8 =	vld [tilespmem:s25+$0xFFFFFFD0];
	v0 =	vmul.f32 $1.442695020e+00, v0;
	(erf) = vrcp.f32 v3  }
0x4c5: {  	v34 =	vld [tilespmem:s11+$0xFFFFFFE0];
	v1 =	vmul.f32 $1.442695020e+00, v1  }
0x4c6: {  	v2 =	vadd.f32 v9, v2;
	v9 =	vpop (erf);
	(erf) = vpow2.f32 v0;
	v0 =	vld.idx.msk [tilespmem:v11+s2+$0x0], $0xffff  }
0x4c7: {  	v9 =	vadd.f32 $1.000000000e+00, v9;
	v11 =	vpop (erf);
	(erf) = vpow2.f32 v1;
	v1 =	vld.idx.msk [tilespmem:v4+s2+$0x0], $0xffff  }
0x4c8: {  	v3 =	vld [tilespmem:s24+$0xFFFFFFA0];
	v2 =	vsub.f32 $0.0e+00, v2;
	v4 =	vadd.f32 $1.000000000e+00, v11  }
0x4c9: {  	(erf) = vrcp.f32 v9;
	v5 =	vld.idx.msk [tilespmem:v5+s2+$0x0], $0xffff  }
0x4ca: {  	v2 =	vmul.f32 $1.442695020e+00, v2;
	(erf) = vrcp.f32 v4;
	v4 =	vld.idx.msk [tilespmem:v6+s2+$0x0], $0xffff  }
0x4cb: {  	v10 =	vld.idx.msk [tilespmem:v10+s2+$0x0], $0xffff  }
0x4cc: {  	v8 =	vld.idx.msk [tilespmem:v8+s2+$0x0], $0xffff;
	(erf) = vpow2.f32 v2;
	v0 =	vadd.f32 v1, v0  }
0x4cd: {  	v1 =	vld [tilespmem:s21+$0x40];
	v6 =	vpop (erf)  }
0x4ce: {  	v2 =	vld [tilespmem:s22+$0xFFFFFFD0];
	v0 =	vadd.f32 v3, v0;
	[tilespmem:s18+$0x50] =	vst v6  }
0x4cf: {  	v3 =	vpop (erf);
	v6 =	vld [tilespmem:s25+$0x60];
	v4 =	vadd.f32 v4, v5  }
0x4d0: {  	v5 =	vld.idx.msk [tilespmem:v34+s2+$0x0], $0xffff;
	v3 =	vadd.f32 $1.000000000e+00, v3;
	v11 =	vpop (erf);
	v0 =	vsub.f32 $0.0e+00, v0  }
0x4d1: {  	v9 =	vld [tilespmem:s25+$0xE0];
	v11 =	vadd.f32 $1.000000000e+00, v11  }
0x4d2: {  	v1 =	vadd.f32 v1, v4;
	(erf) = vrcp.f32 v3;
	v3 =	vld [tilespmem:s14+$0xFFFFFFE0];
	v0 =	vmul.f32 $1.442695020e+00, v0  }
0x4d3: {  	s30 =	simm.s32 $0xA280;
	v36 =	vpop (erf);
	v4 =	vadd.f32 v8, v10;
	(erf) = vrcp.f32 v11  }
0x4d4: {  	v8 =	vpop (erf);
	[tilespmem:s30+$0x0] =	vst v36;
	v1 =	vsub.f32 $0.0e+00, v1;
	(erf) = vpow2.f32 v0  }
0x4d5: {  	v10 =	vpop (erf);
	v2 =	vadd.f32 v2, v4;
	v0 =	vadd.f32 v5, v7;
	v5 =	vld [tilespmem:s28+$0x90]  }
0x4d6: {  	v11 =	vld [tilespmem:s28+$0x10];
	v4 =	vadd.f32 $1.000000000e+00, v10  }
0x4d7: {  	v1 =	vmul.f32 $1.442695020e+00, v1;
	v2 =	vsub.f32 $0.0e+00, v2;
	v0 =	vadd.f32 v3, v0  }
0x4d8: {  	(erf) = vrcp.f32 v4;
	v6 =	vld.idx.msk [tilespmem:v6+s2+$0x0], $0xffff  }
0x4d9: {  	[tilespmem:s19+$0xFFFFFFB0] =	vst v8;
	v3 =	vld.idx.msk [tilespmem:v9+s2+$0x0], $0xffff;
	(erf) = vpow2.f32 v1;
	v1 =	vmul.f32 $1.442695020e+00, v2;
	v2 =	vsub.f32 $0.0e+00, v0  }
0x4da: {  	v7 =	vld [tilespmem:s20+$0xFFFFFF40]  }
0x4db: {  	v4 =	vld [tilespmem:s22+$0x60];
	v0 =	vpop (erf);
	v2 =	vmul.f32 $1.442695020e+00, v2  }
0x4dc: {  	(erf) = vpow2.f32 v1;
	v1 =	vld [tilespmem:s20+$0xFFFFFFC0];
	v8 =	vpop (erf)  }
0x4dd: {  	(erf) = vpow2.f32 v2;
	v2 =	vld.idx.msk [tilespmem:v5+s2+$0x0], $0xffff;
	v5 =	vpop (erf)  }
0x4de: {  	v9 =	vld.idx.msk [tilespmem:v11+s2+$0x0], $0xffff;
	v3 =	vadd.f32 v3, v6;
	[tilespmem:s30+$0xFFFFFF80] =	vst v8;
	v5 =	vadd.f32 $1.000000000e+00, v5  }
0x4df: {  	v6 =	vld [tilespmem:s28+$0xFFFFFF10]  }
0x4e0: {  	v10 =	vld [tilespmem:s28+$0xFFFFFF90];
	v3 =	vadd.f32 v4, v3  }
0x4e1: {  	v4 =	vld [tilespmem:s29+$0x10];
	v8 =	vpop (erf)  }
0x4e2: {  	[tilespmem:s26+$0x20] =	vst v8;
	(erf) = vrcp.f32 v5;
	v3 =	vsub.f32 $0.0e+00, v3;
	v5 =	vpop (erf)  }
0x4e3: {  	v8 =	vld [tilespmem:s23+$0x30];
	v5 =	vadd.f32 $1.000000000e+00, v5  }
0x4e4: {  	v2 =	vadd.f32 v2, v9;
	v9 =	vld [tilespmem:s23+$0xB0];
	v3 =	vmul.f32 $1.442695020e+00, v3  }
0x4e5: {  	v1 =	vld.idx.msk [tilespmem:v1+s2+$0x0], $0xffff;
	(erf) = vrcp.f32 v5  }
0x4e6: {  	v2 =	vadd.f32 v4, v2;
	(erf) = vpow2.f32 v3;
	v3 =	vld.idx.msk [tilespmem:v7+s2+$0x0], $0xffff  }
0x4e7: {  	v37 =	vpop (erf);
	v6 =	vld.idx.msk [tilespmem:v6+s2+$0x0], $0xffff  }
0x4e8: {  	v12 =	vadd.f32 $1.000000000e+00, v37;
	v4 =	vpop (erf);
	v2 =	vsub.f32 $0.0e+00, v2;
	v7 =	vld.idx.msk [tilespmem:v10+s2+$0x0], $0xffff  }
0x4e9: {  	v11 =	vld [tilespmem:s21+$0xFFFFFFC0];
	v4 =	vadd.f32 $1.000000000e+00, v4  }
0x4ea: {  	s12 =	simm.s32 $0x7C00;
	v5 =	vld [tilespmem:s29+$0xFFFFFF90];
	(erf) = vrcp.f32 v12;
	v2 =	vmul.f32 $1.442695020e+00, v2  }
0x4eb: {  	v43 =	vld [tilespmem:s12+$0x0];
	(erf) = vrcp.f32 v4  }
0x4ec: {  	v4 =	vld.idx.msk [tilespmem:v8+s2+$0x0], $0xffff;
	v8 =	vpop (erf);
	(erf) = vpow2.f32 v2;
	v1 =	vadd.f32 v1, v3  }
0x4ed: {  	[tilespmem:s26+$0xFFFFFFA0] =	vst v8;
	v2 =	vld.idx.msk [tilespmem:v9+s2+$0x0], $0xffff;
	v6 =	vadd.f32 v7, v6  }
0x4ee: {  	v3 =	vld [tilespmem:s23+$0xFFFFFF30];
	v1 =	vadd.f32 v11, v1;
	v9 =	vpop (erf)  }
0x4ef: {  	v7 =	vld [tilespmem:s24+$0x30];
	v5 =	vadd.f32 v5, v6;
	[tilespmem:s19+$0x40] =	vst v9;
	v9 =	vpop (erf)  }
0x4f0: {  	v8 =	vld [tilespmem:s23+$0xFFFFFFB0];
	v1 =	vsub.f32 $0.0e+00, v1;
	v9 =	vadd.f32 $1.000000000e+00, v9  }
0x4f1: {  	v5 =	vsub.f32 $0.0e+00, v5;
	v10 =	vld [tilespmem:s20+$0x50]  }
0x4f2: {  	v2 =	vadd.f32 v2, v4;
	v11 =	vld [tilespmem:s20+$0xD0];
	v1 =	vmul.f32 $1.442695020e+00, v1  }
0x4f3: {  	s31 =	simm.s32 $0x3280;
	v6 =	vpop (erf);
	v40 =	vld [tilespmem:s21+$0x50];
	v5 =	vmul.f32 $1.442695020e+00, v5;
	(erf) = vrcp.f32 v9  }
0x4f4: {  	v2 =	vadd.f32 v7, v2;
	(erf) = vpow2.f32 v1;
	v1 =	vld [tilespmem:s31+$0x0];
	v9 =	vpop (erf)  }
0x4f5: {  	(erf) = vpow2.f32 v5;
	v5 =	vld [tilespmem:s31+$0x80];
	v7 =	vpop (erf)  }
0x4f6: {  	[tilespmem:s18+$0xFFFFFFD0] =	vst v6;
	v6 =	vld [tilespmem:s24+$0xFFFFFFB0];
	v2 =	vsub.f32 $0.0e+00, v2;
	v7 =	vadd.f32 $1.000000000e+00, v7  }
0x4f7: {  	v4 =	vld [tilespmem:s25+$0xFFFFFF60]  }
0x4f8: {  	v3 =	vld.idx.msk [tilespmem:v3+s2+$0x0], $0xffff;
	v2 =	vmul.f32 $1.442695020e+00, v2;
	(erf) = vrcp.f32 v7  }
0x4f9: {  	v7 =	vld.idx.msk [tilespmem:v10+s2+$0x0], $0xffff  }
0x4fa: {  	v10 =	vld.idx.msk [tilespmem:v11+s2+$0x0], $0xffff;
	(erf) = vpow2.f32 v2  }
0x4fb: {  	v8 =	vld.idx.msk [tilespmem:v8+s2+$0x0], $0xffff  }
0x4fc: {  	v39 =	vpop (erf);
	v1 =	vld.idx.msk [tilespmem:v1+s2+$0x0], $0xffff  }
0x4fd: {  	[tilespmem:s18+$0x60] =	vst v39;
	v5 =	vld.idx.msk [tilespmem:v5+s2+$0x0], $0xffff  }
0x4fe: {  	v41 =	vpop (erf);
	v13 =	vld [tilespmem:s25+$0x70]  }
0x4ff: {  	v16 =	vld [tilespmem:s25+$0xF0];
	v15 =	vadd.f32 $1.000000000e+00, v41;
	v17 =	vpop (erf);
	v7 =	vadd.f32 v10, v7  }
0x500: {  	v2 =	vld [tilespmem:s31+$0xFFFFFF00];
	v42 =	vadd.f32 $1.000000000e+00, v17  }
0x501: {  	v11 =	vld [tilespmem:s31+$0xFFFFFF80];
	(erf) = vrcp.f32 v15;
	v7 =	vadd.f32 v40, v7;
	v10 =	vpop (erf)  }
0x502: {  	v38 =	vld [tilespmem:s25+$0xFFFFFFE0];
	(erf) = vrcp.f32 v42;
	[tilespmem:s30+$0x10] =	vst v10  }
0x503: {  	v3 =	vadd.f32 v8, v3;
	v7 =	vsub.f32 $0.0e+00, v7;
	v44 =	vpop (erf);
	v10 =	vld [tilespmem:s28+$0x20]  }
0x504: {  	v1 =	vadd.f32 v5, v1;
	v45 =	vld [tilespmem:s28+$0xA0];
	v15 =	vadd.f32 $1.000000000e+00, v44  }
0x505: {  	v3 =	vadd.f32 v6, v3;
	v6 =	vld [tilespmem:s22+$0x70];
	v5 =	vmul.f32 $1.442695020e+00, v7  }
0x506: {  	v1 =	vadd.f32 v43, v1;
	v13 =	vld.idx.msk [tilespmem:v13+s2+$0x0], $0xffff;
	(erf) = vrcp.f32 v15  }
0x507: {  	v7 =	vld.idx.msk [tilespmem:v16+s2+$0x0], $0xffff;
	(erf) = vpow2.f32 v5  }
0x508: {  	v2 =	vld.idx.msk [tilespmem:v2+s2+$0x0], $0xffff;
	v1 =	vsub.f32 $0.0e+00, v1  }
0x509: {  	v3 =	vsub.f32 $0.0e+00, v3;
	v5 =	vld.idx.msk [tilespmem:v11+s2+$0x0], $0xffff  }
0x50a: {  	v8 =	vld [tilespmem:s12+$0xFFFFFF80];
	v1 =	vmul.f32 $1.442695020e+00, v1;
	v11 =	vpop (erf)  }
0x50b: {  	v3 =	vmul.f32 $1.442695020e+00, v3;
	v46 =	vpop (erf);
	v10 =	vld.idx.msk [tilespmem:v10+s2+$0x0], $0xffff  }
0x50c: {  	(erf) = vpow2.f32 v1;
	v7 =	vadd.f32 v7, v13;
	[tilespmem:s30+$0xFFFFFF90] =	vst v46;
	v1 =	vld.idx.msk [tilespmem:v45+s2+$0x0], $0xffff  }
0x50d: {  	v47 =	vld [tilespmem:s28+$0xFFFFFF20]  }
0x50e: {  	(erf) = vpow2.f32 v3;
	v2 =	vadd.f32 v5, v2;
	v5 =	vld [tilespmem:s28+$0xFFFFFFA0];
	v6 =	vadd.f32 v6, v7  }
0x50f: {  	v48 =	vld [tilespmem:s29+$0x20];
	[tilespmem:s19+$0xFFFFFFC0] =	vst v11;
	v3 =	vpop (erf)  }
0x510: {  	v11 =	vld [tilespmem:s20+$0xFFFFFF50];
	v2 =	vadd.f32 v8, v2;
	v6 =	vsub.f32 $0.0e+00, v6;
	v7 =	vpop (erf);
	[tilespmem:s26+$0x30] =	vst v3  }
0x511: {  	v3 =	vadd.f32 $1.000000000e+00, v7;
	v7 =	vld [tilespmem:s23+$0x40]  }
0x512: {  	v2 =	vsub.f32 $0.0e+00, v2;
	v8 =	vld [tilespmem:s23+$0xC0];
	v6 =	vmul.f32 $1.442695020e+00, v6  }
0x513: {  	v1 =	vadd.f32 v1, v10;
	v10 =	vld [tilespmem:s20+$0xFFFFFFD0];
	(erf) = vrcp.f32 v3  }
0x514: {  	v4 =	vld.idx.msk [tilespmem:v4+s2+$0x0], $0xffff;
	v2 =	vmul.f32 $1.442695020e+00, v2;
	(erf) = vpow2.f32 v6  }
0x515: {  	v1 =	vadd.f32 v48, v1;
	v13 =	vld.idx.msk [tilespmem:v47+s2+$0x0], $0xffff  }
0x516: {  	v6 =	vpop (erf);
	(erf) = vpow2.f32 v2;
	v5 =	vld.idx.msk [tilespmem:v5+s2+$0x0], $0xffff  }
0x517: {  	v3 =	vld [tilespmem:s29+$0xFFFFFFA0];
	v1 =	vsub.f32 $0.0e+00, v1;
	v2 =	vadd.f32 $1.000000000e+00, v6;
	v6 =	vpop (erf)  }
0x518: {  	v11 =	vld.idx.msk [tilespmem:v11+s2+$0x0], $0xffff;
	v6 =	vadd.f32 $1.000000000e+00, v6  }
0x519: {  	v1 =	vmul.f32 $1.442695020e+00, v1;
	(erf) = vrcp.f32 v2;
	v2 =	vld.idx.msk [tilespmem:v7+s2+$0x0], $0xffff  }
0x51a: {  	v7 =	vld.idx.msk [tilespmem:v8+s2+$0x0], $0xffff;
	(erf) = vrcp.f32 v6  }
0x51b: {  	v8 =	vld.idx.msk [tilespmem:v10+s2+$0x0], $0xffff;
	(erf) = vpow2.f32 v1;
	v5 =	vadd.f32 v5, v13  }
0x51c: {  	v10 =	vld [tilespmem:s24+$0x40];
	v6 =	vpop (erf)  }
0x51d: {  	v1 =	vld.idx.msk [tilespmem:v38+s2+$0x0], $0xffff;
	v3 =	vadd.f32 v3, v5;
	[tilespmem:s19+$0x50] =	vst v6;
	v50 =	vpop (erf)  }
0x51e: {  	[tilespmem:s17+$0xFFFFFFE0] =	vst v9;
	v6 =	vld [tilespmem:s20+$0x60];
	v9 =	vadd.f32 $1.000000000e+00, v50  }
0x51f: {  	v5 =	vld [tilespmem:s20+$0xE0];
	v51 =	vpop (erf);
	v3 =	vsub.f32 $0.0e+00, v3  }
0x520: {  	v49 =	vld [tilespmem:s21+$0xFFFFFFD0];
	v2 =	vadd.f32 v7, v2;
	v12 =	vadd.f32 $1.000000000e+00, v51  }
0x521: {  	v7 =	vld [tilespmem:s22+$0xFFFFFFE0];
	(erf) = vrcp.f32 v9;
	v3 =	vmul.f32 $1.442695020e+00, v3  }
0x522: {  	s1 =	simm.s32 $0xA380;
	v2 =	vadd.f32 v10, v2;
	v9 =	vpop (erf);
	(erf) = vrcp.f32 v12  }
0x523: {  	v8 =	vadd.f32 v8, v11;
	[tilespmem:s1+$0x0] =	vst v9;
	v9 =	vpop (erf);
	(erf) = vpow2.f32 v3  }
0x524: {  	v52 =	vld [tilespmem:s11+$0xFFFFFF70];
	v1 =	vadd.f32 v1, v4;
	v2 =	vsub.f32 $0.0e+00, v2;
	v54 =	vpop (erf)  }
0x525: {  	v8 =	vadd.f32 v49, v8;
	v53 =	vld [tilespmem:s31+$0x10];
	v15 =	vadd.f32 $1.000000000e+00, v54  }
0x526: {  	v1 =	vadd.f32 v7, v1;
	v2 =	vmul.f32 $1.442695020e+00, v2;
	v3 =	vld.idx.msk [tilespmem:v6+s2+$0x0], $0xffff  }
0x527: {  	v4 =	vsub.f32 $0.0e+00, v8;
	v5 =	vld.idx.msk [tilespmem:v5+s2+$0x0], $0xffff;
	(erf) = vrcp.f32 v15  }
0x528: {  	v55 =	vld [tilespmem:s31+$0x90];
	v1 =	vsub.f32 $0.0e+00, v1;
	(erf) = vpow2.f32 v2  }
0x529: {  	v10 =	vld [tilespmem:s11+$0xFFFFFFF0];
	v2 =	vmul.f32 $1.442695020e+00, v4  }
0x52a: {  	v11 =	vld [tilespmem:s14+$0xFFFFFFF0];
	v1 =	vmul.f32 $1.442695020e+00, v1;
	v8 =	vpop (erf)  }
0x52b: {  	v7 =	vld [tilespmem:s21+$0x60];
	[tilespmem:s26+$0xFFFFFFB0] =	vst v9;
	(erf) = vpow2.f32 v2;
	v9 =	vpop (erf)  }
0x52c: {  	v6 =	vld [tilespmem:s23+$0xFFFFFF40];
	(erf) = vpow2.f32 v1;
	v1 =	vadd.f32 v5, v3;
	v5 =	vpop (erf)  }
0x52d: {  	v4 =	vld [tilespmem:s23+$0xFFFFFFC0];
	v5 =	vadd.f32 $1.000000000e+00, v5  }
0x52e: {  	v12 =	vld.idx.msk [tilespmem:v53+s2+$0x0], $0xffff;
	[tilespmem:s1+$0xFFFFFF80] =	vst v9  }
0x52f: {  	v3 =	vld [tilespmem:s31+$0xFFFFFF10]  }
0x530: {  	v9 =	vld.idx.msk [tilespmem:v55+s2+$0x0], $0xffff;
	v15 =	vpop (erf)  }
0x531: {  	v10 =	vld.idx.msk [tilespmem:v10+s2+$0x0], $0xffff;
	v1 =	vadd.f32 v7, v1;
	(erf) = vrcp.f32 v5;
	v5 =	vpop (erf)  }
0x532: {  	v7 =	vld [tilespmem:s12+$0x10];
	v5 =	vadd.f32 $1.000000000e+00, v5  }
0x533: {  	v56 =	vld [tilespmem:s31+$0xFFFFFF90];
	v1 =	vsub.f32 $0.0e+00, v1  }
0x534: {  	v6 =	vld.idx.msk [tilespmem:v6+s2+$0x0], $0xffff;
	[tilespmem:s30+$0x20] =	vst v15  }
0x535: {  	v9 =	vadd.f32 v9, v12;
	v1 =	vmul.f32 $1.442695020e+00, v1;
	v15 =	vld [tilespmem:s28+$0x30]  }
0x536: {  	v58 =	vld [tilespmem:s28+$0xB0];
	(erf) = vrcp.f32 v5;
	v5 =	vpop (erf)  }
0x537: {  	v7 =	vadd.f32 v7, v9;
	(erf) = vpow2.f32 v1;
	v1 =	vld.idx.msk [tilespmem:v3+s2+$0x0], $0xffff;
	v3 =	vpop (erf)  }
0x538: {  	v4 =	vld.idx.msk [tilespmem:v4+s2+$0x0], $0xffff;
	v5 =	vadd.f32 $1.000000000e+00, v5;
	v3 =	vadd.f32 $1.000000000e+00, v3  }
0x539: {  	v2 =	vld [tilespmem:s24+$0xFFFFFFC0]  }
0x53a: {  	v57 =	vld [tilespmem:s12+$0xFFFFFF90];
	v7 =	vsub.f32 $0.0e+00, v7;
	(erf) = vrcp.f32 v5  }
0x53b: {  	v5 =	vld.idx.msk [tilespmem:v56+s2+$0x0], $0xffff  }
0x53c: {  	v9 =	vld.idx.msk [tilespmem:v52+s2+$0x0], $0xffff;
	v7 =	vmul.f32 $1.442695020e+00, v7;
	(erf) = vrcp.f32 v3;
	v3 =	vpop (erf)  }
0x53d: {  	v59 =	vld.idx.msk [tilespmem:v15+s2+$0x0], $0xffff;
	[tilespmem:s30+$0xFFFFFFA0] =	vst v3;
	v3 =	vadd.f32 v4, v6  }
0x53e: {  	(erf) = vpow2.f32 v7;
	v7 =	vld.idx.msk [tilespmem:v58+s2+$0x0], $0xffff  }
0x53f: {  	v60 =	vld [tilespmem:s28+$0xFFFFFF30]  }
0x540: {  	v61 =	vld [tilespmem:s29+$0x30];
	v1 =	vadd.f32 v5, v1;
	v5 =	vpop (erf)  }
0x541: {  	v9 =	vadd.f32 v10, v9;
	v4 =	vld [tilespmem:s28+$0xFFFFFFB0];
	v2 =	vadd.f32 v2, v3;
	[tilespmem:s26+$0x40] =	vst v5;
	v3 =	vpop (erf)  }
0x542: {  	v1 =	vadd.f32 v57, v1;
	v5 =	vld [tilespmem:s23+$0x50];
	v10 =	vadd.f32 $1.000000000e+00, v3  }
0x543: {  	[tilespmem:s17+$0x70] =	vst v0;
	v6 =	vld [tilespmem:s23+$0xD0];
	v2 =	vsub.f32 $0.0e+00, v2;
	v62 =	vpop (erf)  }
0x544: {  	v0 =	vadd.f32 v7, v59;
	v1 =	vsub.f32 $0.0e+00, v1;
	v3 =	vld [tilespmem:s29+$0xFFFFFFB0];
	[tilespmem:s19+$0xFFFFFFD0] =	vst v62;
	(erf) = vrcp.f32 v10  }
0x545: {  	[tilespmem:s18+$0x70] =	vst v8;
	v9 =	vadd.f32 v11, v9;
	v63 =	vmul.f32 $1.442695020e+00, v2;
	v8 =	vpop (erf);
	v2 =	vld [tilespmem:s20+$0xFFFFFF60]  }
0x546: {  	v7 =	vmul.f32 $1.442695020e+00, v1;
	v1 =	vld [tilespmem:s20+$0xFFFFFFE0];
	[tilespmem:s18+$0xFFFFFFE0] =	vst v8;
	v8 =	vadd.f32 v61, v0  }
0x547: {  	s0 =	simm.s32 $0x7C00;
	s14 =	simm.s32 $0x3480;
	s11 =	simm.s32 $0xA;
	v9 =	vsub.f32 $0.0e+00, v9;
	(erf) = vpow2.f32 v63;
	v10 =	vpop (erf);
	v0 =	vld.idx.msk [tilespmem:v60+s2+$0x0], $0xffff  }
.LBB2_3:
0x548: {  	v11 =	vld [tilespmem:s14+$0x0];
	v10 =	vadd.f32 $1.000000000e+00, v10;
	(erf) = vpow2.f32 v7;
	v7 =	vsub.f32 $0.0e+00, v8  }
0x549: {  	v8 =	vld [tilespmem:s14+$0x80];
	v9 =	vmul.f32 $1.442695020e+00, v9  }
0x54a: {  	(erf) = vrcp.f32 v10;
	v7 =	vmul.f32 $1.442695020e+00, v7;
	v5 =	vld.idx.msk [tilespmem:v5+s2+$0x0], $0xffff  }
0x54b: {  	v6 =	vld.idx.msk [tilespmem:v6+s2+$0x0], $0xffff;
	(erf) = vpow2.f32 v9  }
0x54c: {  	v9 =	vld [tilespmem:s14+$0xFFFFFF80];
	(erf) = vpow2.f32 v7  }
0x54d: {  	v7 =	vld [tilespmem:s14+$0xFFFFFF00];
	v10 =	vpop (erf)  }
0x54e: {  	v12 =	vld [tilespmem:s24+$0x50];
	[tilespmem:s19+$0x60] =	vst v10  }
0x54f: {  	v10 =	vld [tilespmem:s20+$0x70]  }
0x550: {  	v13 =	vpop (erf);
	v14 =	vld [tilespmem:s20+$0xF0]  }
0x551: {  	v5 =	vadd.f32 v6, v5;
	v11 =	vld.idx.msk [tilespmem:v11+s2+$0x0], $0xffff;
	v15 =	vpop (erf);
	v13 =	vadd.f32 $1.000000000e+00, v13  }
0x552: {  	v6 =	vld.idx.msk [tilespmem:v8+s2+$0x0], $0xffff;
	v16 =	vadd.f32 $1.000000000e+00, v15  }
0x553: {  	s12 =	sadd.s32 $0x100, s12;
	v15 =	vpop (erf);
	v4 =	vld.idx.msk [tilespmem:v4+s2+$0x0], $0xffff;
	v5 =	vadd.f32 v12, v5;
	(erf) = vrcp.f32 v13  }
0x554: {  	v12 =	vld [tilespmem:s12+$0x0];
	[tilespmem:s1+$0x10] =	vst v15;
	(erf) = vrcp.f32 v16;
	v8 =	vpop (erf)  }
0x555: {  	s11 =	sadd.s32 $0x2, s11;
	v13 =	vld [tilespmem:s31+$0x20];
	v15 =	vpop (erf);
	v5 =	vsub.f32 $0.0e+00, v5;
	v8 =	vadd.f32 $1.000000000e+00, v8  }
0x556: {  	p1 =	slt.u32 s11, $0x4C;
	v16 =	vld [tilespmem:s31+$0xA0];
	v15 =	vadd.f32 $1.000000000e+00, v15  }
0x557: {  	v5 =	vmul.f32 $1.442695020e+00, v5;
	v10 =	vld.idx.msk [tilespmem:v10+s2+$0x0], $0xffff;
	(erf) = vrcp.f32 v8  }
0x558: {  	v6 =	vadd.f32 v6, v11;
	(erf) = vrcp.f32 v15;
	v8 =	vld.idx.msk [tilespmem:v14+s2+$0x0], $0xffff  }
0x559: {  	v0 =	vadd.f32 v4, v0;
	v7 =	vld.idx.msk [tilespmem:v7+s2+$0x0], $0xffff;
	(erf) = vpow2.f32 v5  }
0x55a: {  	v5 =	vadd.f32 v12, v6;
	v4 =	vld.idx.msk [tilespmem:v9+s2+$0x0], $0xffff  }
0x55b: {  	v0 =	vadd.f32 v3, v0;
	v3 =	vld [tilespmem:s21+$0x70]  }
0x55c: {  	v5 =	vsub.f32 $0.0e+00, v5;
	v6 =	vld [tilespmem:s12+$0xFFFFFF80];
	v9 =	vpop (erf)  }
0x55d: {  	v0 =	vsub.f32 $0.0e+00, v0;
	v11 =	vpop (erf);
	[tilespmem:s26+$0xFFFFFFC0] =	vst v9;
	v2 =	vld.idx.msk [tilespmem:v2+s2+$0x0], $0xffff  }
0x55e: {  	v5 =	vmul.f32 $1.442695020e+00, v5;
	v8 =	vadd.f32 v8, v10;
	[tilespmem:s1+$0xFFFFFF90] =	vst v11;
	v9 =	vld [tilespmem:s23+$0xFFFFFF50]  }
0x55f: {  	v11 =	vmul.f32 $1.442695020e+00, v0;
	v10 =	vld.idx.msk [tilespmem:v13+s2+$0x0], $0xffff  }
0x560: {  	v4 =	vadd.f32 v4, v7;
	(erf) = vpow2.f32 v5;
	v5 =	vld.idx.msk [tilespmem:v16+s2+$0x0], $0xffff;
	v3 =	vadd.f32 v3, v8;
	v7 =	vpop (erf)  }
0x561: {  	v8 =	vld [tilespmem:s31+$0xFFFFFF20];
	(erf) = vpow2.f32 v11;
	v0 =	vpop (erf);
	[tilespmem:s17+$0xFFFFFFF0] =	vst v7;
	s17 =	smov.u32 s18;
	s18 =	smov.u32 s19;
	s19 =	smov.u32 s26  }
0x562: {  	v4 =	vadd.f32 v6, v4;
	s26 =	smov.u32 s30;
	s30 =	smov.u32 s1;
	v6 =	vld [tilespmem:s31+$0xFFFFFFA0];
	v7 =	vpop (erf);
	v3 =	vsub.f32 $0.0e+00, v3  }
0x563: {  	v11 =	vld [tilespmem:s0+$0x20];
	[tilespmem:s26+$0x30] =	vst v0;
	v0 =	vadd.f32 $1.000000000e+00, v7  }
0x564: {  	v4 =	vsub.f32 $0.0e+00, v4;
	v7 =	vld [tilespmem:s28+$0x40];
	v3 =	vmul.f32 $1.442695020e+00, v3  }
0x565: {  	v12 =	vld [tilespmem:s28+$0xC0];
	(erf) = vrcp.f32 v0  }
0x566: {  	v0 =	vmul.f32 $1.442695020e+00, v4;
	v5 =	vadd.f32 v5, v10;
	v4 =	vld [tilespmem:s0+$0xFFFFFFA0];
	(erf) = vpow2.f32 v3  }
0x567: {  	v3 =	vld [tilespmem:s23+$0xFFFFFFD0]  }
0x568: {  	(erf) = vpow2.f32 v0;
	v0 =	vadd.f32 v11, v5;
	v5 =	vld.idx.msk [tilespmem:v9+s2+$0x0], $0xffff  }
0x569: {  	v9 =	vpop (erf);
	v8 =	vld.idx.msk [tilespmem:v8+s2+$0x0], $0xffff  }
0x56a: {  	v9 =	vadd.f32 $1.000000000e+00, v9;
	v6 =	vld.idx.msk [tilespmem:v6+s2+$0x0], $0xffff;
	v0 =	vsub.f32 $0.0e+00, v0;
	v10 =	vpop (erf)  }
0x56b: {  	v10 =	vadd.f32 $1.000000000e+00, v10;
	v11 =	vld [tilespmem:s24+$0xFFFFFFD0]  }
0x56c: {  	(erf) = vrcp.f32 v9;
	v13 =	vmul.f32 $1.442695020e+00, v0;
	v7 =	vld.idx.msk [tilespmem:v7+s2+$0x0], $0xffff  }
0x56d: {  	v9 =	vld.idx.msk [tilespmem:v12+s2+$0x0], $0xffff;
	(erf) = vrcp.f32 v10  }
0x56e: {  	(erf) = vpow2.f32 v13;
	v0 =	vpop (erf);
	v1 =	vld.idx.msk [tilespmem:v1+s2+$0x0], $0xffff  }
0x56f: {  	v3 =	vld.idx.msk [tilespmem:v3+s2+$0x0], $0xffff;
	v10 =	vpop (erf)  }
0x570: {  	v6 =	vadd.f32 v6, v8;
	v8 =	vld [tilespmem:s29+$0x40];
	[tilespmem:s19+$0x50] =	vst v0;
	v0 =	vadd.f32 $1.000000000e+00, v10  }
0x571: {  	v10 =	vpop (erf);
	v12 =	vld [tilespmem:s23+$0x60]  }
0x572: {  	v4 =	vadd.f32 v4, v6;
	v10 =	vadd.f32 $1.000000000e+00, v10;
	v6 =	vld [tilespmem:s23+$0xE0];
	(erf) = vrcp.f32 v0  }
0x573: {  	v0 =	vadd.f32 v9, v7;
	v7 =	vld [tilespmem:s21+$0xFFFFFFE0]  }
0x574: {  	v4 =	vsub.f32 $0.0e+00, v4;
	v1 =	vadd.f32 v1, v2;
	(erf) = vrcp.f32 v10;
	v2 =	vld [tilespmem:s25+$0xFFFFFF70]  }
0x575: {  	s1 =	sadd.s32 $0x100, s1;
	v3 =	vadd.f32 v3, v5;
	v9 =	vpop (erf);
	v8 =	vadd.f32 v8, v0;
	v5 =	vld [tilespmem:s25+$0xFFFFFFF0];
	s25 =	smov.u32 s20;
	s20 =	smov.u32 s23  }
0x576: {  	v4 =	vmul.f32 $1.442695020e+00, v4;
	[tilespmem:s1+$0x0] =	vst v9;
	v9 =	vpop (erf);
	v0 =	vld [tilespmem:s22+$0xFFFFFFF0];
	s22 =	smov.u32 s21;
	s21 =	smov.u32 s24;
	s24 =	smov.u32 s29  }
0x577: {  	s23 =	smov.u32 s28;
	v3 =	vadd.f32 v11, v3;
	s29 =	smov.u32 s0;
	s0 =	smov.u32 s12;
	v10 =	vld [tilespmem:s14+$0x10];
	v13 =	vpop (erf);
	[tilespmem:s26+$0xFFFFFFB0] =	vst v9;
	v8 =	vsub.f32 $0.0e+00, v8  }
0x578: {  	s28 =	smov.u32 s31;
	s31 =	smov.u32 s14;
	v9 =	vld [tilespmem:s14+$0x90];
	v11 =	vadd.f32 $1.000000000e+00, v13;
	(erf) = vpow2.f32 v4;
	v1 =	vadd.f32 v7, v1  }
0x579: {  	v3 =	vsub.f32 $0.0e+00, v3;
	v13 =	vmul.f32 $1.442695020e+00, v8;
	v7 =	vld.idx.msk [tilespmem:v12+s2+$0x0], $0xffff  }
0x57a: {  	(erf) = vrcp.f32 v11;
	v6 =	vld.idx.msk [tilespmem:v6+s2+$0x0], $0xffff;
	v1 =	vsub.f32 $0.0e+00, v1  }
0x57b: {  	v3 =	vmul.f32 $1.442695020e+00, v3;
	v8 =	vld [tilespmem:s23+$0xFFFFFF40];
	(erf) = vpow2.f32 v13;
	v4 =	vpop (erf)  }
0x57c: {  	v11 =	vld [tilespmem:s23+$0xFFFFFFC0];
	v1 =	vmul.f32 $1.442695020e+00, v1;
	[tilespmem:s18+$0x70] =	vst v4  }
0x57d: {  	v4 =	vpop (erf);
	v12 =	vld [tilespmem:s21+$0x60];
	(erf) = vpow2.f32 v3  }
0x57e: {  	[tilespmem:s1+$0xFFFFFF80] =	vst v4;
	v3 =	vld [tilespmem:s24+$0xFFFFFFC0];
	(erf) = vpow2.f32 v1  }
0x57f: {  	v1 =	vld.idx.msk [tilespmem:v10+s2+$0x0], $0xffff  }
0x580: {  	v6 =	vadd.f32 v6, v7;
	v4 =	vld.idx.msk [tilespmem:v9+s2+$0x0], $0xffff  }
0x581: {  	v7 =	vld [tilespmem:s14+$0xFFFFFF10];
	v9 =	vpop (erf)  }
0x582: {  	v10 =	vld [tilespmem:s14+$0xFFFFFF90];
	v15 =	vadd.f32 $1.000000000e+00, v9;
	v6 =	vadd.f32 v12, v6  }
0x583: {  	v12 =	vld [tilespmem:s12+$0x10];
	v13 =	vpop (erf)  }
0x584: {  	v14 =	vld [tilespmem:s12+$0xFFFFFF90];
	[tilespmem:s30+$0x20] =	vst v13;
	(erf) = vrcp.f32 v15;
	v9 =	vpop (erf);
	v6 =	vsub.f32 $0.0e+00, v6  }
0x585: {  	v13 =	vld [tilespmem:s28+$0x30];
	v9 =	vadd.f32 $1.000000000e+00, v9  }
0x586: {  	v1 =	vadd.f32 v4, v1;
	v4 =	vld [tilespmem:s28+$0xB0];
	v6 =	vmul.f32 $1.442695020e+00, v6;
	v15 =	vpop (erf)  }
0x587: {  	v8 =	vld.idx.msk [tilespmem:v8+s2+$0x0], $0xffff;
	(erf) = vrcp.f32 v9;
	v9 =	vadd.f32 $1.000000000e+00, v15;
	v15 =	vpop (erf)  }
0x588: {  	v1 =	vadd.f32 v12, v1;
	v11 =	vld.idx.msk [tilespmem:v11+s2+$0x0], $0xffff;
	(erf) = vpow2.f32 v6;
	v6 =	vadd.f32 $1.000000000e+00, v15  }
0x589: {  	v7 =	vld.idx.msk [tilespmem:v7+s2+$0x0], $0xffff;
	(erf) = vrcp.f32 v9  }
0x58a: {  	v9 =	vld.idx.msk [tilespmem:v10+s2+$0x0], $0xffff;
	v1 =	vsub.f32 $0.0e+00, v1;
	(erf) = vrcp.f32 v6  }
0x58b: {  	v2 =	vld.idx.msk [tilespmem:v2+s2+$0x0], $0xffff  }
0x58c: {  	v1 =	vmul.f32 $1.442695020e+00, v1;
	v10 =	vld.idx.msk [tilespmem:v5+s2+$0x0], $0xffff  }
0x58d: {  	v12 =	vld.idx.msk [tilespmem:v13+s2+$0x0], $0xffff;
	v5 =	vpop (erf)  }
0x58e: {  	v8 =	vadd.f32 v11, v8;
	(erf) = vpow2.f32 v1;
	[tilespmem:s30+$0xFFFFFFA0] =	vst v5;
	v1 =	vld.idx.msk [tilespmem:v4+s2+$0x0], $0xffff  }
0x58f: {  	v11 =	vld [tilespmem:s28+$0xFFFFFF30]  }
0x590: {  	v6 =	vadd.f32 v9, v7;
	v3 =	vadd.f32 v3, v8;
	v4 =	vld [tilespmem:s28+$0xFFFFFFB0];
	v5 =	vpop (erf)  }
0x591: {  	v8 =	vld [tilespmem:s29+$0x30];
	[tilespmem:s26+$0x40] =	vst v5;
	v7 =	vpop (erf)  }
0x592: {  	v9 =	vadd.f32 v14, v6;
	v5 =	vld [tilespmem:s23+$0x50];
	v7 =	vadd.f32 $1.000000000e+00, v7;
	v13 =	vpop (erf)  }
.Ltmp5:
0x593: {  	v14 =	vsub.f32 $0.0e+00, v3;
	v10 =	vadd.f32 v10, v2;
	v6 =	vld [tilespmem:s23+$0xD0];
	[tilespmem:s19+$0xFFFFFFD0] =	vst v13;
	v13 =	vpop (erf);
	(pc) =	sbr.rel @p1 .LBB2_3-.Ltmp5, $4  }
0x594: {  	v9 =	vsub.f32 $0.0e+00, v9;
	v1 =	vadd.f32 v1, v12;
	v3 =	vld [tilespmem:s29+$0xFFFFFFB0];
	(erf) = vrcp.f32 v7;
	[tilespmem:s18+$0xFFFFFFE0] =	vst v13  }
0x595: {  	v12 =	vmul.f32 $1.442695020e+00, v14;
	v13 =	vadd.f32 v0, v10;
	v2 =	vld [tilespmem:s20+$0xFFFFFF60]  }
0x596: {  	v7 =	vmul.f32 $1.442695020e+00, v9;
	v8 =	vadd.f32 v8, v1;
	v1 =	vld [tilespmem:s20+$0xFFFFFFE0]  }
0x597: {  	s14 =	sadd.s32 $0x200, s14;
	v9 =	vsub.f32 $0.0e+00, v13;
	v10 =	vpop (erf);
	v0 =	vld.idx.msk [tilespmem:v11+s2+$0x0], $0xffff;
	(erf) = vpow2.f32 v12  }
0x598: {  	v10 =	vadd.f32 $1.000000000e+00, v10  }
0x599: {  	(erf) = vpow2.f32 v7  }
0x59a: {  	(erf) = vrcp.f32 v10  }
0x59b: {  	v32 =	vsub.f32 $0.0e+00, v8  }
0x59c: {  	v33 =	vmul.f32 $1.442695020e+00, v9  }
0x59d: {  	v7 =	vmul.f32 $1.442695020e+00, v32  }
0x59e: {  	v5 =	vld.idx.msk [tilespmem:v5+s2+$0x0], $0xffff;
	(erf) = vpow2.f32 v33  }
0x59f: {  	v6 =	vld.idx.msk [tilespmem:v6+s2+$0x0], $0xffff;
	(erf) = vpow2.f32 v7  }
0x5a0: {  	v4 =	vld.idx.msk [tilespmem:v4+s2+$0x0], $0xffff;
	v34 =	vpop (erf)  }
0x5a1: {  	v35 =	vld [tilespmem:s24+$0x50];
	v36 =	vpop (erf)  }
0x5a2: {  	[tilespmem:s19+$0x60] =	vst v34;
	v37 =	vpop (erf);
	v9 =	vadd.f32 $1.000000000e+00, v36  }
0x5a3: {  	v38 =	vld [tilespmem:s20+$0x70];
	v7 =	vadd.f32 $1.000000000e+00, v37;
	v39 =	vpop (erf)  }
0x5a4: {  	v5 =	vadd.f32 v6, v5;
	v11 =	vld [tilespmem:s20+$0xF0];
	(erf) = vrcp.f32 v9;
	[tilespmem:s1+$0x10] =	vst v39  }
0x5a5: {  	v0 =	vadd.f32 v4, v0;
	(erf) = vrcp.f32 v7;
	v6 =	vld [tilespmem:s31+$0x20]  }
0x5a6: {  	v5 =	vadd.f32 v35, v5;
	v40 =	vld [tilespmem:s31+$0xA0]  }
0x5a7: {  	v0 =	vadd.f32 v3, v0;
	v41 =	vpop (erf)  }
0x5a8: {  	v5 =	vsub.f32 $0.0e+00, v5;
	v42 =	vpop (erf);
	v4 =	vadd.f32 $1.000000000e+00, v41  }
0x5a9: {  	v43 =	vadd.f32 $1.000000000e+00, v42  }
0x5aa: {  	v46 =	vld [tilespmem:s21+$0x70];
	v0 =	vsub.f32 $0.0e+00, v0;
	v5 =	vmul.f32 $1.442695020e+00, v5;
	(erf) = vrcp.f32 v4  }
0x5ab: {  	v44 =	vld.idx.msk [tilespmem:v38+s2+$0x0], $0xffff;
	(erf) = vrcp.f32 v43  }
0x5ac: {  	v0 =	vmul.f32 $1.442695020e+00, v0;
	v45 =	vld.idx.msk [tilespmem:v11+s2+$0x0], $0xffff;
	(erf) = vpow2.f32 v5  }
0x5ad: {  	v47 =	vpop (erf);
	v6 =	vld.idx.msk [tilespmem:v6+s2+$0x0], $0xffff  }
0x5ae: {  	(erf) = vpow2.f32 v0;
	v48 =	vpop (erf);
	v7 =	vld.idx.msk [tilespmem:v40+s2+$0x0], $0xffff  }
0x5af: {  	v49 =	vld [tilespmem:s0+$0x20];
	[tilespmem:s1+$0xFFFFFF90] =	vst v48  }
0x5b0: {  	v9 =	vld [tilespmem:s31+$0xFFFFFF20]  }
0x5b1: {  	v50 =	vadd.f32 v45, v44;
	v51 =	vld [tilespmem:s31+$0xFFFFFFA0];
	_ =	sdelay $0x1  }
0x5b2: {  	v4 =	vadd.f32 v46, v50;
	v0 =	vpop (erf);
	v6 =	vadd.f32 v7, v6  }
0x5b3: {  	v52 =	vpop (erf)  }
0x5b4: {  	v4 =	vsub.f32 $0.0e+00, v4;
	v53 =	vpop (erf);
	[tilespmem:s30+$0x30] =	vst v52;
	v6 =	vadd.f32 v49, v6  }
0x5b5: {  	v54 =	vadd.f32 $1.000000000e+00, v53;
	v55 =	vld [tilespmem:s28+$0x40]  }
0x5b6: {  	v4 =	vmul.f32 $1.442695020e+00, v4;
	v56 =	vld [tilespmem:s28+$0xC0];
	v57 =	vpop (erf);
	v6 =	vsub.f32 $0.0e+00, v6  }
0x5b7: {  	(erf) = vrcp.f32 v54;
	v59 =	vadd.f32 $1.000000000e+00, v57;
	v58 =	vld.idx.msk [tilespmem:v9+s2+$0x0], $0xffff  }
0x5b8: {  	(erf) = vpow2.f32 v4;
	v3 =	vld.idx.msk [tilespmem:v51+s2+$0x0], $0xffff;
	v60 =	vmul.f32 $1.442695020e+00, v6  }
0x5b9: {  	(erf) = vrcp.f32 v59  }
0x5ba: {  	v61 =	vld [tilespmem:s0+$0xFFFFFFA0];
	(erf) = vpow2.f32 v60  }
0x5bb: {  	[tilespmem:s26+$0xFFFFFFC0] =	vst v47  }
0x5bc: {  	v62 =	vld [tilespmem:s23+$0xFFFFFF50]  }
0x5bd: {  	v63 =	vld.idx.msk [tilespmem:v55+s2+$0x0], $0xffff;
	v3 =	vadd.f32 v3, v58  }
0x5be: {  	v16 =	vld.idx.msk [tilespmem:v56+s2+$0x0], $0xffff  }
0x5bf: {  	v17 =	vld [tilespmem:s23+$0xFFFFFFD0];
	v3 =	vadd.f32 v61, v3  }
0x5c0: {  	v19 =	vld [tilespmem:s29+$0x40];
	v18 =	vpop (erf)  }
0x5c1: {  	v28 =	vld [tilespmem:s21+$0xFFFFFFE0];
	v20 =	vpop (erf);
	[tilespmem:s26+$0x50] =	vst v18;
	v3 =	vsub.f32 $0.0e+00, v3  }
0x5c2: {  	v21 =	vadd.f32 $1.000000000e+00, v20;
	v22 =	vld [tilespmem:s23+$0x60];
	v23 =	vpop (erf)  }
0x5c3: {  	v12 =	vld [tilespmem:s23+$0xE0];
	v5 =	vadd.f32 v16, v63;
	v3 =	vmul.f32 $1.442695020e+00, v3;
	v24 =	vpop (erf)  }
0x5c4: {  	v2 =	vld.idx.msk [tilespmem:v2+s2+$0x0], $0xffff;
	(erf) = vrcp.f32 v21;
	v25 =	vadd.f32 $1.000000000e+00, v24  }
0x5c5: {  	v1 =	vld.idx.msk [tilespmem:v1+s2+$0x0], $0xffff;
	v5 =	vadd.f32 v19, v5;
	(erf) = vpow2.f32 v3  }
0x5c6: {  	v4 =	vld.idx.msk [tilespmem:v62+s2+$0x0], $0xffff;
	(erf) = vrcp.f32 v25  }
0x5c7: {  	v27 =	vld.idx.msk [tilespmem:v17+s2+$0x0], $0xffff;
	v5 =	vsub.f32 $0.0e+00, v5  }
0x5c8: {  	v35 =	vld [tilespmem:s25+$0xFFFFFF70]  }
0x5c9: {  	v26 =	vld [tilespmem:s24+$0xFFFFFFD0];
	v5 =	vmul.f32 $1.442695020e+00, v5  }
0x5ca: {  	v29 =	vld.idx.msk [tilespmem:v22+s2+$0x0], $0xffff  }
0x5cb: {  	v30 =	vld.idx.msk [tilespmem:v12+s2+$0x0], $0xffff;
	(erf) = vpow2.f32 v5  }
0x5cc: {  	v37 =	vld [tilespmem:s25+$0xFFFFFFF0];
	v4 =	vadd.f32 v27, v4  }
0x5cd: {  	v2 =	vadd.f32 v1, v2;
	v32 =	vld [tilespmem:s24+$0x60];
	[tilespmem:s30+$0xFFFFFFB0] =	vst v23;
	v1 =	vpop (erf)  }
0x5ce: {  	v31 =	vld [tilespmem:s28+$0xFFFFFF40];
	v3 =	vadd.f32 v26, v4;
	v34 =	vpop (erf)  }
0x5cf: {  	v2 =	vadd.f32 v28, v2;
	v33 =	vld [tilespmem:s28+$0xFFFFFFC0];
	v36 =	vpop (erf)  }
0x5d0: {  	v3 =	vsub.f32 $0.0e+00, v3;
	v8 =	vadd.f32 v30, v29;
	[tilespmem:s1+$0x20] =	vst v36  }
0x5d1: {  	v2 =	vsub.f32 $0.0e+00, v2;
	v7 =	vld [tilespmem:s31+$0x30]  }
0x5d2: {  	v3 =	vmul.f32 $1.442695020e+00, v3;
	v6 =	vadd.f32 v32, v8;
	v38 =	vld [tilespmem:s31+$0xB0]  }
0x5d3: {  	v2 =	vmul.f32 $1.442695020e+00, v2;
	v43 =	vld.idx.msk [tilespmem:v35+s2+$0x0], $0xffff  }
0x5d4: {  	v44 =	vld.idx.msk [tilespmem:v37+s2+$0x0], $0xffff;
	(erf) = vpow2.f32 v3;
	v40 =	vadd.f32 $1.000000000e+00, v34;
	v41 =	vpop (erf);
	v6 =	vsub.f32 $0.0e+00, v6  }
0x5d5: {  	v45 =	vld [tilespmem:s22+$0xFFFFFFF0];
	(erf) = vpow2.f32 v2;
	v42 =	vadd.f32 $1.000000000e+00, v41  }
0x5d6: {  	v5 =	vld.idx.msk [tilespmem:v31+s2+$0x0], $0xffff;
	(erf) = vrcp.f32 v40;
	v6 =	vmul.f32 $1.442695020e+00, v6  }
0x5d7: {  	v4 =	vld.idx.msk [tilespmem:v33+s2+$0x0], $0xffff;
	(erf) = vrcp.f32 v42  }
0x5d8: {  	v39 =	vld [tilespmem:s29+$0xFFFFFFC0];
	(erf) = vpow2.f32 v6  }
0x5d9: {  	v7 =	vld.idx.msk [tilespmem:v7+s2+$0x0], $0xffff  }
0x5da: {  	v8 =	vld.idx.msk [tilespmem:v38+s2+$0x0], $0xffff;
	_ =	sdelay $0x1  }
0x5db: {  	v4 =	vadd.f32 v4, v5;
	v46 =	vld [tilespmem:s0+$0x30]  }
0x5dc: {  	v2 =	vadd.f32 v44, v43;
	v47 =	vpop (erf)  }
0x5dd: {  	v3 =	vadd.f32 v39, v4;
	v49 =	vpop (erf)  }
0x5de: {  	v2 =	vadd.f32 v45, v2;
	v50 =	vpop (erf);
	v51 =	vadd.f32 v8, v7  }
0x5df: {  	v48 =	vadd.f32 $1.000000000e+00, v47;
	v3 =	vsub.f32 $0.0e+00, v3;
	v53 =	vpop (erf)  }
0x5e0: {  	v52 =	vadd.f32 $1.000000000e+00, v49;
	v54 =	vpop (erf);
	v4 =	vadd.f32 v46, v51  }
0x5e1: {  	v2 =	vsub.f32 $0.0e+00, v2;
	(erf) = vrcp.f32 v48;
	[tilespmem:s30+$0x40] =	vst v53;
	v55 =	vadd.f32 $1.000000000e+00, v54  }
0x5e2: {  	v3 =	vmul.f32 $1.442695020e+00, v3;
	(erf) = vrcp.f32 v52;
	v56 =	vld [tilespmem:s28+$0x50];
	v4 =	vsub.f32 $0.0e+00, v4  }
0x5e3: {  	v2 =	vmul.f32 $1.442695020e+00, v2;
	v8 =	vld [tilespmem:s28+$0xD0];
	(erf) = vrcp.f32 v55  }
0x5e4: {  	(erf) = vpow2.f32 v3;
	v57 =	vmul.f32 $1.442695020e+00, v4  }
0x5e5: {  	(erf) = vpow2.f32 v2  }
0x5e6: {  	(erf) = vpow2.f32 v57;
	_ =	sdelay $0x3  }
0x5e7: {  	v58 =	vpop (erf);
	v59 =	vld.idx.msk [tilespmem:v56+s2+$0x0], $0xffff  }
0x5e8: {  	[tilespmem:s1+$0xFFFFFFA0] =	vst v50;
	v60 =	vpop (erf);
	v61 =	vld.idx.msk [tilespmem:v8+s2+$0x0], $0xffff  }
0x5e9: {  	v6 =	vld [tilespmem:s31+$0xFFFFFF30];
	v62 =	vpop (erf)  }
0x5ea: {  	v63 =	vld [tilespmem:s29+$0x50];
	v16 =	vpop (erf)  }
0x5eb: {  	v17 =	vld [tilespmem:s31+$0xFFFFFFB0];
	v9 =	vadd.f32 $1.000000000e+00, v16;
	v18 =	vpop (erf)  }
0x5ec: {  	[tilespmem:s26+$0x60] =	vst v62;
	v11 =	vadd.f32 $1.000000000e+00, v18;
	v19 =	vpop (erf)  }
0x5ed: {  	v20 =	vld [tilespmem:s23+$0x70];
	v2 =	vadd.f32 v61, v59;
	(erf) = vrcp.f32 v9;
	v21 =	vadd.f32 $1.000000000e+00, v19  }
0x5ee: {  	v22 =	vld [tilespmem:s23+$0xF0];
	(erf) = vrcp.f32 v11  }
0x5ef: {  	v2 =	vadd.f32 v63, v2;
	(erf) = vrcp.f32 v21;
	_ =	sdelay $0x1  }
0x5f0: {  	v2 =	vsub.f32 $0.0e+00, v2  }
0x5f1: {  	v23 =	vld.idx.msk [tilespmem:v6+s2+$0x0], $0xffff  }
0x5f2: {  	v24 =	vld.idx.msk [tilespmem:v17+s2+$0x0], $0xffff;
	v2 =	vmul.f32 $1.442695020e+00, v2  }
0x5f3: {  	v25 =	vld [tilespmem:s0+$0xFFFFFFB0]  }
0x5f4: {  	v26 =	vld.idx.msk [tilespmem:v20+s2+$0x0], $0xffff;
	(erf) = vpow2.f32 v2  }
0x5f5: {  	v7 =	vld.idx.msk [tilespmem:v22+s2+$0x0], $0xffff;
	v27 =	vpop (erf)  }
0x5f6: {  	v2 =	vpop (erf)  }
0x5f7: {  	v5 =	vadd.f32 v24, v23;
	v28 =	vld [tilespmem:s24+$0x70];
	v29 =	vpop (erf)  }
0x5f8: {  	[tilespmem:s1+$0x30] =	vst v29  }
0x5f9: {  	v5 =	vadd.f32 v25, v5;
	v30 =	vld [tilespmem:s31+$0x40]  }
0x5fa: {  	v7 =	vadd.f32 v7, v26;
	v31 =	vld [tilespmem:s31+$0xC0]  }
0x5fb: {  	v5 =	vsub.f32 $0.0e+00, v5  }
0x5fc: {  	v6 =	vadd.f32 v28, v7  }
0x5fd: {  	[tilespmem:s26+$0xFFFFFFD0] =	vst v58;
	v32 =	vmul.f32 $1.442695020e+00, v5;
	v33 =	vpop (erf)  }
0x5fe: {  	v34 =	vld [tilespmem:s23+$0xFFFFFF60];
	[tilespmem:s30+$0xFFFFFFC0] =	vst v27;
	v6 =	vsub.f32 $0.0e+00, v6;
	v5 =	vadd.f32 $1.000000000e+00, v33  }
0x5ff: {  	(erf) = vpow2.f32 v32;
	v10 =	vld [tilespmem:s28+$0xFFFFFF50]  }
0x600: {  	v36 =	vld [tilespmem:s28+$0xFFFFFFD0];
	v35 =	vmul.f32 $1.442695020e+00, v6;
	(erf) = vrcp.f32 v5  }
0x601: {  	v37 =	vld.idx.msk [tilespmem:v30+s2+$0x0], $0xffff  }
0x602: {  	(erf) = vpow2.f32 v35;
	v38 =	vld.idx.msk [tilespmem:v31+s2+$0x0], $0xffff;
	_ =	sdelay $0x1  }
0x603: {  	v39 =	vld [tilespmem:s0+$0x40]  }
0x604: {  	v40 =	vld [tilespmem:s23+$0xFFFFFFE0];
	_ =	sdelay $0x1  }
0x605: {  	v41 =	vld.idx.msk [tilespmem:v34+s2+$0x0], $0xffff;
	v3 =	vadd.f32 v38, v37  }
0x606: {  	v47 =	vld [tilespmem:s29+$0xFFFFFFD0];
	v42 =	vpop (erf)  }
0x607: {  	v10 =	vld.idx.msk [tilespmem:v10+s2+$0x0], $0xffff;
	v43 =	vpop (erf);
	v3 =	vadd.f32 v39, v3  }
0x608: {  	v5 =	vld.idx.msk [tilespmem:v36+s2+$0x0], $0xffff;
	[tilespmem:s30+$0x50] =	vst v43  }
0x609: {  	v7 =	vadd.f32 $1.000000000e+00, v42;
	v44 =	vpop (erf);
	v11 =	vld [tilespmem:s28+$0x60];
	v3 =	vsub.f32 $0.0e+00, v3  }
0x60a: {  	v45 =	vadd.f32 $1.000000000e+00, v44;
	v46 =	vld [tilespmem:s28+$0xE0]  }
0x60b: {  	v9 =	vld.idx.msk [tilespmem:v40+s2+$0x0], $0xffff;
	(erf) = vrcp.f32 v7;
	v3 =	vmul.f32 $1.442695020e+00, v3  }
0x60c: {  	(erf) = vrcp.f32 v45  }
0x60d: {  	v48 =	vld [tilespmem:s24+$0xFFFFFFE0];
	v49 =	vadd.f32 v5, v10;
	(erf) = vpow2.f32 v3;
	_ =	sdelay $0x1  }
0x60e: {  	v3 =	vadd.f32 v47, v49  }
0x60f: {  	v50 =	vadd.f32 v9, v41  }
0x610: {  	v51 =	vld.idx.msk [tilespmem:v11+s2+$0x0], $0xffff;
	v3 =	vsub.f32 $0.0e+00, v3  }
0x611: {  	v5 =	vadd.f32 v48, v50;
	v52 =	vld.idx.msk [tilespmem:v46+s2+$0x0], $0xffff;
	_ =	sdelay $0x1  }
0x612: {  	[tilespmem:s19+$0xFFFFFFE0] =	vst v60;
	v5 =	vsub.f32 $0.0e+00, v5;
	v54 =	vld [tilespmem:s29+$0x60];
	v53 =	vpop (erf)  }
0x613: {  	v59 =	vld [tilespmem:s20+$0xFFFFFF70];
	[tilespmem:s1+$0xFFFFFFB0] =	vst v53;
	v56 =	vmul.f32 $1.442695020e+00, v3;
	v3 =	vpop (erf)  }
0x614: {  	v5 =	vmul.f32 $1.442695020e+00, v5;
	v55 =	vld [tilespmem:s31+$0xFFFFFF40];
	v58 =	vpop (erf)  }
0x615: {  	v57 =	vld [tilespmem:s31+$0xFFFFFFC0];
	(erf) = vpow2.f32 v56;
	v6 =	vadd.f32 v52, v51;
	v60 =	vadd.f32 $1.000000000e+00, v58  }
0x616: {  	v61 =	vld [tilespmem:s20+$0xFFFFFFF0];
	(erf) = vpow2.f32 v5  }
0x617: {  	v62 =	vadd.f32 v54, v6;
	(erf) = vrcp.f32 v60;
	_ =	sdelay $0x1  }
0x618: {  	v5 =	vsub.f32 $0.0e+00, v62;
	_ =	sdelay $0x1  }
0x619: {  	v16 =	vld.idx.msk [tilespmem:v59+s2+$0x0], $0xffff;
	v5 =	vmul.f32 $1.442695020e+00, v5  }
0x61a: {  	v63 =	vld.idx.msk [tilespmem:v55+s2+$0x0], $0xffff  }
0x61b: {  	v4 =	vld.idx.msk [tilespmem:v57+s2+$0x0], $0xffff;
	(erf) = vpow2.f32 v5  }
0x61c: {  	v18 =	vld.idx.msk [tilespmem:v61+s2+$0x0], $0xffff;
	v17 =	vpop (erf)  }
0x61d: {  	v19 =	vld [tilespmem:s0+$0xFFFFFFC0];
	v20 =	vpop (erf)  }
0x61e: {  	v21 =	vld [tilespmem:s21+$0xFFFFFFF0];
	v22 =	vpop (erf)  }
0x61f: {  	[tilespmem:s1+$0x40] =	vst v22  }
0x620: {  	v4 =	vadd.f32 v4, v63;
	v23 =	vld [tilespmem:s31+$0x50]  }
0x621: {  	v5 =	vadd.f32 v18, v16;
	v12 =	vld [tilespmem:s31+$0xD0]  }
0x622: {  	v4 =	vadd.f32 v19, v4  }
0x623: {  	v7 =	vadd.f32 $1.000000000e+00, v17;
	v5 =	vadd.f32 v21, v5  }
0x624: {  	v4 =	vsub.f32 $0.0e+00, v4;
	v24 =	vadd.f32 $1.000000000e+00, v20;
	v25 =	vpop (erf)  }
0x625: {  	(erf) = vrcp.f32 v7;
	v5 =	vsub.f32 $0.0e+00, v5;
	v26 =	vadd.f32 $1.000000000e+00, v25  }
0x626: {  	v4 =	vmul.f32 $1.442695020e+00, v4;
	(erf) = vrcp.f32 v24  }
0x627: {  	v5 =	vmul.f32 $1.442695020e+00, v5;
	(erf) = vrcp.f32 v26  }
0x628: {  	(erf) = vpow2.f32 v4;
	v27 =	vld.idx.msk [tilespmem:v23+s2+$0x0], $0xffff  }
0x629: {  	(erf) = vpow2.f32 v5;
	v28 =	vld.idx.msk [tilespmem:v12+s2+$0x0], $0xffff;
	_ =	sdelay $0x1  }
0x62a: {  	v29 =	vld [tilespmem:s0+$0x50];
	_ =	sdelay $0x2  }
0x62b: {  	v30 =	vpop (erf);
	v4 =	vadd.f32 v28, v27  }
0x62c: {  	v31 =	vpop (erf)  }
0x62d: {  	v32 =	vpop (erf);
	v4 =	vadd.f32 v29, v4  }
0x62e: {  	v33 =	vpop (erf)  }
0x62f: {  	v5 =	vadd.f32 $1.000000000e+00, v33;
	v34 =	vpop (erf);
	v4 =	vsub.f32 $0.0e+00, v4  }
0x630: {  	v9 =	vadd.f32 $1.000000000e+00, v34  }
0x631: {  	(erf) = vrcp.f32 v5;
	v4 =	vmul.f32 $1.442695020e+00, v4  }
0x632: {  	(erf) = vrcp.f32 v9  }
0x633: {  	(erf) = vpow2.f32 v4;
	_ =	sdelay $0x6  }
0x634: {  	[tilespmem:s30+$0x60] =	vst v32;
	v5 =	vpop (erf)  }
0x635: {  	v8 =	vld [tilespmem:s28+$0x70];
	v4 =	vpop (erf)  }
0x636: {  	v35 =	vld [tilespmem:s28+$0xF0];
	v36 =	vpop (erf)  }
0x637: {  	v10 =	vadd.f32 $1.000000000e+00, v36;
	_ =	sdelay $0x1  }
0x638: {  	(erf) = vrcp.f32 v10;
	_ =	sdelay $0x1  }
0x639: {  	[tilespmem:s30+$0xFFFFFFD0] =	vst v30  }
0x63a: {  	v7 =	vld [tilespmem:s28+$0xFFFFFF60]  }
0x63b: {  	v8 =	vld.idx.msk [tilespmem:v8+s2+$0x0], $0xffff  }
0x63c: {  	v9 =	vld.idx.msk [tilespmem:v35+s2+$0x0], $0xffff  }
0x63d: {  	v38 =	vld [tilespmem:s28+$0xFFFFFFE0]  }
0x63e: {  	v37 =	vld [tilespmem:s29+$0x70]  }
0x63f: {  	[tilespmem:s1+$0xFFFFFFC0] =	vst v5  }
0x640: {  	v5 =	vld [tilespmem:s31+$0xFFFFFF50];
	v39 =	vpop (erf)  }
0x641: {  	v8 =	vadd.f32 v9, v8;
	v40 =	vld [tilespmem:s31+$0xFFFFFFD0];
	[tilespmem:s1+$0x50] =	vst v39  }
0x642: {  	v12 =	vld [tilespmem:s31+$0x60]  }
0x643: {  	v8 =	vadd.f32 v37, v8;
	v41 =	vld [tilespmem:s31+$0xE0];
	_ =	sdelay $0x1  }
0x644: {  	v7 =	vld.idx.msk [tilespmem:v7+s2+$0x0], $0xffff;
	v8 =	vsub.f32 $0.0e+00, v8  }
0x645: {  	v11 =	vld.idx.msk [tilespmem:v38+s2+$0x0], $0xffff  }
0x646: {  	v13 =	vld [tilespmem:s0+$0xFFFFFFD0];
	v8 =	vmul.f32 $1.442695020e+00, v8  }
0x647: {  	v5 =	vld.idx.msk [tilespmem:v5+s2+$0x0], $0xffff  }
0x648: {  	(erf) = vpow2.f32 v8;
	v42 =	vld.idx.msk [tilespmem:v40+s2+$0x0], $0xffff  }
0x649: {  	v43 =	vld.idx.msk [tilespmem:v12+s2+$0x0], $0xffff  }
0x64a: {  	v10 =	vld.idx.msk [tilespmem:v41+s2+$0x0], $0xffff  }
0x64b: {  	v44 =	vld [tilespmem:s29+$0xFFFFFFE0]  }
0x64c: {  	v14 =	vld [tilespmem:s0+$0x60]  }
0x64d: {  	v5 =	vadd.f32 v42, v5  }
0x64e: {  	v7 =	vadd.f32 v11, v7  }
0x64f: {  	v5 =	vadd.f32 v13, v5;
	v45 =	vadd.f32 v10, v43  }
0x650: {  	v7 =	vadd.f32 v44, v7  }
0x651: {  	v46 =	vpop (erf);
	v5 =	vsub.f32 $0.0e+00, v5;
	v8 =	vadd.f32 v14, v45  }
0x652: {  	v7 =	vsub.f32 $0.0e+00, v7;
	v9 =	vadd.f32 $1.000000000e+00, v46  }
0x653: {  	v5 =	vmul.f32 $1.442695020e+00, v5;
	v8 =	vsub.f32 $0.0e+00, v8  }
0x654: {  	v7 =	vmul.f32 $1.442695020e+00, v7;
	(erf) = vrcp.f32 v9  }
0x655: {  	(erf) = vpow2.f32 v5;
	v47 =	vmul.f32 $1.442695020e+00, v8  }
0x656: {  	(erf) = vpow2.f32 v7  }
0x657: {  	(erf) = vpow2.f32 v47;
	_ =	sdelay $0x5  }
0x658: {  	v48 =	vpop (erf)  }
0x659: {  	v49 =	vpop (erf)  }
0x65a: {  	v7 =	vadd.f32 $1.000000000e+00, v49;
	v50 =	vpop (erf)  }
0x65b: {  	[tilespmem:s26+$0xFFFFFFE0] =	vst v31;
	v51 =	vadd.f32 $1.000000000e+00, v50;
	v52 =	vpop (erf)  }
0x65c: {  	v53 =	vld [tilespmem:s23+$0xFFFFFF70];
	(erf) = vrcp.f32 v7;
	v54 =	vadd.f32 $1.000000000e+00, v52  }
0x65d: {  	v55 =	vld [tilespmem:s23+$0xFFFFFFF0];
	(erf) = vrcp.f32 v51  }
0x65e: {  	(erf) = vrcp.f32 v54;
	_ =	sdelay $0x5  }
0x65f: {  	v56 =	vld.idx.msk [tilespmem:v53+s2+$0x0], $0xffff  }
0x660: {  	v57 =	vld.idx.msk [tilespmem:v55+s2+$0x0], $0xffff;
	v58 =	vpop (erf)  }
0x661: {  	v59 =	vpop (erf)  }
0x662: {  	v60 =	vld [tilespmem:s24+$0xFFFFFFF0];
	v61 =	vpop (erf)  }
0x663: {  	[tilespmem:s1+$0x60] =	vst v61  }
0x664: {  	v11 =	vld [tilespmem:s31+$0x70]  }
0x665: {  	v6 =	vadd.f32 v57, v56;
	v62 =	vld [tilespmem:s31+$0xF0];
	_ =	sdelay $0x1  }
0x666: {  	v6 =	vadd.f32 v60, v6;
	_ =	sdelay $0x1  }
0x667: {  	v6 =	vsub.f32 $0.0e+00, v6;
	_ =	sdelay $0x1  }
0x668: {  	v6 =	vmul.f32 $1.442695020e+00, v6  }
0x669: {  	v63 =	vld.idx.msk [tilespmem:v11+s2+$0x0], $0xffff  }
0x66a: {  	(erf) = vpow2.f32 v6;
	v12 =	vld.idx.msk [tilespmem:v62+s2+$0x0], $0xffff;
	_ =	sdelay $0x1  }
0x66b: {  	v13 =	vld [tilespmem:s0+$0x70]  }
0x66c: {  	[tilespmem:s1+$0xFFFFFFD0] =	vst v58  }
0x66d: {  	v8 =	vld [tilespmem:s31+$0xFFFFFF60]  }
0x66e: {  	v14 =	vld [tilespmem:s31+$0xFFFFFFE0];
	v6 =	vadd.f32 v12, v63;
	_ =	sdelay $0x1  }
0x66f: {  	v6 =	vadd.f32 v13, v6;
	_ =	sdelay $0x1  }
0x670: {  	v15 =	vpop (erf);
	v6 =	vsub.f32 $0.0e+00, v6  }
0x671: {  	v7 =	vadd.f32 $1.000000000e+00, v15  }
0x672: {  	v6 =	vmul.f32 $1.442695020e+00, v6  }
0x673: {  	v16 =	vld.idx.msk [tilespmem:v8+s2+$0x0], $0xffff;
	(erf) = vrcp.f32 v7  }
0x674: {  	v17 =	vld.idx.msk [tilespmem:v14+s2+$0x0], $0xffff;
	(erf) = vpow2.f32 v6;
	_ =	sdelay $0x1  }
0x675: {  	v18 =	vld [tilespmem:s0+$0xFFFFFFE0];
	_ =	sdelay $0x2  }
0x676: {  	v6 =	vadd.f32 v17, v16;
	_ =	sdelay $0x1  }
0x677: {  	v6 =	vadd.f32 v18, v6  }
0x678: {  	v19 =	vpop (erf)  }
0x679: {  	v6 =	vsub.f32 $0.0e+00, v6;
	v20 =	vpop (erf)  }
0x67a: {  	v8 =	vadd.f32 $1.000000000e+00, v20  }
0x67b: {  	v6 =	vmul.f32 $1.442695020e+00, v6  }
0x67c: {  	(erf) = vrcp.f32 v8  }
0x67d: {  	(erf) = vpow2.f32 v6;
	_ =	sdelay $0x7  }
0x67e: {  	v21 =	vpop (erf)  }
0x67f: {  	[tilespmem:s30+$0xFFFFFFE0] =	vst v59;
	v22 =	vpop (erf)  }
0x680: {  	v9 =	vld [tilespmem:s28+$0xFFFFFF70];
	v8 =	vadd.f32 $1.000000000e+00, v22  }
0x681: {  	v23 =	vld [tilespmem:s28+$0xFFFFFFF0]  }
0x682: {  	(erf) = vrcp.f32 v8;
	_ =	sdelay $0x5  }
0x683: {  	v24 =	vld.idx.msk [tilespmem:v9+s2+$0x0], $0xffff  }
0x684: {  	v25 =	vld.idx.msk [tilespmem:v23+s2+$0x0], $0xffff;
	_ =	sdelay $0x1  }
0x685: {  	v26 =	vld [tilespmem:s29+$0xFFFFFFF0];
	v27 =	vpop (erf)  }
0x686: {  	[tilespmem:s1+$0xFFFFFFE0] =	vst v27  }
0x687: {  	v11 =	vld [tilespmem:s31+$0xFFFFFF70]  }
0x688: {  	v8 =	vadd.f32 v25, v24;
	v28 =	vld [tilespmem:s31+$0xFFFFFFF0];
	_ =	sdelay $0x1  }
0x689: {  	v8 =	vadd.f32 v26, v8;
	_ =	sdelay $0x1  }
0x68a: {  	v8 =	vsub.f32 $0.0e+00, v8;
	_ =	sdelay $0x1  }
0x68b: {  	v8 =	vmul.f32 $1.442695020e+00, v8  }
0x68c: {  	v29 =	vld.idx.msk [tilespmem:v11+s2+$0x0], $0xffff  }
0x68d: {  	(erf) = vpow2.f32 v8;
	v30 =	vld.idx.msk [tilespmem:v28+s2+$0x0], $0xffff;
	_ =	sdelay $0x1  }
0x68e: {  	v31 =	vld [tilespmem:s0+$0xFFFFFFF0];
	_ =	sdelay $0x2  }
0x68f: {  	v8 =	vadd.f32 v30, v29;
	_ =	sdelay $0x1  }
0x690: {  	v8 =	vadd.f32 v31, v8;
	_ =	sdelay $0x1  }
0x691: {  	v32 =	vpop (erf);
	v8 =	vsub.f32 $0.0e+00, v8  }
0x692: {  	v9 =	vadd.f32 $1.000000000e+00, v32  }
0x693: {  	v8 =	vmul.f32 $1.442695020e+00, v8  }
0x694: {  	(erf) = vrcp.f32 v9  }
0x695: {  	(erf) = vpow2.f32 v8;
	_ =	sdelay $0x7  }
0x696: {  	v33 =	vpop (erf)  }
0x697: {  	v34 =	vpop (erf)  }
0x698: {  	v9 =	vadd.f32 $1.000000000e+00, v34;
	_ =	sdelay $0x1  }
0x699: {  	(erf) = vrcp.f32 v9  }
0x69a: {  	[tilespmem:s17+$0xFFFFFFF0] =	vst v0  }
0x69b: {  	[tilespmem:s19+$0x70] =	vst v1  }
0x69c: {  	[tilespmem:s18+$0xFFFFFFF0] =	vst v2  }
0x69d: {  	[tilespmem:s26+$0x70] =	vst v3  }
0x69e: {  	[tilespmem:s19+$0xFFFFFFF0] =	vst v4  }
0x69f: {  	[tilespmem:s30+$0x70] =	vst v48  }
0x6a0: {  	[tilespmem:s26+$0xFFFFFFF0] =	vst v19  }
0x6a1: {  	[tilespmem:s1+$0x70] =	vst v21  }
0x6a2: {  	[tilespmem:s30+$0xFFFFFFF0] =	vst v33;
	v35 =	vpop (erf)  }
0x6a3: {  	[tilespmem:s1+$0xFFFFFFF0] =	vst v35  }
0x6a4: {  	v0 =	vld [tilespmem:$0x7580]  }
0x6a5: {  	v1 =	vld [tilespmem:$0x7600];
	_ =	sdelay $0x6  }
0x6a6: {  	v0 =	vld.idx.msk [tilespmem:v0+s2+$0x0], $0xffff  }
0x6a7: {  	v1 =	vld.idx.msk [tilespmem:v1+s2+$0x0], $0xffff;
	_ =	sdelay $0x1  }
0x6a8: {  	v2 =	vld [tilespmem:$0x9D80];
	_ =	sdelay $0x2  }
0x6a9: {  	v0 =	vadd.f32 v1, v0;
	_ =	sdelay $0x1  }
0x6aa: {  	v0 =	vadd.f32 v2, v0;
	_ =	sdelay $0x1  }
0x6ab: {  	v0 =	vsub.f32 $0.0e+00, v0;
	_ =	sdelay $0x1  }
0x6ac: {  	v0 =	vmul.f32 $1.442695020e+00, v0;
	_ =	sdelay $0x1  }
0x6ad: {  	(erf) = vpow2.f32 v0;
	_ =	sdelay $0x8  }
0x6ae: {  	v0 =	vpop (erf)  }
0x6af: {  	v0 =	vadd.f32 $1.000000000e+00, v0;
	_ =	sdelay $0x1  }
0x6b0: {  	(erf) = vrcp.f32 v0;
	_ =	sdelay $0x2  }
0x6b1: {  	v36 =	vld [tilespmem:$0x7590]  }
0x6b2: {  	v37 =	vld [tilespmem:$0x7610];
	_ =	sdelay $0x4  }
0x6b3: {  	v38 =	vpop (erf)  }
0x6b4: {  	[tilespmem:$0xC500] =	vst v38  }
0x6b5: {  	v0 =	vld.idx.msk [tilespmem:v36+s2+$0x0], $0xffff  }
0x6b6: {  	v1 =	vld.idx.msk [tilespmem:v37+s2+$0x0], $0xffff;
	_ =	sdelay $0x1  }
0x6b7: {  	v39 =	vld [tilespmem:$0x9D90];
	_ =	sdelay $0x2  }
0x6b8: {  	v0 =	vadd.f32 v1, v0;
	_ =	sdelay $0x1  }
0x6b9: {  	v0 =	vadd.f32 v39, v0;
	_ =	sdelay $0x1  }
0x6ba: {  	v0 =	vsub.f32 $0.0e+00, v0;
	_ =	sdelay $0x1  }
0x6bb: {  	v0 =	vmul.f32 $1.442695020e+00, v0;
	_ =	sdelay $0x1  }
0x6bc: {  	(erf) = vpow2.f32 v0;
	_ =	sdelay $0x8  }
0x6bd: {  	v0 =	vpop (erf)  }
0x6be: {  	v0 =	vadd.f32 $1.000000000e+00, v0;
	_ =	sdelay $0x1  }
0x6bf: {  	(erf) = vrcp.f32 v0;
	_ =	sdelay $0x2  }
0x6c0: {  	v40 =	vld [tilespmem:$0x75A0]  }
0x6c1: {  	v41 =	vld [tilespmem:$0x7620];
	_ =	sdelay $0x4  }
0x6c2: {  	v42 =	vpop (erf)  }
0x6c3: {  	[tilespmem:$0xC510] =	vst v42  }
0x6c4: {  	v0 =	vld.idx.msk [tilespmem:v40+s2+$0x0], $0xffff  }
0x6c5: {  	v1 =	vld.idx.msk [tilespmem:v41+s2+$0x0], $0xffff;
	_ =	sdelay $0x1  }
0x6c6: {  	v43 =	vld [tilespmem:$0x9DA0];
	_ =	sdelay $0x2  }
0x6c7: {  	v0 =	vadd.f32 v1, v0;
	_ =	sdelay $0x1  }
0x6c8: {  	v0 =	vadd.f32 v43, v0;
	_ =	sdelay $0x1  }
0x6c9: {  	v0 =	vsub.f32 $0.0e+00, v0;
	_ =	sdelay $0x1  }
0x6ca: {  	v0 =	vmul.f32 $1.442695020e+00, v0;
	_ =	sdelay $0x1  }
0x6cb: {  	(erf) = vpow2.f32 v0;
	_ =	sdelay $0x8  }
0x6cc: {  	v0 =	vpop (erf)  }
0x6cd: {  	v0 =	vadd.f32 $1.000000000e+00, v0;
	_ =	sdelay $0x1  }
0x6ce: {  	(erf) = vrcp.f32 v0;
	_ =	sdelay $0x2  }
0x6cf: {  	v44 =	vld [tilespmem:$0x75B0]  }
0x6d0: {  	v45 =	vld [tilespmem:$0x7630];
	_ =	sdelay $0x4  }
0x6d1: {  	v46 =	vpop (erf)  }
0x6d2: {  	[tilespmem:$0xC520] =	vst v46  }
0x6d3: {  	v0 =	vld.idx.msk [tilespmem:v44+s2+$0x0], $0xffff  }
0x6d4: {  	v1 =	vld.idx.msk [tilespmem:v45+s2+$0x0], $0xffff;
	_ =	sdelay $0x1  }
0x6d5: {  	v47 =	vld [tilespmem:$0x9DB0];
	_ =	sdelay $0x2  }
0x6d6: {  	v0 =	vadd.f32 v1, v0;
	_ =	sdelay $0x1  }
0x6d7: {  	v0 =	vadd.f32 v47, v0;
	_ =	sdelay $0x1  }
0x6d8: {  	v0 =	vsub.f32 $0.0e+00, v0;
	_ =	sdelay $0x1  }
0x6d9: {  	v0 =	vmul.f32 $1.442695020e+00, v0;
	_ =	sdelay $0x1  }
0x6da: {  	(erf) = vpow2.f32 v0;
	_ =	sdelay $0x8  }
0x6db: {  	v0 =	vpop (erf)  }
0x6dc: {  	v0 =	vadd.f32 $1.000000000e+00, v0;
	_ =	sdelay $0x1  }
0x6dd: {  	(erf) = vrcp.f32 v0;
	_ =	sdelay $0x2  }
0x6de: {  	v48 =	vld [tilespmem:$0x75C0]  }
0x6df: {  	v49 =	vld [tilespmem:$0x7640];
	_ =	sdelay $0x4  }
0x6e0: {  	v50 =	vpop (erf)  }
0x6e1: {  	[tilespmem:$0xC530] =	vst v50  }
0x6e2: {  	v0 =	vld.idx.msk [tilespmem:v48+s2+$0x0], $0xffff  }
0x6e3: {  	v1 =	vld.idx.msk [tilespmem:v49+s2+$0x0], $0xffff;
	_ =	sdelay $0x1  }
0x6e4: {  	v51 =	vld [tilespmem:$0x9DC0];
	_ =	sdelay $0x2  }
0x6e5: {  	v0 =	vadd.f32 v1, v0;
	_ =	sdelay $0x1  }
0x6e6: {  	v0 =	vadd.f32 v51, v0;
	_ =	sdelay $0x1  }
0x6e7: {  	v0 =	vsub.f32 $0.0e+00, v0;
	_ =	sdelay $0x1  }
0x6e8: {  	v0 =	vmul.f32 $1.442695020e+00, v0;
	_ =	sdelay $0x1  }
0x6e9: {  	(erf) = vpow2.f32 v0;
	_ =	sdelay $0x8  }
0x6ea: {  	v0 =	vpop (erf)  }
0x6eb: {  	v0 =	vadd.f32 $1.000000000e+00, v0;
	_ =	sdelay $0x1  }
0x6ec: {  	(erf) = vrcp.f32 v0;
	_ =	sdelay $0x2  }
0x6ed: {  	v52 =	vld [tilespmem:$0x75D0]  }
0x6ee: {  	v53 =	vld [tilespmem:$0x7650];
	_ =	sdelay $0x4  }
0x6ef: {  	v54 =	vpop (erf)  }
0x6f0: {  	[tilespmem:$0xC540] =	vst v54  }
0x6f1: {  	v0 =	vld.idx.msk [tilespmem:v52+s2+$0x0], $0xffff  }
0x6f2: {  	v1 =	vld.idx.msk [tilespmem:v53+s2+$0x0], $0xffff;
	_ =	sdelay $0x1  }
0x6f3: {  	v55 =	vld [tilespmem:$0x9DD0];
	_ =	sdelay $0x2  }
0x6f4: {  	v0 =	vadd.f32 v1, v0;
	_ =	sdelay $0x1  }
0x6f5: {  	v0 =	vadd.f32 v55, v0;
	_ =	sdelay $0x1  }
0x6f6: {  	v0 =	vsub.f32 $0.0e+00, v0;
	_ =	sdelay $0x1  }
0x6f7: {  	v0 =	vmul.f32 $1.442695020e+00, v0;
	_ =	sdelay $0x1  }
0x6f8: {  	(erf) = vpow2.f32 v0;
	_ =	sdelay $0x8  }
0x6f9: {  	v0 =	vpop (erf)  }
0x6fa: {  	v0 =	vadd.f32 $1.000000000e+00, v0;
	_ =	sdelay $0x1  }
0x6fb: {  	(erf) = vrcp.f32 v0;
	_ =	sdelay $0x2  }
0x6fc: {  	v56 =	vld [tilespmem:$0x75E0]  }
0x6fd: {  	v57 =	vld [tilespmem:$0x7660];
	_ =	sdelay $0x4  }
0x6fe: {  	v58 =	vpop (erf)  }
0x6ff: {  	[tilespmem:$0xC550] =	vst v58  }
0x700: {  	v0 =	vld.idx.msk [tilespmem:v56+s2+$0x0], $0xffff  }
0x701: {  	v1 =	vld.idx.msk [tilespmem:v57+s2+$0x0], $0xffff;
	_ =	sdelay $0x1  }
0x702: {  	v59 =	vld [tilespmem:$0x9DE0];
	_ =	sdelay $0x2  }
0x703: {  	v0 =	vadd.f32 v1, v0;
	_ =	sdelay $0x1  }
0x704: {  	v0 =	vadd.f32 v59, v0;
	_ =	sdelay $0x1  }
0x705: {  	v0 =	vsub.f32 $0.0e+00, v0;
	_ =	sdelay $0x1  }
0x706: {  	v0 =	vmul.f32 $1.442695020e+00, v0;
	_ =	sdelay $0x1  }
0x707: {  	(erf) = vpow2.f32 v0;
	_ =	sdelay $0x8  }
0x708: {  	v0 =	vpop (erf)  }
0x709: {  	v0 =	vadd.f32 $1.000000000e+00, v0;
	_ =	sdelay $0x1  }
0x70a: {  	(erf) = vrcp.f32 v0;
	_ =	sdelay $0x2  }
0x70b: {  	v60 =	vld [tilespmem:$0x75F0]  }
0x70c: {  	v61 =	vld [tilespmem:$0x7670];
	_ =	sdelay $0x4  }
0x70d: {  	v62 =	vpop (erf)  }
0x70e: {  	[tilespmem:$0xC560] =	vst v62  }
0x70f: {  	v0 =	vld.idx.msk [tilespmem:v60+s2+$0x0], $0xffff  }
0x710: {  	v1 =	vld.idx.msk [tilespmem:v61+s2+$0x0], $0xffff;
	_ =	sdelay $0x1  }
0x711: {  	v63 =	vld [tilespmem:$0x9DF0];
	_ =	sdelay $0x2  }
0x712: {  	v0 =	vadd.f32 v1, v0;
	_ =	sdelay $0x1  }
0x713: {  	v0 =	vadd.f32 v63, v0;
	_ =	sdelay $0x1  }
0x714: {  	v0 =	vsub.f32 $0.0e+00, v0;
	_ =	sdelay $0x1  }
0x715: {  	v0 =	vmul.f32 $1.442695020e+00, v0;
	_ =	sdelay $0x1  }
0x716: {  	(erf) = vpow2.f32 v0;
	_ =	sdelay $0x8  }
0x717: {  	v0 =	vpop (erf)  }
0x718: {  	v0 =	vadd.f32 $1.000000000e+00, v0;
	_ =	sdelay $0x1  }
0x719: {  	(erf) = vrcp.f32 v0;
	_ =	sdelay $0x8  }
0x71a: {  	v0 =	vpop (erf)  }
.Ltmp6:
0x71b: {  	s31 =	simm.s32 $0x9E00;
	[tilespmem:$0xC570] =	vst v0;
	(pc) =	sbr.rel .LBB2_8-.Ltmp6, $4  }
0x71c: {  	[hbm4b:s6+s2] =	stream.linear.scatter [tilespmem:s31], [sflag:$0x2], $0x2780, $0x38;
	[tilespmem:$0xC580] =	vst v63  }
0x71d: {  	_ =	swait.ge [sflag:s15], $0x2780  }
0x71e: {  	[sflag:s15] =	ssyncset.done $0x0  }
0x71f: {  	[sflag:s15] =	ssyncadd.s32 $0xFFFFD880  }
.LBB2_9:
0x720: {  	_ =	sfence.sel $0x180000  }
0x721: {  	[bflag:$0x0] =	sbarrier.arrive $0xFFFF  }
0x722: {  	_ =	strace $0x90000047  }
0x723: {  	s0 =	stileid.u32;
	[bflag:$0x2] =	sbarrier.arrive $0xFFFF  }
0x724: {  	p0 =	sne.s32 s0, $0x0;
	s0 =	rddreg [dreg:$0x3]  }
0x725: {  	s0 =	sadd.s32 @!p0 $0x100000, s0  }
0x726: {  	[sflag:s0] =	ssyncadd.tile.s32 @!p0 $0x1;
	_ =	shalt  }
.Lfunc_end2:
_tile_overlayer_lowered:
.L_overlay_start_2:
0x727: {  	(tag) =	ssettag $0x2  }
0x728: {  	s0 =	rddreg [dreg:$0x0];
	s2 =	stileid.u32  }
0x729: {  	s1 =	rddreg [dreg:$0x1];
	p0 =	sne.s32 s2, $0x0  }
0x72a: {  	s3 =	rddreg [dreg:$0x2];
	[bflag:$0x3] =	sbarrier.arrive $0xFFFF;
	s2 =	simm.s32 @!p0 $0x1C02  }
0x72b: {  	[timem:s3], [sflag:s2] =	dma.local @!p0 [hbm:s0], s1  }
0x72c: {  	s0 =	simm.s32 @!p0 $0x2  }
0x72d: {  	_ =	swait.ge @!p0 [sflag:s0], s1  }
0x72e: {  	s1 =	ssub.s32 @!p0 $0x0, s1;
	[sflag:s0] =	ssyncset.done @!p0 $0x0  }
0x72f: {  	[sflag:s0] =	ssyncadd.s32 @!p0 s1  }
0x730: {  	[bflag:$0x3] =	sbarrier.arrive $0xFFFF  }
0x731: {  	_ =	shalt  }

</sc_bundles>
